<compile_context>
chip_gen: v7x
topology: tpu7x:2x2x1
jax: 0.10.2.dev20260603
libtpu: 0.0.44.dev20260713+nightly
codegen_flags: <defaults>
</compile_context>

<pallas_src>
import functools

import jax
import jax.numpy as jnp
from jax import lax
from jax.experimental import pallas as pl
from jax.experimental.pallas import tpu as pltpu
from jax.experimental.pallas import tpu_sc as plsc

_B, _N, _R = 4096, 1024, 4096
_LF = 1.0 / (0.01 * 1.0e6)
_AG = _LF / 2.0
_RB = 4


def _build(B, N, R):
    info = plsc.get_sparse_core_info()
    NC, NS, L = info.num_cores, info.num_subcores, info.num_lanes
    NW = NC * NS
    rows_per = B // NW
    G = rows_per // _RB
    mesh = plsc.VectorSubcoreMesh(core_axis_name="c", subcore_axis_name="s")

    @functools.partial(
        pl.kernel,
        out_type=jax.ShapeDtypeStruct((B, 2 * R), jnp.float32),
        mesh=mesh,
        compiler_params=pltpu.CompilerParams(needs_layout_passes=False),
        scratch_types=[
            pltpu.VMEM((R,), jnp.int32),
            pltpu.VMEM((N,), jnp.int32),
            pltpu.VMEM((N,), jnp.float32),
            pltpu.VMEM((rows_per,), jnp.float32),
            pltpu.VMEM((rows_per,), jnp.float32),
            pltpu.VMEM((rows_per,), jnp.float32),
            pltpu.VMEM((rows_per,), jnp.float32),
            pltpu.VMEM((rows_per, 4), jnp.float32),
            pltpu.VMEM((_RB, N), jnp.float32),
            pltpu.VMEM((_RB, N), jnp.float32),
            pltpu.VMEM((_RB, N), jnp.float32),
            pltpu.VMEM((_RB, N), jnp.float32),
            pltpu.VMEM((_RB, 2 * R), jnp.float32),
            pltpu.VMEM((_RB, 2 * R), jnp.float32),
            pltpu.SemaphoreType.DMA,
            pltpu.SemaphoreType.DMA,
            pltpu.SemaphoreType.DMA,
            pltpu.SemaphoreType.DMA,
            pltpu.SemaphoreType.DMA,
            pltpu.SemaphoreType.DMA,
        ],
    )
    def run(rh_hbm, yin_hbm, sc4_hbm, mask_hbm, inds_hbm,
            out_hbm,
            inds_v, maski_v, mask_v, scale_v, add_v, pre_v, c2_v,
            sc4_v,
            rhb0, rhb1, yib0, yib1, outb0, outb1,
            s_rh0, s_rh1, s_yi0, s_yi1, s_out0, s_out1):
        rhb = (rhb0, rhb1)
        yib = (yib0, yib1)
        outb = (outb0, outb1)
        s_rh = (s_rh0, s_rh1)
        s_yi = (s_yi0, s_yi1)
        s_out = (s_out0, s_out1)

        wid = lax.axis_index("s") * NC + lax.axis_index("c")
        base = wid * rows_per

        pltpu.sync_copy(inds_hbm, inds_v)
        pltpu.sync_copy(mask_hbm, maski_v)
        pltpu.sync_copy(sc4_hbm.at[pl.ds(base, rows_per), :], sc4_v)

        def mask_cast(c, _):
            sl = pl.ds(c * L, L)
            mask_v[sl] = maski_v[sl].astype(jnp.float32)
            return 0

        lax.fori_loop(0, N // L, mask_cast, 0, unroll=False)

        lane_iota = lax.iota(jnp.int32, L)
        zv = jnp.zeros((L,), jnp.int32)

        def prep(c, _):
            sl = pl.ds(c * L, L)
            cidx = lane_iota + c * L
            ys = plsc.load_gather(sc4_v, [cidx, zv])
            ym = plsc.load_gather(sc4_v, [cidx, zv + 1])
            dg = plsc.load_gather(sc4_v, [cidx, zv + 2])
            dl = plsc.load_gather(sc4_v, [cidx, zv + 3])
            scale = 1.0 / jnp.maximum(ym * _LF, 1.0)
            scale_v[sl] = scale
            add_v[sl] = dl / jnp.maximum(ys, ym)
            pre_v[sl] = dg * _AG
            c2_v[sl] = scale / ys
            return 0

        lax.fori_loop(0, rows_per // L, prep, 0, unroll=False)

        def start_in(g, b):
            row0 = base + g * _RB
            pltpu.async_copy(rh_hbm.at[pl.ds(row0, _RB), :], rhb[b], s_rh[b])
            pltpu.async_copy(yin_hbm.at[pl.ds(row0, _RB), :], yib[b], s_yi[b])

        def wait_in(b):
            pltpu.make_async_copy(rh_hbm.at[pl.ds(0, _RB), :], rhb[b], s_rh[b]).wait()
            pltpu.make_async_copy(yin_hbm.at[pl.ds(0, _RB), :], yib[b], s_yi[b]).wait()

        def wait_out(b):
            pltpu.make_async_copy(outb[b], out_hbm.at[pl.ds(0, _RB), :], s_out[b]).wait()

        def compute_block(g, b):
            rb, yb, ob = rhb[b], yib[b], outb[b]
            scs, ads, s2ms = [], [], []
            for r in range(_RB):
                i = g * _RB + r
                iv = jnp.full((L,), 0, jnp.int32) + i
                sc = plsc.load_gather(scale_v, [iv])
                ad = plsc.load_gather(add_v, [iv])
                pr = plsc.load_gather(pre_v, [iv])
                c2 = plsc.load_gather(c2_v, [iv])

                def dot_body(j, acc, r=r):
                    sl = pl.ds(j * L, L)
                    return acc + rb[r, sl] * yb[r, sl] * mask_v[sl]

                acc = lax.fori_loop(0, N // L, dot_body,
                                    jnp.zeros((L,), jnp.float32), unroll=4)
                s2ms.append(pr + c2 * jnp.sum(acc))
                scs.append(sc)
                ads.append(ad)

            rsplat = [jnp.full((L,), r, jnp.int32) for r in range(_RB)]

            @plsc.parallel_loop(0, R // L, unroll=8)
            def g_body(j):
                sl = pl.ds(j * L, L)
                sl2 = pl.ds(R + j * L, L)
                idx = inds_v[sl]
                for r in range(_RB):
                    gv = plsc.load_gather(rb, [rsplat[r], idx])
                    ob[r, sl] = gv * scs[r] + ads[r]
                    ob[r, sl2] = s2ms[r]

        start_in(0, 0)

        def pair(k, _):
            for b in range(2):
                g = 2 * k + b

                @pl.when(g + 1 < G)
                def _():
                    start_in(g + 1, 1 - b)

                wait_in(b)

                @pl.when(g >= 2)
                def _():
                    wait_out(b)

                compute_block(g, b)
                row0 = base + g * _RB
                pltpu.async_copy(outb[b], out_hbm.at[pl.ds(row0, _RB), :], s_out[b])
            return 0

        lax.fori_loop(0, G // 2, pair, 0, unroll=False)
        wait_out(0)
        wait_out(1)

    return run


def kernel(rate_hopping, y_in, y_surf, y_mant, dy_surf_gain, dy_surf_loss,
           inds_mant, inds_r0):
    B, N = rate_hopping.shape
    R = inds_r0.shape[0]
    run = _build(B, N, R)
    sc4 = jnp.concatenate([y_surf, y_mant, dy_surf_gain, dy_surf_loss], axis=1)
    return run(
        rate_hopping,
        y_in,
        sc4,
        inds_mant,
        inds_r0,
    )

# --- scband reference (transcript-rebuilt; emitter-appended) ---
"""Pipeline reference for scband-surface-mantle-transition-66391604462516 (READ-ONLY COPY).

The authoritative reference and input builder live on the scoring server;
editing this copy changes nothing except your own understanding.
"""

import jax, jax.numpy as jnp
import numpy as np

B = 4096
N = 1024
R = 4096
LAYER_FACTOR = 1.0 / (0.01 * 1.0e6)
ALPHA_GAIN = LAYER_FACTOR / 2.0


def setup_inputs(seed: int = 0) -> dict:
    key = jax.random.key(seed)
    ks = jax.random.split(key, 8)
    rate_hopping = jax.random.uniform(ks[0], (B, N), dtype=jnp.float32)
    y_in = jax.random.uniform(ks[1], (B, N), dtype=jnp.float32)
    inds_mant = jax.random.randint(ks[2], (N,), 0, 2, dtype=jnp.int32)
    y_surf = jax.random.uniform(ks[3], (B, 1), dtype=jnp.float32, minval=0.1, maxval=1.0)
    y_mant = jax.random.uniform(ks[4], (B, 1), dtype=jnp.float32, minval=0.1, maxval=1.0)
    dy_surf_gain = jax.random.uniform(ks[5], (B, 1), dtype=jnp.float32)
    dy_surf_loss = jax.random.uniform(ks[6], (B, 1), dtype=jnp.float32)
    inds_r0 = jax.random.randint(ks[7], (R,), 0, N, dtype=jnp.int32)
    return {
        'rate_hopping': rate_hopping,
        'y_in': y_in,
        'y_surf': y_surf,
        'y_mant': y_mant,
        'dy_surf_gain': dy_surf_gain,
        'dy_surf_loss': dy_surf_loss,
        'inds_mant': inds_mant,
        'inds_r0': inds_r0,
    }


def reference(rate_hopping, y_in, y_surf, y_mant, dy_surf_gain, dy_surf_loss, inds_mant, inds_r0):
    n_layer_mant = y_mant * LAYER_FACTOR
    k_swap_mant = rate_hopping / jnp.maximum(n_layer_mant, 1.0)
    rates_m2s = k_swap_mant[:, inds_r0] + dy_surf_loss / jnp.maximum(y_surf, y_mant)
    k_swap_surf = k_swap_mant * y_in * inds_mant.astype(y_in.dtype) / y_surf
    k_swap_surf = jnp.sum(k_swap_surf, axis=-1, keepdims=True)
    rates_s2m = dy_surf_gain * ALPHA_GAIN + k_swap_surf
    rates_s2m = jnp.tile(rates_s2m, (1, rates_m2s.shape[1]))
    return jnp.concatenate([rates_m2s, rates_s2m], axis=-1)

if __name__ == "__main__":
    import jax
    _d = setup_inputs()
    print(jax.jit(kernel)(*tuple(_d.values())))

</pallas_src>

<mosaic_0001>
#map = affine_map<(d0, d1) -> (0, 0)>
#map1 = affine_map<(d0, d1) -> (0)>
module attributes {stable_mosaic.version = 14 : i64} {
  func.func @run(%arg0: i32, %arg1: i32, %arg2: memref<4096x1024xf32, #tpu.memory_space<hbm>>, %arg3: memref<4096x1024xf32, #tpu.memory_space<hbm>>, %arg4: memref<4096x4xf32, #tpu.memory_space<hbm>>, %arg5: memref<1024xi32, #tpu.memory_space<hbm>>, %arg6: memref<4096xi32, #tpu.memory_space<hbm>>, %arg7: memref<4096x8192xf32, #tpu.memory_space<hbm>>, %arg8: memref<4096xi32, #tpu.memory_space<vmem>>, %arg9: memref<1024xi32, #tpu.memory_space<vmem>>, %arg10: memref<1024xf32, #tpu.memory_space<vmem>>, %arg11: memref<128xf32, #tpu.memory_space<vmem>>, %arg12: memref<128xf32, #tpu.memory_space<vmem>>, %arg13: memref<128xf32, #tpu.memory_space<vmem>>, %arg14: memref<128xf32, #tpu.memory_space<vmem>>, %arg15: memref<128x4xf32, #tpu.memory_space<vmem>>, %arg16: memref<4x1024xf32, #tpu.memory_space<vmem>>, %arg17: memref<4x1024xf32, #tpu.memory_space<vmem>>, %arg18: memref<4x1024xf32, #tpu.memory_space<vmem>>, %arg19: memref<4x1024xf32, #tpu.memory_space<vmem>>, %arg20: memref<4x8192xf32, #tpu.memory_space<vmem>>, %arg21: memref<4x8192xf32, #tpu.memory_space<vmem>>, %arg22: memref<!tpu.dma_semaphore, #tpu.memory_space<semaphore_mem>>, %arg23: memref<!tpu.dma_semaphore, #tpu.memory_space<semaphore_mem>>, %arg24: memref<!tpu.dma_semaphore, #tpu.memory_space<semaphore_mem>>, %arg25: memref<!tpu.dma_semaphore, #tpu.memory_space<semaphore_mem>>, %arg26: memref<!tpu.dma_semaphore, #tpu.memory_space<semaphore_mem>>, %arg27: memref<!tpu.dma_semaphore, #tpu.memory_space<semaphore_mem>>) attributes {dimension_semantics = [#tpu.dimension_semantics<core_parallel>, #tpu.dimension_semantics<subcore_parallel>], iteration_bounds = array<i64: 2, 16>, scalar_prefetch = 0 : i64, scratch_operands = 20 : i64, tpu.core_type = #tpu.core_type<sc_vector_subcore>, window_params = [{transform_indices = #map}, {transform_indices = #map}, {transform_indices = #map}, {transform_indices = #map1}, {transform_indices = #map1}, {transform_indices = #map}]} {
    %mul3A = arith.constant 2 : i32
    %mul3A_0 = arith.muli %arg1, %mul3A : i32
    %add3A = arith.addi %mul3A_0, %arg0 : i32
    %mul3A_1 = arith.constant 128 : i32
    %mul3A_2 = arith.muli %add3A, %mul3A_1 : i32
    "tpu.region"() ({
      %run_scoped3A = tpu.sem_alloc : memref<!tpu.dma_semaphore, #tpu.memory_space<semaphore_mem>>
      tpu.enqueue_dma source(%arg6 : memref<4096xi32, #tpu.memory_space<hbm>>) target(%arg8 : memref<4096xi32, #tpu.memory_space<vmem>>) target_semaphore(%run_scoped3A : memref<!tpu.dma_semaphore, #tpu.memory_space<semaphore_mem>>)
      tpu.wait_dma2 semaphore(%run_scoped3A : memref<!tpu.dma_semaphore, #tpu.memory_space<semaphore_mem>>) src(%arg6 : memref<4096xi32, #tpu.memory_space<hbm>>) dst(%arg8 : memref<4096xi32, #tpu.memory_space<vmem>>)
      tpu.yield
    }) : () -> ()
    "tpu.region"() ({
      %run_scoped3A = tpu.sem_alloc : memref<!tpu.dma_semaphore, #tpu.memory_space<semaphore_mem>>
      tpu.enqueue_dma source(%arg5 : memref<1024xi32, #tpu.memory_space<hbm>>) target(%arg9 : memref<1024xi32, #tpu.memory_space<vmem>>) target_semaphore(%run_scoped3A : memref<!tpu.dma_semaphore, #tpu.memory_space<semaphore_mem>>)
      tpu.wait_dma2 semaphore(%run_scoped3A : memref<!tpu.dma_semaphore, #tpu.memory_space<semaphore_mem>>) src(%arg5 : memref<1024xi32, #tpu.memory_space<hbm>>) dst(%arg9 : memref<1024xi32, #tpu.memory_space<vmem>>)
      tpu.yield
    }) : () -> ()
    "tpu.region"() ({
      %run_scoped3A = tpu.sem_alloc : memref<!tpu.dma_semaphore, #tpu.memory_space<semaphore_mem>>
      %dma_start3A_44 = arith.constant 0 : i32
      %dma_start3A_45 = tpu.memref_slice %arg4[%mul3A_2, %dma_start3A_44] : memref<4096x4xf32, #tpu.memory_space<hbm>> -> memref<128x4xf32, #tpu.memory_space<hbm>>
      %dma_start3A_46 = arith.constant 0 : i32
      %dma_start3A_47 = tpu.memref_slice %arg4[%mul3A_2, %dma_start3A_46] : memref<4096x4xf32, #tpu.memory_space<hbm>> -> memref<128x4xf32, #tpu.memory_space<hbm>>
      tpu.enqueue_dma source(%dma_start3A_47 : memref<128x4xf32, #tpu.memory_space<hbm>>) target(%arg15 : memref<128x4xf32, #tpu.memory_space<vmem>>) target_semaphore(%run_scoped3A : memref<!tpu.dma_semaphore, #tpu.memory_space<semaphore_mem>>)
      %dma_wait3A_48 = arith.constant 0 : i32
      %dma_wait3A_49 = tpu.memref_slice %arg4[%mul3A_2, %dma_wait3A_48] : memref<4096x4xf32, #tpu.memory_space<hbm>> -> memref<128x4xf32, #tpu.memory_space<hbm>>
      %dma_wait3A_50 = arith.constant 0 : i32
      %dma_wait3A_51 = tpu.memref_slice %arg4[%mul3A_2, %dma_wait3A_50] : memref<4096x4xf32, #tpu.memory_space<hbm>> -> memref<128x4xf32, #tpu.memory_space<hbm>>
      tpu.wait_dma2 semaphore(%run_scoped3A : memref<!tpu.dma_semaphore, #tpu.memory_space<semaphore_mem>>) src(%dma_wait3A_51 : memref<128x4xf32, #tpu.memory_space<hbm>>) dst(%arg15 : memref<128x4xf32, #tpu.memory_space<vmem>>)
      tpu.yield
    }) : () -> ()
    %scan3A = arith.constant 0 : i32
    %scan3A_3 = arith.constant 0 : i32
    %scan3A_4 = arith.constant 64 : i32
    %scan3A_5 = arith.addi %scan3A_3, %scan3A_4 : i32
    %scan3A_6 = arith.constant 1 : i32
    %scan3A_7 = scf.for %scan3A_44 = %scan3A_3 to %scan3A_5 step %scan3A_6 iter_args(%scan3A_45 = %scan3A) -> (i32)  : i32 {
      %mul3A_46 = arith.constant 16 : i32
      %mul3A_47 = arith.muli %scan3A_44, %mul3A_46 : i32
      %get3A = arith.index_cast %mul3A_47 : i32 to index
      %get3A_48 = tpu.vector_load %arg9[%get3A] {strides = array<i32>} : memref<1024xi32, #tpu.memory_space<vmem>>, vector<16xi32>,
      %convert_element_type3A = arith.sitofp %get3A_48 : vector<16xi32> to vector<16xf32>
      %swap3A = arith.index_cast %mul3A_47 : i32 to index
      %swap3A_49 = tpu.vector_load %arg10[%swap3A] {strides = array<i32>} : memref<1024xf32, #tpu.memory_space<vmem>>, vector<16xf32>,
      tpu.vector_store %arg10[%swap3A], %convert_element_type3A {strides = array<i32>} : memref<1024xf32, #tpu.memory_space<vmem>>, vector<16xf32>,
      %scan3A_50 = arith.constant 0 : i32
      scf.yield %scan3A_50 : i32
    }
    %scan3A_8 = arith.constant 64 : i32
    %iota3A = tpu.iota {dimensions = array<i32: 0>} : vector<16xi32>
    %broadcast_in_dim3A = arith.constant 0 : i32
    %broadcast_in_dim3A_9 = vector.broadcast %broadcast_in_dim3A : i32 to vector<16xi32>
    %scan3A_10 = arith.constant 0 : i32
    %scan3A_11 = arith.constant 0 : i32
    %scan3A_12 = arith.constant 8 : i32
    %scan3A_13 = arith.addi %scan3A_11, %scan3A_12 : i32
    %scan3A_14 = arith.constant 1 : i32
    %scan3A_15 = scf.for %scan3A_44 = %scan3A_11 to %scan3A_13 step %scan3A_14 iter_args(%scan3A_45 = %scan3A_10) -> (i32)  : i32 {
      %mul3A_46 = arith.constant 16 : i32
      %mul3A_47 = arith.muli %scan3A_44, %mul3A_46 : i32
      %mul3A_48 = arith.constant 16 : i32
      %mul3A_49 = arith.muli %scan3A_44, %mul3A_48 : i32
      %add3A_50 = vector.broadcast %mul3A_49 : i32 to vector<16xi32>
      %add3A_51 = arith.addi %iota3A, %add3A_50 : vector<16xi32>
      %gather3A = tpu.vector_load_idx %arg15[%add3A_51, %broadcast_in_dim3A_9] : memref<128x4xf32, #tpu.memory_space<vmem>>[vector<16xi32>, vector<16xi32>], vector<16xf32>,
      %add3A_52 = arith.constant 1 : i32
      %add3A_53 = vector.broadcast %add3A_52 : i32 to vector<16xi32>
      %add3A_54 = arith.addi %broadcast_in_dim3A_9, %add3A_53 : vector<16xi32>
      %gather3A_55 = tpu.vector_load_idx %arg15[%add3A_51, %add3A_54] : memref<128x4xf32, #tpu.memory_space<vmem>>[vector<16xi32>, vector<16xi32>], vector<16xf32>,
      %add3A_56 = arith.constant 2 : i32
      %add3A_57 = vector.broadcast %add3A_56 : i32 to vector<16xi32>
      %add3A_58 = arith.addi %broadcast_in_dim3A_9, %add3A_57 : vector<16xi32>
      %gather3A_59 = tpu.vector_load_idx %arg15[%add3A_51, %add3A_58] : memref<128x4xf32, #tpu.memory_space<vmem>>[vector<16xi32>, vector<16xi32>], vector<16xf32>,
      %add3A_60 = arith.constant 3 : i32
      %add3A_61 = vector.broadcast %add3A_60 : i32 to vector<16xi32>
      %add3A_62 = arith.addi %broadcast_in_dim3A_9, %add3A_61 : vector<16xi32>
      %gather3A_63 = tpu.vector_load_idx %arg15[%add3A_51, %add3A_62] : memref<128x4xf32, #tpu.memory_space<vmem>>[vector<16xi32>, vector<16xi32>], vector<16xf32>,
      %mul3A_64 = arith.constant 9.99999974E-5 : f32
      %mul3A_65 = vector.broadcast %mul3A_64 : f32 to vector<16xf32>
      %mul3A_66 = arith.mulf %gather3A_55, %mul3A_65 : vector<16xf32>
      %max3A = arith.constant 1.000000e+00 : f32
      %max3A_67 = vector.broadcast %max3A : f32 to vector<16xf32>
      %max3A_68 = arith.maximumf %mul3A_66, %max3A_67 : vector<16xf32>
      %div3A = arith.constant 1.000000e+00 : f32
      %div3A_69 = vector.broadcast %div3A : f32 to vector<16xf32>
      %div3A_70 = arith.divf %div3A_69, %max3A_68 : vector<16xf32>
      %swap3A = arith.index_cast %mul3A_47 : i32 to index
      %swap3A_71 = tpu.vector_load %arg11[%swap3A] {strides = array<i32>} : memref<128xf32, #tpu.memory_space<vmem>>, vector<16xf32>,
      tpu.vector_store %arg11[%swap3A], %div3A_70 {strides = array<i32>} : memref<128xf32, #tpu.memory_space<vmem>>, vector<16xf32>,
      %max3A_72 = arith.maximumf %gather3A, %gather3A_55 : vector<16xf32>
      %div3A_73 = arith.divf %gather3A_63, %max3A_72 : vector<16xf32>
      %swap3A_74 = arith.index_cast %mul3A_47 : i32 to index
      %swap3A_75 = tpu.vector_load %arg12[%swap3A_74] {strides = array<i32>} : memref<128xf32, #tpu.memory_space<vmem>>, vector<16xf32>,
      tpu.vector_store %arg12[%swap3A_74], %div3A_73 {strides = array<i32>} : memref<128xf32, #tpu.memory_space<vmem>>, vector<16xf32>,
      %mul3A_76 = arith.constant 5.000000e-05 : f32
      %mul3A_77 = vector.broadcast %mul3A_76 : f32 to vector<16xf32>
      %mul3A_78 = arith.mulf %gather3A_59, %mul3A_77 : vector<16xf32>
      %swap3A_79 = arith.index_cast %mul3A_47 : i32 to index
      %swap3A_80 = tpu.vector_load %arg13[%swap3A_79] {strides = array<i32>} : memref<128xf32, #tpu.memory_space<vmem>>, vector<16xf32>,
      tpu.vector_store %arg13[%swap3A_79], %mul3A_78 {strides = array<i32>} : memref<128xf32, #tpu.memory_space<vmem>>, vector<16xf32>,
      %div3A_81 = arith.divf %div3A_70, %gather3A : vector<16xf32>
      %swap3A_82 = arith.index_cast %mul3A_47 : i32 to index
      %swap3A_83 = tpu.vector_load %arg14[%swap3A_82] {strides = array<i32>} : memref<128xf32, #tpu.memory_space<vmem>>, vector<16xf32>,
      tpu.vector_store %arg14[%swap3A_82], %div3A_81 {strides = array<i32>} : memref<128xf32, #tpu.memory_space<vmem>>, vector<16xf32>,
      %scan3A_84 = arith.constant 0 : i32
      scf.yield %scan3A_84 : i32
    }
    %scan3A_16 = arith.constant 8 : i32
    %add3A_17 = arith.constant 0 : i32
    %add3A_18 = arith.addi %mul3A_2, %add3A_17 : i32
    %dma_start3A = arith.constant 0 : i32
    %dma_start3A_19 = tpu.memref_slice %arg2[%add3A_18, %dma_start3A] : memref<4096x1024xf32, #tpu.memory_space<hbm>> -> memref<4x1024xf32, #tpu.memory_space<hbm>>
    %dma_start3A_20 = arith.constant 0 : i32
    %dma_start3A_21 = tpu.memref_slice %arg2[%add3A_18, %dma_start3A_20] : memref<4096x1024xf32, #tpu.memory_space<hbm>> -> memref<4x1024xf32, #tpu.memory_space<hbm>>
    tpu.enqueue_dma source(%dma_start3A_21 : memref<4x1024xf32, #tpu.memory_space<hbm>>) target(%arg16 : memref<4x1024xf32, #tpu.memory_space<vmem>>) target_semaphore(%arg22 : memref<!tpu.dma_semaphore, #tpu.memory_space<semaphore_mem>>)
    %dma_start3A_22 = arith.constant 0 : i32
    %dma_start3A_23 = tpu.memref_slice %arg3[%add3A_18, %dma_start3A_22] : memref<4096x1024xf32, #tpu.memory_space<hbm>> -> memref<4x1024xf32, #tpu.memory_space<hbm>>
    %dma_start3A_24 = arith.constant 0 : i32
    %dma_start3A_25 = tpu.memref_slice %arg3[%add3A_18, %dma_start3A_24] : memref<4096x1024xf32, #tpu.memory_space<hbm>> -> memref<4x1024xf32, #tpu.memory_space<hbm>>
    tpu.enqueue_dma source(%dma_start3A_25 : memref<4x1024xf32, #tpu.memory_space<hbm>>) target(%arg18 : memref<4x1024xf32, #tpu.memory_space<vmem>>) target_semaphore(%arg24 : memref<!tpu.dma_semaphore, #tpu.memory_space<semaphore_mem>>)
    %scan3A_26 = arith.constant 0 : i32
    %scan3A_27 = arith.constant 0 : i32
    %scan3A_28 = arith.constant 16 : i32
    %scan3A_29 = arith.addi %scan3A_27, %scan3A_28 : i32
    %scan3A_30 = arith.constant 1 : i32
    %scan3A_31 = scf.for %scan3A_44 = %scan3A_27 to %scan3A_29 step %scan3A_30 iter_args(%scan3A_45 = %scan3A_26) -> (i32)  : i32 {
      %mul3A_46 = arith.constant 2 : i32
      %mul3A_47 = arith.muli %mul3A_46, %scan3A_44 : i32
      %add3A_48 = arith.constant 0 : i32
      %add3A_49 = arith.addi %mul3A_47, %add3A_48 : i32
      %add3A_50 = arith.constant 1 : i32
      %add3A_51 = arith.addi %add3A_49, %add3A_50 : i32
      %lt3A = arith.constant 32 : i32
      %lt3A_52 = arith.cmpi slt, %add3A_51, %lt3A : i32
      %convert_element_type3A = arith.extui %lt3A_52 : i1 to i32
      %cond3A = arith.constant 0 : i32
      %cond3A_53 = arith.cmpi ne, %convert_element_type3A, %cond3A : i32
      scf.if %cond3A_53 {
        %add3A_348 = arith.constant 1 : i32
        %add3A_349 = arith.addi %add3A_49, %add3A_348 : i32
        %mul3A_350 = arith.constant 4 : i32
        %mul3A_351 = arith.muli %add3A_349, %mul3A_350 : i32
        %add3A_352 = arith.addi %mul3A_2, %mul3A_351 : i32
        %dma_start3A_353 = arith.constant 0 : i32
        %dma_start3A_354 = tpu.memref_slice %arg2[%add3A_352, %dma_start3A_353] : memref<4096x1024xf32, #tpu.memory_space<hbm>> -> memref<4x1024xf32, #tpu.memory_space<hbm>>
        %dma_start3A_355 = arith.constant 0 : i32
        %dma_start3A_356 = tpu.memref_slice %arg2[%add3A_352, %dma_start3A_355] : memref<4096x1024xf32, #tpu.memory_space<hbm>> -> memref<4x1024xf32, #tpu.memory_space<hbm>>
        tpu.enqueue_dma source(%dma_start3A_356 : memref<4x1024xf32, #tpu.memory_space<hbm>>) target(%arg17 : memref<4x1024xf32, #tpu.memory_space<vmem>>) target_semaphore(%arg23 : memref<!tpu.dma_semaphore, #tpu.memory_space<semaphore_mem>>)
        %dma_start3A_357 = arith.constant 0 : i32
        %dma_start3A_358 = tpu.memref_slice %arg3[%add3A_352, %dma_start3A_357] : memref<4096x1024xf32, #tpu.memory_space<hbm>> -> memref<4x1024xf32, #tpu.memory_space<hbm>>
        %dma_start3A_359 = arith.constant 0 : i32
        %dma_start3A_360 = tpu.memref_slice %arg3[%add3A_352, %dma_start3A_359] : memref<4096x1024xf32, #tpu.memory_space<hbm>> -> memref<4x1024xf32, #tpu.memory_space<hbm>>
        tpu.enqueue_dma source(%dma_start3A_360 : memref<4x1024xf32, #tpu.memory_space<hbm>>) target(%arg19 : memref<4x1024xf32, #tpu.memory_space<vmem>>) target_semaphore(%arg25 : memref<!tpu.dma_semaphore, #tpu.memory_space<semaphore_mem>>)
      } else {
      }
      %dma_wait3A_54 = arith.constant 0 : i32
      %dma_wait3A_55 = arith.constant 0 : i32
      %dma_wait3A_56 = tpu.memref_slice %arg2[%dma_wait3A_54, %dma_wait3A_55] : memref<4096x1024xf32, #tpu.memory_space<hbm>> -> memref<4x1024xf32, #tpu.memory_space<hbm>>
      %dma_wait3A_57 = arith.constant 0 : i32
      %dma_wait3A_58 = arith.constant 0 : i32
      %dma_wait3A_59 = tpu.memref_slice %arg2[%dma_wait3A_57, %dma_wait3A_58] : memref<4096x1024xf32, #tpu.memory_space<hbm>> -> memref<4x1024xf32, #tpu.memory_space<hbm>>
      tpu.wait_dma2 semaphore(%arg22 : memref<!tpu.dma_semaphore, #tpu.memory_space<semaphore_mem>>) src(%dma_wait3A_59 : memref<4x1024xf32, #tpu.memory_space<hbm>>) dst(%arg16 : memref<4x1024xf32, #tpu.memory_space<vmem>>)
      %dma_wait3A_60 = arith.constant 0 : i32
      %dma_wait3A_61 = arith.constant 0 : i32
      %dma_wait3A_62 = tpu.memref_slice %arg3[%dma_wait3A_60, %dma_wait3A_61] : memref<4096x1024xf32, #tpu.memory_space<hbm>> -> memref<4x1024xf32, #tpu.memory_space<hbm>>
      %dma_wait3A_63 = arith.constant 0 : i32
      %dma_wait3A_64 = arith.constant 0 : i32
      %dma_wait3A_65 = tpu.memref_slice %arg3[%dma_wait3A_63, %dma_wait3A_64] : memref<4096x1024xf32, #tpu.memory_space<hbm>> -> memref<4x1024xf32, #tpu.memory_space<hbm>>
      tpu.wait_dma2 semaphore(%arg24 : memref<!tpu.dma_semaphore, #tpu.memory_space<semaphore_mem>>) src(%dma_wait3A_65 : memref<4x1024xf32, #tpu.memory_space<hbm>>) dst(%arg18 : memref<4x1024xf32, #tpu.memory_space<vmem>>)
      %ge3A = arith.constant 2 : i32
      %ge3A_66 = arith.cmpi sge, %add3A_49, %ge3A : i32
      %convert_element_type3A_67 = arith.extui %ge3A_66 : i1 to i32
      %cond3A_68 = arith.constant 0 : i32
      %cond3A_69 = arith.cmpi ne, %convert_element_type3A_67, %cond3A_68 : i32
      scf.if %cond3A_69 {
        %dma_wait3A_348 = arith.constant 0 : i32
        %dma_wait3A_349 = arith.constant 0 : i32
        %dma_wait3A_350 = tpu.memref_slice %arg7[%dma_wait3A_348, %dma_wait3A_349] : memref<4096x8192xf32, #tpu.memory_space<hbm>> -> memref<4x8192xf32, #tpu.memory_space<hbm>>
        %dma_wait3A_351 = arith.constant 0 : i32
        %dma_wait3A_352 = arith.constant 0 : i32
        %dma_wait3A_353 = tpu.memref_slice %arg7[%dma_wait3A_351, %dma_wait3A_352] : memref<4096x8192xf32, #tpu.memory_space<hbm>> -> memref<4x8192xf32, #tpu.memory_space<hbm>>
        tpu.wait_dma2 semaphore(%arg26 : memref<!tpu.dma_semaphore, #tpu.memory_space<semaphore_mem>>) src(%arg20 : memref<4x8192xf32, #tpu.memory_space<vmem>>) dst(%dma_wait3A_353 : memref<4x8192xf32, #tpu.memory_space<hbm>>)
      } else {
      }
      %mul3A_70 = arith.constant 4 : i32
      %mul3A_71 = arith.muli %add3A_49, %mul3A_70 : i32
      %add3A_72 = arith.constant 0 : i32
      %add3A_73 = arith.addi %mul3A_71, %add3A_72 : i32
      %broadcast_in_dim3A_74 = arith.constant 0 : i32
      %broadcast_in_dim3A_75 = vector.broadcast %broadcast_in_dim3A_74 : i32 to vector<16xi32>
      %add3A_76 = vector.broadcast %add3A_73 : i32 to vector<16xi32>
      %add3A_77 = arith.addi %broadcast_in_dim3A_75, %add3A_76 : vector<16xi32>
      %gather3A = tpu.vector_load_idx %arg11[%add3A_77] : memref<128xf32, #tpu.memory_space<vmem>>[vector<16xi32>], vector<16xf32>,
      %gather3A_78 = tpu.vector_load_idx %arg12[%add3A_77] : memref<128xf32, #tpu.memory_space<vmem>>[vector<16xi32>], vector<16xf32>,
      %gather3A_79 = tpu.vector_load_idx %arg13[%add3A_77] : memref<128xf32, #tpu.memory_space<vmem>>[vector<16xi32>], vector<16xf32>,
      %gather3A_80 = tpu.vector_load_idx %arg14[%add3A_77] : memref<128xf32, #tpu.memory_space<vmem>>[vector<16xi32>], vector<16xf32>,
      %broadcast_in_dim3A_81 = arith.constant 0.000000e+00 : f32
      %broadcast_in_dim3A_82 = vector.broadcast %broadcast_in_dim3A_81 : f32 to vector<16xf32>
      %scan3A_83 = arith.constant 0 : i32
      %scan3A_84 = arith.constant 64 : i32
      %scan3A_85 = arith.addi %scan3A_83, %scan3A_84 : i32
      %scan3A_86 = arith.constant 4 : i32
      %scan3A_87 = scf.for %scan3A_348 = %scan3A_83 to %scan3A_85 step %scan3A_86 iter_args(%scan3A_349 = %broadcast_in_dim3A_82) -> (vector<16xf32>)  : i32 {
        %mul3A_350 = arith.constant 16 : i32
        %mul3A_351 = arith.muli %scan3A_348, %mul3A_350 : i32
        %get3A = arith.constant 0 : i32
        %get3A_352 = arith.index_cast %get3A : i32 to index
        %get3A_353 = arith.index_cast %mul3A_351 : i32 to index
        %get3A_354 = tpu.vector_load %arg16[%get3A_352, %get3A_353] {strides = array<i32>} : memref<4x1024xf32, #tpu.memory_space<vmem>>, vector<16xf32>,
        %get3A_355 = arith.constant 0 : i32
        %get3A_356 = arith.index_cast %get3A_355 : i32 to index
        %get3A_357 = arith.index_cast %mul3A_351 : i32 to index
        %get3A_358 = tpu.vector_load %arg18[%get3A_356, %get3A_357] {strides = array<i32>} : memref<4x1024xf32, #tpu.memory_space<vmem>>, vector<16xf32>,
        %mul3A_359 = arith.mulf %get3A_354, %get3A_358 : vector<16xf32>
        %get3A_360 = arith.index_cast %mul3A_351 : i32 to index
        %get3A_361 = tpu.vector_load %arg10[%get3A_360] {strides = array<i32>} : memref<1024xf32, #tpu.memory_space<vmem>>, vector<16xf32>,
        %mul3A_362 = arith.mulf %mul3A_359, %get3A_361 : vector<16xf32>
        %add3A_363 = arith.addf %scan3A_349, %mul3A_362 : vector<16xf32>
        %scan3A_364 = arith.constant 1 : i32
        %scan3A_365 = arith.addi %scan3A_348, %scan3A_364 : i32
        %mul3A_366 = arith.constant 16 : i32
        %mul3A_367 = arith.muli %scan3A_365, %mul3A_366 : i32
        %get3A_368 = arith.constant 0 : i32
        %get3A_369 = arith.index_cast %get3A_368 : i32 to index
        %get3A_370 = arith.index_cast %mul3A_367 : i32 to index
        %get3A_371 = tpu.vector_load %arg16[%get3A_369, %get3A_370] {strides = array<i32>} : memref<4x1024xf32, #tpu.memory_space<vmem>>, vector<16xf32>,
        %get3A_372 = arith.constant 0 : i32
        %get3A_373 = arith.index_cast %get3A_372 : i32 to index
        %get3A_374 = arith.index_cast %mul3A_367 : i32 to index
        %get3A_375 = tpu.vector_load %arg18[%get3A_373, %get3A_374] {strides = array<i32>} : memref<4x1024xf32, #tpu.memory_space<vmem>>, vector<16xf32>,
        %mul3A_376 = arith.mulf %get3A_371, %get3A_375 : vector<16xf32>
        %get3A_377 = arith.index_cast %mul3A_367 : i32 to index
        %get3A_378 = tpu.vector_load %arg10[%get3A_377] {strides = array<i32>} : memref<1024xf32, #tpu.memory_space<vmem>>, vector<16xf32>,
        %mul3A_379 = arith.mulf %mul3A_376, %get3A_378 : vector<16xf32>
        %add3A_380 = arith.addf %add3A_363, %mul3A_379 : vector<16xf32>
        %scan3A_381 = arith.constant 2 : i32
        %scan3A_382 = arith.addi %scan3A_348, %scan3A_381 : i32
        %mul3A_383 = arith.constant 16 : i32
        %mul3A_384 = arith.muli %scan3A_382, %mul3A_383 : i32
        %get3A_385 = arith.constant 0 : i32
        %get3A_386 = arith.index_cast %get3A_385 : i32 to index
        %get3A_387 = arith.index_cast %mul3A_384 : i32 to index
        %get3A_388 = tpu.vector_load %arg16[%get3A_386, %get3A_387] {strides = array<i32>} : memref<4x1024xf32, #tpu.memory_space<vmem>>, vector<16xf32>,
        %get3A_389 = arith.constant 0 : i32
        %get3A_390 = arith.index_cast %get3A_389 : i32 to index
        %get3A_391 = arith.index_cast %mul3A_384 : i32 to index
        %get3A_392 = tpu.vector_load %arg18[%get3A_390, %get3A_391] {strides = array<i32>} : memref<4x1024xf32, #tpu.memory_space<vmem>>, vector<16xf32>,
        %mul3A_393 = arith.mulf %get3A_388, %get3A_392 : vector<16xf32>
        %get3A_394 = arith.index_cast %mul3A_384 : i32 to index
        %get3A_395 = tpu.vector_load %arg10[%get3A_394] {strides = array<i32>} : memref<1024xf32, #tpu.memory_space<vmem>>, vector<16xf32>,
        %mul3A_396 = arith.mulf %mul3A_393, %get3A_395 : vector<16xf32>
        %add3A_397 = arith.addf %add3A_380, %mul3A_396 : vector<16xf32>
        %scan3A_398 = arith.constant 3 : i32
        %scan3A_399 = arith.addi %scan3A_348, %scan3A_398 : i32
        %mul3A_400 = arith.constant 16 : i32
        %mul3A_401 = arith.muli %scan3A_399, %mul3A_400 : i32
        %get3A_402 = arith.constant 0 : i32
        %get3A_403 = arith.index_cast %get3A_402 : i32 to index
        %get3A_404 = arith.index_cast %mul3A_401 : i32 to index
        %get3A_405 = tpu.vector_load %arg16[%get3A_403, %get3A_404] {strides = array<i32>} : memref<4x1024xf32, #tpu.memory_space<vmem>>, vector<16xf32>,
        %get3A_406 = arith.constant 0 : i32
        %get3A_407 = arith.index_cast %get3A_406 : i32 to index
        %get3A_408 = arith.index_cast %mul3A_401 : i32 to index
        %get3A_409 = tpu.vector_load %arg18[%get3A_407, %get3A_408] {strides = array<i32>} : memref<4x1024xf32, #tpu.memory_space<vmem>>, vector<16xf32>,
        %mul3A_410 = arith.mulf %get3A_405, %get3A_409 : vector<16xf32>
        %get3A_411 = arith.index_cast %mul3A_401 : i32 to index
        %get3A_412 = tpu.vector_load %arg10[%get3A_411] {strides = array<i32>} : memref<1024xf32, #tpu.memory_space<vmem>>, vector<16xf32>,
        %mul3A_413 = arith.mulf %mul3A_410, %get3A_412 : vector<16xf32>
        %add3A_414 = arith.addf %add3A_397, %mul3A_413 : vector<16xf32>
        scf.yield %add3A_414 : vector<16xf32>
      }
      %scan3A_88 = arith.constant 64 : i32
      %reduce_sum3A = arith.constant true
      %reduce_sum3A_89 = vector.broadcast %reduce_sum3A : i1 to vector<16xi1>
      %reduce_sum3A_90 = tpu.scan <sum>, %scan3A_87 masked %reduce_sum3A_89 : vector<16xf32>, vector<16xi1> -> vector<16xf32>
      %reduce_sum3A_91 = vector.extract %reduce_sum3A_90[15] : f32 from vector<16xf32>
      %mul3A_92 = vector.broadcast %reduce_sum3A_91 : f32 to vector<16xf32>
      %mul3A_93 = arith.mulf %gather3A_80, %mul3A_92 : vector<16xf32>
      %add3A_94 = arith.addf %gather3A_79, %mul3A_93 : vector<16xf32>
      %mul3A_95 = arith.constant 4 : i32
      %mul3A_96 = arith.muli %add3A_49, %mul3A_95 : i32
      %add3A_97 = arith.constant 1 : i32
      %add3A_98 = arith.addi %mul3A_96, %add3A_97 : i32
      %broadcast_in_dim3A_99 = arith.constant 0 : i32
      %broadcast_in_dim3A_100 = vector.broadcast %broadcast_in_dim3A_99 : i32 to vector<16xi32>
      %add3A_101 = vector.broadcast %add3A_98 : i32 to vector<16xi32>
      %add3A_102 = arith.addi %broadcast_in_dim3A_100, %add3A_101 : vector<16xi32>
      %gather3A_103 = tpu.vector_load_idx %arg11[%add3A_102] : memref<128xf32, #tpu.memory_space<vmem>>[vector<16xi32>], vector<16xf32>,
      %gather3A_104 = tpu.vector_load_idx %arg12[%add3A_102] : memref<128xf32, #tpu.memory_space<vmem>>[vector<16xi32>], vector<16xf32>,
      %gather3A_105 = tpu.vector_load_idx %arg13[%add3A_102] : memref<128xf32, #tpu.memory_space<vmem>>[vector<16xi32>], vector<16xf32>,
      %gather3A_106 = tpu.vector_load_idx %arg14[%add3A_102] : memref<128xf32, #tpu.memory_space<vmem>>[vector<16xi32>], vector<16xf32>,
      %broadcast_in_dim3A_107 = arith.constant 0.000000e+00 : f32
      %broadcast_in_dim3A_108 = vector.broadcast %broadcast_in_dim3A_107 : f32 to vector<16xf32>
      %scan3A_109 = arith.constant 0 : i32
      %scan3A_110 = arith.constant 64 : i32
      %scan3A_111 = arith.addi %scan3A_109, %scan3A_110 : i32
      %scan3A_112 = arith.constant 4 : i32
      %scan3A_113 = scf.for %scan3A_348 = %scan3A_109 to %scan3A_111 step %scan3A_112 iter_args(%scan3A_349 = %broadcast_in_dim3A_108) -> (vector<16xf32>)  : i32 {
        %mul3A_350 = arith.constant 16 : i32
        %mul3A_351 = arith.muli %scan3A_348, %mul3A_350 : i32
        %get3A = arith.constant 1 : i32
        %get3A_352 = arith.index_cast %get3A : i32 to index
        %get3A_353 = arith.index_cast %mul3A_351 : i32 to index
        %get3A_354 = tpu.vector_load %arg16[%get3A_352, %get3A_353] {strides = array<i32>} : memref<4x1024xf32, #tpu.memory_space<vmem>>, vector<16xf32>,
        %get3A_355 = arith.constant 1 : i32
        %get3A_356 = arith.index_cast %get3A_355 : i32 to index
        %get3A_357 = arith.index_cast %mul3A_351 : i32 to index
        %get3A_358 = tpu.vector_load %arg18[%get3A_356, %get3A_357] {strides = array<i32>} : memref<4x1024xf32, #tpu.memory_space<vmem>>, vector<16xf32>,
        %mul3A_359 = arith.mulf %get3A_354, %get3A_358 : vector<16xf32>
        %get3A_360 = arith.index_cast %mul3A_351 : i32 to index
        %get3A_361 = tpu.vector_load %arg10[%get3A_360] {strides = array<i32>} : memref<1024xf32, #tpu.memory_space<vmem>>, vector<16xf32>,
        %mul3A_362 = arith.mulf %mul3A_359, %get3A_361 : vector<16xf32>
        %add3A_363 = arith.addf %scan3A_349, %mul3A_362 : vector<16xf32>
        %scan3A_364 = arith.constant 1 : i32
        %scan3A_365 = arith.addi %scan3A_348, %scan3A_364 : i32
        %mul3A_366 = arith.constant 16 : i32
        %mul3A_367 = arith.muli %scan3A_365, %mul3A_366 : i32
        %get3A_368 = arith.constant 1 : i32
        %get3A_369 = arith.index_cast %get3A_368 : i32 to index
        %get3A_370 = arith.index_cast %mul3A_367 : i32 to index
        %get3A_371 = tpu.vector_load %arg16[%get3A_369, %get3A_370] {strides = array<i32>} : memref<4x1024xf32, #tpu.memory_space<vmem>>, vector<16xf32>,
        %get3A_372 = arith.constant 1 : i32
        %get3A_373 = arith.index_cast %get3A_372 : i32 to index
        %get3A_374 = arith.index_cast %mul3A_367 : i32 to index
        %get3A_375 = tpu.vector_load %arg18[%get3A_373, %get3A_374] {strides = array<i32>} : memref<4x1024xf32, #tpu.memory_space<vmem>>, vector<16xf32>,
        %mul3A_376 = arith.mulf %get3A_371, %get3A_375 : vector<16xf32>
        %get3A_377 = arith.index_cast %mul3A_367 : i32 to index
        %get3A_378 = tpu.vector_load %arg10[%get3A_377] {strides = array<i32>} : memref<1024xf32, #tpu.memory_space<vmem>>, vector<16xf32>,
        %mul3A_379 = arith.mulf %mul3A_376, %get3A_378 : vector<16xf32>
        %add3A_380 = arith.addf %add3A_363, %mul3A_379 : vector<16xf32>
        %scan3A_381 = arith.constant 2 : i32
        %scan3A_382 = arith.addi %scan3A_348, %scan3A_381 : i32
        %mul3A_383 = arith.constant 16 : i32
        %mul3A_384 = arith.muli %scan3A_382, %mul3A_383 : i32
        %get3A_385 = arith.constant 1 : i32
        %get3A_386 = arith.index_cast %get3A_385 : i32 to index
        %get3A_387 = arith.index_cast %mul3A_384 : i32 to index
        %get3A_388 = tpu.vector_load %arg16[%get3A_386, %get3A_387] {strides = array<i32>} : memref<4x1024xf32, #tpu.memory_space<vmem>>, vector<16xf32>,
        %get3A_389 = arith.constant 1 : i32
        %get3A_390 = arith.index_cast %get3A_389 : i32 to index
        %get3A_391 = arith.index_cast %mul3A_384 : i32 to index
        %get3A_392 = tpu.vector_load %arg18[%get3A_390, %get3A_391] {strides = array<i32>} : memref<4x1024xf32, #tpu.memory_space<vmem>>, vector<16xf32>,
        %mul3A_393 = arith.mulf %get3A_388, %get3A_392 : vector<16xf32>
        %get3A_394 = arith.index_cast %mul3A_384 : i32 to index
        %get3A_395 = tpu.vector_load %arg10[%get3A_394] {strides = array<i32>} : memref<1024xf32, #tpu.memory_space<vmem>>, vector<16xf32>,
        %mul3A_396 = arith.mulf %mul3A_393, %get3A_395 : vector<16xf32>
        %add3A_397 = arith.addf %add3A_380, %mul3A_396 : vector<16xf32>
        %scan3A_398 = arith.constant 3 : i32
        %scan3A_399 = arith.addi %scan3A_348, %scan3A_398 : i32
        %mul3A_400 = arith.constant 16 : i32
        %mul3A_401 = arith.muli %scan3A_399, %mul3A_400 : i32
        %get3A_402 = arith.constant 1 : i32
        %get3A_403 = arith.index_cast %get3A_402 : i32 to index
        %get3A_404 = arith.index_cast %mul3A_401 : i32 to index
        %get3A_405 = tpu.vector_load %arg16[%get3A_403, %get3A_404] {strides = array<i32>} : memref<4x1024xf32, #tpu.memory_space<vmem>>, vector<16xf32>,
        %get3A_406 = arith.constant 1 : i32
        %get3A_407 = arith.index_cast %get3A_406 : i32 to index
        %get3A_408 = arith.index_cast %mul3A_401 : i32 to index
        %get3A_409 = tpu.vector_load %arg18[%get3A_407, %get3A_408] {strides = array<i32>} : memref<4x1024xf32, #tpu.memory_space<vmem>>, vector<16xf32>,
        %mul3A_410 = arith.mulf %get3A_405, %get3A_409 : vector<16xf32>
        %get3A_411 = arith.index_cast %mul3A_401 : i32 to index
        %get3A_412 = tpu.vector_load %arg10[%get3A_411] {strides = array<i32>} : memref<1024xf32, #tpu.memory_space<vmem>>, vector<16xf32>,
        %mul3A_413 = arith.mulf %mul3A_410, %get3A_412 : vector<16xf32>
        %add3A_414 = arith.addf %add3A_397, %mul3A_413 : vector<16xf32>
        scf.yield %add3A_414 : vector<16xf32>
      }
      %scan3A_114 = arith.constant 64 : i32
      %reduce_sum3A_115 = arith.constant true
      %reduce_sum3A_116 = vector.broadcast %reduce_sum3A_115 : i1 to vector<16xi1>
      %reduce_sum3A_117 = tpu.scan <sum>, %scan3A_113 masked %reduce_sum3A_116 : vector<16xf32>, vector<16xi1> -> vector<16xf32>
      %reduce_sum3A_118 = vector.extract %reduce_sum3A_117[15] : f32 from vector<16xf32>
      %mul3A_119 = vector.broadcast %reduce_sum3A_118 : f32 to vector<16xf32>
      %mul3A_120 = arith.mulf %gather3A_106, %mul3A_119 : vector<16xf32>
      %add3A_121 = arith.addf %gather3A_105, %mul3A_120 : vector<16xf32>
      %mul3A_122 = arith.constant 4 : i32
      %mul3A_123 = arith.muli %add3A_49, %mul3A_122 : i32
      %add3A_124 = arith.constant 2 : i32
      %add3A_125 = arith.addi %mul3A_123, %add3A_124 : i32
      %broadcast_in_dim3A_126 = arith.constant 0 : i32
      %broadcast_in_dim3A_127 = vector.broadcast %broadcast_in_dim3A_126 : i32 to vector<16xi32>
      %add3A_128 = vector.broadcast %add3A_125 : i32 to vector<16xi32>
      %add3A_129 = arith.addi %broadcast_in_dim3A_127, %add3A_128 : vector<16xi32>
      %gather3A_130 = tpu.vector_load_idx %arg11[%add3A_129] : memref<128xf32, #tpu.memory_space<vmem>>[vector<16xi32>], vector<16xf32>,
      %gather3A_131 = tpu.vector_load_idx %arg12[%add3A_129] : memref<128xf32, #tpu.memory_space<vmem>>[vector<16xi32>], vector<16xf32>,
      %gather3A_132 = tpu.vector_load_idx %arg13[%add3A_129] : memref<128xf32, #tpu.memory_space<vmem>>[vector<16xi32>], vector<16xf32>,
      %gather3A_133 = tpu.vector_load_idx %arg14[%add3A_129] : memref<128xf32, #tpu.memory_space<vmem>>[vector<16xi32>], vector<16xf32>,
      %broadcast_in_dim3A_134 = arith.constant 0.000000e+00 : f32
      %broadcast_in_dim3A_135 = vector.broadcast %broadcast_in_dim3A_134 : f32 to vector<16xf32>
      %scan3A_136 = arith.constant 0 : i32
      %scan3A_137 = arith.constant 64 : i32
      %scan3A_138 = arith.addi %scan3A_136, %scan3A_137 : i32
      %scan3A_139 = arith.constant 4 : i32
      %scan3A_140 = scf.for %scan3A_348 = %scan3A_136 to %scan3A_138 step %scan3A_139 iter_args(%scan3A_349 = %broadcast_in_dim3A_135) -> (vector<16xf32>)  : i32 {
        %mul3A_350 = arith.constant 16 : i32
        %mul3A_351 = arith.muli %scan3A_348, %mul3A_350 : i32
        %get3A = arith.constant 2 : i32
        %get3A_352 = arith.index_cast %get3A : i32 to index
        %get3A_353 = arith.index_cast %mul3A_351 : i32 to index
        %get3A_354 = tpu.vector_load %arg16[%get3A_352, %get3A_353] {strides = array<i32>} : memref<4x1024xf32, #tpu.memory_space<vmem>>, vector<16xf32>,
        %get3A_355 = arith.constant 2 : i32
        %get3A_356 = arith.index_cast %get3A_355 : i32 to index
        %get3A_357 = arith.index_cast %mul3A_351 : i32 to index
        %get3A_358 = tpu.vector_load %arg18[%get3A_356, %get3A_357] {strides = array<i32>} : memref<4x1024xf32, #tpu.memory_space<vmem>>, vector<16xf32>,
        %mul3A_359 = arith.mulf %get3A_354, %get3A_358 : vector<16xf32>
        %get3A_360 = arith.index_cast %mul3A_351 : i32 to index
        %get3A_361 = tpu.vector_load %arg10[%get3A_360] {strides = array<i32>} : memref<1024xf32, #tpu.memory_space<vmem>>, vector<16xf32>,
        %mul3A_362 = arith.mulf %mul3A_359, %get3A_361 : vector<16xf32>
        %add3A_363 = arith.addf %scan3A_349, %mul3A_362 : vector<16xf32>
        %scan3A_364 = arith.constant 1 : i32
        %scan3A_365 = arith.addi %scan3A_348, %scan3A_364 : i32
        %mul3A_366 = arith.constant 16 : i32
        %mul3A_367 = arith.muli %scan3A_365, %mul3A_366 : i32
        %get3A_368 = arith.constant 2 : i32
        %get3A_369 = arith.index_cast %get3A_368 : i32 to index
        %get3A_370 = arith.index_cast %mul3A_367 : i32 to index
        %get3A_371 = tpu.vector_load %arg16[%get3A_369, %get3A_370] {strides = array<i32>} : memref<4x1024xf32, #tpu.memory_space<vmem>>, vector<16xf32>,
        %get3A_372 = arith.constant 2 : i32
        %get3A_373 = arith.index_cast %get3A_372 : i32 to index
        %get3A_374 = arith.index_cast %mul3A_367 : i32 to index
        %get3A_375 = tpu.vector_load %arg18[%get3A_373, %get3A_374] {strides = array<i32>} : memref<4x1024xf32, #tpu.memory_space<vmem>>, vector<16xf32>,
        %mul3A_376 = arith.mulf %get3A_371, %get3A_375 : vector<16xf32>
        %get3A_377 = arith.index_cast %mul3A_367 : i32 to index
        %get3A_378 = tpu.vector_load %arg10[%get3A_377] {strides = array<i32>} : memref<1024xf32, #tpu.memory_space<vmem>>, vector<16xf32>,
        %mul3A_379 = arith.mulf %mul3A_376, %get3A_378 : vector<16xf32>
        %add3A_380 = arith.addf %add3A_363, %mul3A_379 : vector<16xf32>
        %scan3A_381 = arith.constant 2 : i32
        %scan3A_382 = arith.addi %scan3A_348, %scan3A_381 : i32
        %mul3A_383 = arith.constant 16 : i32
        %mul3A_384 = arith.muli %scan3A_382, %mul3A_383 : i32
        %get3A_385 = arith.constant 2 : i32
        %get3A_386 = arith.index_cast %get3A_385 : i32 to index
        %get3A_387 = arith.index_cast %mul3A_384 : i32 to index
        %get3A_388 = tpu.vector_load %arg16[%get3A_386, %get3A_387] {strides = array<i32>} : memref<4x1024xf32, #tpu.memory_space<vmem>>, vector<16xf32>,
        %get3A_389 = arith.constant 2 : i32
        %get3A_390 = arith.index_cast %get3A_389 : i32 to index
        %get3A_391 = arith.index_cast %mul3A_384 : i32 to index
        %get3A_392 = tpu.vector_load %arg18[%get3A_390, %get3A_391] {strides = array<i32>} : memref<4x1024xf32, #tpu.memory_space<vmem>>, vector<16xf32>,
        %mul3A_393 = arith.mulf %get3A_388, %get3A_392 : vector<16xf32>
        %get3A_394 = arith.index_cast %mul3A_384 : i32 to index
        %get3A_395 = tpu.vector_load %arg10[%get3A_394] {strides = array<i32>} : memref<1024xf32, #tpu.memory_space<vmem>>, vector<16xf32>,
        %mul3A_396 = arith.mulf %mul3A_393, %get3A_395 : vector<16xf32>
        %add3A_397 = arith.addf %add3A_380, %mul3A_396 : vector<16xf32>
        %scan3A_398 = arith.constant 3 : i32
        %scan3A_399 = arith.addi %scan3A_348, %scan3A_398 : i32
        %mul3A_400 = arith.constant 16 : i32
        %mul3A_401 = arith.muli %scan3A_399, %mul3A_400 : i32
        %get3A_402 = arith.constant 2 : i32
        %get3A_403 = arith.index_cast %get3A_402 : i32 to index
        %get3A_404 = arith.index_cast %mul3A_401 : i32 to index
        %get3A_405 = tpu.vector_load %arg16[%get3A_403, %get3A_404] {strides = array<i32>} : memref<4x1024xf32, #tpu.memory_space<vmem>>, vector<16xf32>,
        %get3A_406 = arith.constant 2 : i32
        %get3A_407 = arith.index_cast %get3A_406 : i32 to index
        %get3A_408 = arith.index_cast %mul3A_401 : i32 to index
        %get3A_409 = tpu.vector_load %arg18[%get3A_407, %get3A_408] {strides = array<i32>} : memref<4x1024xf32, #tpu.memory_space<vmem>>, vector<16xf32>,
        %mul3A_410 = arith.mulf %get3A_405, %get3A_409 : vector<16xf32>
        %get3A_411 = arith.index_cast %mul3A_401 : i32 to index
        %get3A_412 = tpu.vector_load %arg10[%get3A_411] {strides = array<i32>} : memref<1024xf32, #tpu.memory_space<vmem>>, vector<16xf32>,
        %mul3A_413 = arith.mulf %mul3A_410, %get3A_412 : vector<16xf32>
        %add3A_414 = arith.addf %add3A_397, %mul3A_413 : vector<16xf32>
        scf.yield %add3A_414 : vector<16xf32>
      }
      %scan3A_141 = arith.constant 64 : i32
      %reduce_sum3A_142 = arith.constant true
      %reduce_sum3A_143 = vector.broadcast %reduce_sum3A_142 : i1 to vector<16xi1>
      %reduce_sum3A_144 = tpu.scan <sum>, %scan3A_140 masked %reduce_sum3A_143 : vector<16xf32>, vector<16xi1> -> vector<16xf32>
      %reduce_sum3A_145 = vector.extract %reduce_sum3A_144[15] : f32 from vector<16xf32>
      %mul3A_146 = vector.broadcast %reduce_sum3A_145 : f32 to vector<16xf32>
      %mul3A_147 = arith.mulf %gather3A_133, %mul3A_146 : vector<16xf32>
      %add3A_148 = arith.addf %gather3A_132, %mul3A_147 : vector<16xf32>
      %mul3A_149 = arith.constant 4 : i32
      %mul3A_150 = arith.muli %add3A_49, %mul3A_149 : i32
      %add3A_151 = arith.constant 3 : i32
      %add3A_152 = arith.addi %mul3A_150, %add3A_151 : i32
      %broadcast_in_dim3A_153 = arith.constant 0 : i32
      %broadcast_in_dim3A_154 = vector.broadcast %broadcast_in_dim3A_153 : i32 to vector<16xi32>
      %add3A_155 = vector.broadcast %add3A_152 : i32 to vector<16xi32>
      %add3A_156 = arith.addi %broadcast_in_dim3A_154, %add3A_155 : vector<16xi32>
      %gather3A_157 = tpu.vector_load_idx %arg11[%add3A_156] : memref<128xf32, #tpu.memory_space<vmem>>[vector<16xi32>], vector<16xf32>,
      %gather3A_158 = tpu.vector_load_idx %arg12[%add3A_156] : memref<128xf32, #tpu.memory_space<vmem>>[vector<16xi32>], vector<16xf32>,
      %gather3A_159 = tpu.vector_load_idx %arg13[%add3A_156] : memref<128xf32, #tpu.memory_space<vmem>>[vector<16xi32>], vector<16xf32>,
      %gather3A_160 = tpu.vector_load_idx %arg14[%add3A_156] : memref<128xf32, #tpu.memory_space<vmem>>[vector<16xi32>], vector<16xf32>,
      %broadcast_in_dim3A_161 = arith.constant 0.000000e+00 : f32
      %broadcast_in_dim3A_162 = vector.broadcast %broadcast_in_dim3A_161 : f32 to vector<16xf32>
      %scan3A_163 = arith.constant 0 : i32
      %scan3A_164 = arith.constant 64 : i32
      %scan3A_165 = arith.addi %scan3A_163, %scan3A_164 : i32
      %scan3A_166 = arith.constant 4 : i32
      %scan3A_167 = scf.for %scan3A_348 = %scan3A_163 to %scan3A_165 step %scan3A_166 iter_args(%scan3A_349 = %broadcast_in_dim3A_162) -> (vector<16xf32>)  : i32 {
        %mul3A_350 = arith.constant 16 : i32
        %mul3A_351 = arith.muli %scan3A_348, %mul3A_350 : i32
        %get3A = arith.constant 3 : i32
        %get3A_352 = arith.index_cast %get3A : i32 to index
        %get3A_353 = arith.index_cast %mul3A_351 : i32 to index
        %get3A_354 = tpu.vector_load %arg16[%get3A_352, %get3A_353] {strides = array<i32>} : memref<4x1024xf32, #tpu.memory_space<vmem>>, vector<16xf32>,
        %get3A_355 = arith.constant 3 : i32
        %get3A_356 = arith.index_cast %get3A_355 : i32 to index
        %get3A_357 = arith.index_cast %mul3A_351 : i32 to index
        %get3A_358 = tpu.vector_load %arg18[%get3A_356, %get3A_357] {strides = array<i32>} : memref<4x1024xf32, #tpu.memory_space<vmem>>, vector<16xf32>,
        %mul3A_359 = arith.mulf %get3A_354, %get3A_358 : vector<16xf32>
        %get3A_360 = arith.index_cast %mul3A_351 : i32 to index
        %get3A_361 = tpu.vector_load %arg10[%get3A_360] {strides = array<i32>} : memref<1024xf32, #tpu.memory_space<vmem>>, vector<16xf32>,
        %mul3A_362 = arith.mulf %mul3A_359, %get3A_361 : vector<16xf32>
        %add3A_363 = arith.addf %scan3A_349, %mul3A_362 : vector<16xf32>
        %scan3A_364 = arith.constant 1 : i32
        %scan3A_365 = arith.addi %scan3A_348, %scan3A_364 : i32
        %mul3A_366 = arith.constant 16 : i32
        %mul3A_367 = arith.muli %scan3A_365, %mul3A_366 : i32
        %get3A_368 = arith.constant 3 : i32
        %get3A_369 = arith.index_cast %get3A_368 : i32 to index
        %get3A_370 = arith.index_cast %mul3A_367 : i32 to index
        %get3A_371 = tpu.vector_load %arg16[%get3A_369, %get3A_370] {strides = array<i32>} : memref<4x1024xf32, #tpu.memory_space<vmem>>, vector<16xf32>,
        %get3A_372 = arith.constant 3 : i32
        %get3A_373 = arith.index_cast %get3A_372 : i32 to index
        %get3A_374 = arith.index_cast %mul3A_367 : i32 to index
        %get3A_375 = tpu.vector_load %arg18[%get3A_373, %get3A_374] {strides = array<i32>} : memref<4x1024xf32, #tpu.memory_space<vmem>>, vector<16xf32>,
        %mul3A_376 = arith.mulf %get3A_371, %get3A_375 : vector<16xf32>
        %get3A_377 = arith.index_cast %mul3A_367 : i32 to index
        %get3A_378 = tpu.vector_load %arg10[%get3A_377] {strides = array<i32>} : memref<1024xf32, #tpu.memory_space<vmem>>, vector<16xf32>,
        %mul3A_379 = arith.mulf %mul3A_376, %get3A_378 : vector<16xf32>
        %add3A_380 = arith.addf %add3A_363, %mul3A_379 : vector<16xf32>
        %scan3A_381 = arith.constant 2 : i32
        %scan3A_382 = arith.addi %scan3A_348, %scan3A_381 : i32
        %mul3A_383 = arith.constant 16 : i32
        %mul3A_384 = arith.muli %scan3A_382, %mul3A_383 : i32
        %get3A_385 = arith.constant 3 : i32
        %get3A_386 = arith.index_cast %get3A_385 : i32 to index
        %get3A_387 = arith.index_cast %mul3A_384 : i32 to index
        %get3A_388 = tpu.vector_load %arg16[%get3A_386, %get3A_387] {strides = array<i32>} : memref<4x1024xf32, #tpu.memory_space<vmem>>, vector<16xf32>,
        %get3A_389 = arith.constant 3 : i32
        %get3A_390 = arith.index_cast %get3A_389 : i32 to index
        %get3A_391 = arith.index_cast %mul3A_384 : i32 to index
        %get3A_392 = tpu.vector_load %arg18[%get3A_390, %get3A_391] {strides = array<i32>} : memref<4x1024xf32, #tpu.memory_space<vmem>>, vector<16xf32>,
        %mul3A_393 = arith.mulf %get3A_388, %get3A_392 : vector<16xf32>
        %get3A_394 = arith.index_cast %mul3A_384 : i32 to index
        %get3A_395 = tpu.vector_load %arg10[%get3A_394] {strides = array<i32>} : memref<1024xf32, #tpu.memory_space<vmem>>, vector<16xf32>,
        %mul3A_396 = arith.mulf %mul3A_393, %get3A_395 : vector<16xf32>
        %add3A_397 = arith.addf %add3A_380, %mul3A_396 : vector<16xf32>
        %scan3A_398 = arith.constant 3 : i32
        %scan3A_399 = arith.addi %scan3A_348, %scan3A_398 : i32
        %mul3A_400 = arith.constant 16 : i32
        %mul3A_401 = arith.muli %scan3A_399, %mul3A_400 : i32
        %get3A_402 = arith.constant 3 : i32
        %get3A_403 = arith.index_cast %get3A_402 : i32 to index
        %get3A_404 = arith.index_cast %mul3A_401 : i32 to index
        %get3A_405 = tpu.vector_load %arg16[%get3A_403, %get3A_404] {strides = array<i32>} : memref<4x1024xf32, #tpu.memory_space<vmem>>, vector<16xf32>,
        %get3A_406 = arith.constant 3 : i32
        %get3A_407 = arith.index_cast %get3A_406 : i32 to index
        %get3A_408 = arith.index_cast %mul3A_401 : i32 to index
        %get3A_409 = tpu.vector_load %arg18[%get3A_407, %get3A_408] {strides = array<i32>} : memref<4x1024xf32, #tpu.memory_space<vmem>>, vector<16xf32>,
        %mul3A_410 = arith.mulf %get3A_405, %get3A_409 : vector<16xf32>
        %get3A_411 = arith.index_cast %mul3A_401 : i32 to index
        %get3A_412 = tpu.vector_load %arg10[%get3A_411] {strides = array<i32>} : memref<1024xf32, #tpu.memory_space<vmem>>, vector<16xf32>,
        %mul3A_413 = arith.mulf %mul3A_410, %get3A_412 : vector<16xf32>
        %add3A_414 = arith.addf %add3A_397, %mul3A_413 : vector<16xf32>
        scf.yield %add3A_414 : vector<16xf32>
      }
      %scan3A_168 = arith.constant 64 : i32
      %reduce_sum3A_169 = arith.constant true
      %reduce_sum3A_170 = vector.broadcast %reduce_sum3A_169 : i1 to vector<16xi1>
      %reduce_sum3A_171 = tpu.scan <sum>, %scan3A_167 masked %reduce_sum3A_170 : vector<16xf32>, vector<16xi1> -> vector<16xf32>
      %reduce_sum3A_172 = vector.extract %reduce_sum3A_171[15] : f32 from vector<16xf32>
      %mul3A_173 = vector.broadcast %reduce_sum3A_172 : f32 to vector<16xf32>
      %mul3A_174 = arith.mulf %gather3A_160, %mul3A_173 : vector<16xf32>
      %add3A_175 = arith.addf %gather3A_159, %mul3A_174 : vector<16xf32>
      %broadcast_in_dim3A_176 = arith.constant 0 : i32
      %broadcast_in_dim3A_177 = vector.broadcast %broadcast_in_dim3A_176 : i32 to vector<16xi32>
      %broadcast_in_dim3A_178 = arith.constant 1 : i32
      %broadcast_in_dim3A_179 = vector.broadcast %broadcast_in_dim3A_178 : i32 to vector<16xi32>
      %broadcast_in_dim3A_180 = arith.constant 2 : i32
      %broadcast_in_dim3A_181 = vector.broadcast %broadcast_in_dim3A_180 : i32 to vector<16xi32>
      %broadcast_in_dim3A_182 = arith.constant 3 : i32
      %broadcast_in_dim3A_183 = vector.broadcast %broadcast_in_dim3A_182 : i32 to vector<16xi32>
      %parallel_loop3A = arith.constant 0 : i32
      %parallel_loop3A_184 = arith.constant 256 : i32
      %parallel_loop3A_185 = arith.constant 1 : i32
      scf.for %parallel_loop3A_348 = %parallel_loop3A to %parallel_loop3A_184 step %parallel_loop3A_185  : i32 {
        %parallel_loop3A_349 = arith.constant 16 : i32
        %parallel_loop3A_350 = arith.muli %parallel_loop3A_348, %parallel_loop3A_349 : i32
        %parallel_loop3A_351 = arith.constant 16 : i32
        %parallel_loop3A_352 = arith.muli %parallel_loop3A_348, %parallel_loop3A_351 : i32
        %parallel_loop3A_353 = arith.constant 4096 : i32
        %parallel_loop3A_354 = arith.addi %parallel_loop3A_353, %parallel_loop3A_352 : i32
        %parallel_loop3A_355 = arith.index_cast %parallel_loop3A_350 : i32 to index
        %parallel_loop3A_356 = tpu.vector_load %arg8[%parallel_loop3A_355] {strides = array<i32>} : memref<4096xi32, #tpu.memory_space<vmem>>, vector<16xi32>,
        %parallel_loop3A_357 = tpu.vector_load_idx %arg16[%broadcast_in_dim3A_177, %parallel_loop3A_356] : memref<4x1024xf32, #tpu.memory_space<vmem>>[vector<16xi32>, vector<16xi32>], vector<16xf32>,
        %parallel_loop3A_358 = arith.mulf %parallel_loop3A_357, %gather3A : vector<16xf32>
        %parallel_loop3A_359 = arith.addf %parallel_loop3A_358, %gather3A_78 : vector<16xf32>
        %parallel_loop3A_360 = arith.constant 0 : i32
        %parallel_loop3A_361 = arith.index_cast %parallel_loop3A_360 : i32 to index
        %parallel_loop3A_362 = arith.index_cast %parallel_loop3A_350 : i32 to index
        %parallel_loop3A_363 = tpu.vector_load %arg20[%parallel_loop3A_361, %parallel_loop3A_362] {strides = array<i32>} : memref<4x8192xf32, #tpu.memory_space<vmem>>, vector<16xf32>,
        tpu.vector_store %arg20[%parallel_loop3A_361, %parallel_loop3A_362], %parallel_loop3A_359 {strides = array<i32>} : memref<4x8192xf32, #tpu.memory_space<vmem>>, vector<16xf32>,
        %parallel_loop3A_364 = arith.constant 0 : i32
        %parallel_loop3A_365 = arith.index_cast %parallel_loop3A_364 : i32 to index
        %parallel_loop3A_366 = arith.index_cast %parallel_loop3A_354 : i32 to index
        %parallel_loop3A_367 = tpu.vector_load %arg20[%parallel_loop3A_365, %parallel_loop3A_366] {strides = array<i32>} : memref<4x8192xf32, #tpu.memory_space<vmem>>, vector<16xf32>,
        tpu.vector_store %arg20[%parallel_loop3A_365, %parallel_loop3A_366], %add3A_94 {strides = array<i32>} : memref<4x8192xf32, #tpu.memory_space<vmem>>, vector<16xf32>,
        %parallel_loop3A_368 = tpu.vector_load_idx %arg16[%broadcast_in_dim3A_179, %parallel_loop3A_356] : memref<4x1024xf32, #tpu.memory_space<vmem>>[vector<16xi32>, vector<16xi32>], vector<16xf32>,
        %parallel_loop3A_369 = arith.mulf %parallel_loop3A_368, %gather3A_103 : vector<16xf32>
        %parallel_loop3A_370 = arith.addf %parallel_loop3A_369, %gather3A_104 : vector<16xf32>
        %parallel_loop3A_371 = arith.constant 1 : i32
        %parallel_loop3A_372 = arith.index_cast %parallel_loop3A_371 : i32 to index
        %parallel_loop3A_373 = arith.index_cast %parallel_loop3A_350 : i32 to index
        %parallel_loop3A_374 = tpu.vector_load %arg20[%parallel_loop3A_372, %parallel_loop3A_373] {strides = array<i32>} : memref<4x8192xf32, #tpu.memory_space<vmem>>, vector<16xf32>,
        tpu.vector_store %arg20[%parallel_loop3A_372, %parallel_loop3A_373], %parallel_loop3A_370 {strides = array<i32>} : memref<4x8192xf32, #tpu.memory_space<vmem>>, vector<16xf32>,
        %parallel_loop3A_375 = arith.constant 1 : i32
        %parallel_loop3A_376 = arith.index_cast %parallel_loop3A_375 : i32 to index
        %parallel_loop3A_377 = arith.index_cast %parallel_loop3A_354 : i32 to index
        %parallel_loop3A_378 = tpu.vector_load %arg20[%parallel_loop3A_376, %parallel_loop3A_377] {strides = array<i32>} : memref<4x8192xf32, #tpu.memory_space<vmem>>, vector<16xf32>,
        tpu.vector_store %arg20[%parallel_loop3A_376, %parallel_loop3A_377], %add3A_121 {strides = array<i32>} : memref<4x8192xf32, #tpu.memory_space<vmem>>, vector<16xf32>,
        %parallel_loop3A_379 = tpu.vector_load_idx %arg16[%broadcast_in_dim3A_181, %parallel_loop3A_356] : memref<4x1024xf32, #tpu.memory_space<vmem>>[vector<16xi32>, vector<16xi32>], vector<16xf32>,
        %parallel_loop3A_380 = arith.mulf %parallel_loop3A_379, %gather3A_130 : vector<16xf32>
        %parallel_loop3A_381 = arith.addf %parallel_loop3A_380, %gather3A_131 : vector<16xf32>
        %parallel_loop3A_382 = arith.constant 2 : i32
        %parallel_loop3A_383 = arith.index_cast %parallel_loop3A_382 : i32 to index
        %parallel_loop3A_384 = arith.index_cast %parallel_loop3A_350 : i32 to index
        %parallel_loop3A_385 = tpu.vector_load %arg20[%parallel_loop3A_383, %parallel_loop3A_384] {strides = array<i32>} : memref<4x8192xf32, #tpu.memory_space<vmem>>, vector<16xf32>,
        tpu.vector_store %arg20[%parallel_loop3A_383, %parallel_loop3A_384], %parallel_loop3A_381 {strides = array<i32>} : memref<4x8192xf32, #tpu.memory_space<vmem>>, vector<16xf32>,
        %parallel_loop3A_386 = arith.constant 2 : i32
        %parallel_loop3A_387 = arith.index_cast %parallel_loop3A_386 : i32 to index
        %parallel_loop3A_388 = arith.index_cast %parallel_loop3A_354 : i32 to index
        %parallel_loop3A_389 = tpu.vector_load %arg20[%parallel_loop3A_387, %parallel_loop3A_388] {strides = array<i32>} : memref<4x8192xf32, #tpu.memory_space<vmem>>, vector<16xf32>,
        tpu.vector_store %arg20[%parallel_loop3A_387, %parallel_loop3A_388], %add3A_148 {strides = array<i32>} : memref<4x8192xf32, #tpu.memory_space<vmem>>, vector<16xf32>,
        %parallel_loop3A_390 = tpu.vector_load_idx %arg16[%broadcast_in_dim3A_183, %parallel_loop3A_356] : memref<4x1024xf32, #tpu.memory_space<vmem>>[vector<16xi32>, vector<16xi32>], vector<16xf32>,
        %parallel_loop3A_391 = arith.mulf %parallel_loop3A_390, %gather3A_157 : vector<16xf32>
        %parallel_loop3A_392 = arith.addf %parallel_loop3A_391, %gather3A_158 : vector<16xf32>
        %parallel_loop3A_393 = arith.constant 3 : i32
        %parallel_loop3A_394 = arith.index_cast %parallel_loop3A_393 : i32 to index
        %parallel_loop3A_395 = arith.index_cast %parallel_loop3A_350 : i32 to index
        %parallel_loop3A_396 = tpu.vector_load %arg20[%parallel_loop3A_394, %parallel_loop3A_395] {strides = array<i32>} : memref<4x8192xf32, #tpu.memory_space<vmem>>, vector<16xf32>,
        tpu.vector_store %arg20[%parallel_loop3A_394, %parallel_loop3A_395], %parallel_loop3A_392 {strides = array<i32>} : memref<4x8192xf32, #tpu.memory_space<vmem>>, vector<16xf32>,
        %parallel_loop3A_397 = arith.constant 3 : i32
        %parallel_loop3A_398 = arith.index_cast %parallel_loop3A_397 : i32 to index
        %parallel_loop3A_399 = arith.index_cast %parallel_loop3A_354 : i32 to index
        %parallel_loop3A_400 = tpu.vector_load %arg20[%parallel_loop3A_398, %parallel_loop3A_399] {strides = array<i32>} : memref<4x8192xf32, #tpu.memory_space<vmem>>, vector<16xf32>,
        tpu.vector_store %arg20[%parallel_loop3A_398, %parallel_loop3A_399], %add3A_175 {strides = array<i32>} : memref<4x8192xf32, #tpu.memory_space<vmem>>, vector<16xf32>,
      } {sc.loop_unroll_factor = 8 : i64, sc.parallel_access}
      %mul3A_186 = arith.constant 4 : i32
      %mul3A_187 = arith.muli %add3A_49, %mul3A_186 : i32
      %add3A_188 = arith.addi %mul3A_2, %mul3A_187 : i32
      %dma_start3A_189 = arith.constant 0 : i32
      %dma_start3A_190 = tpu.memref_slice %arg7[%add3A_188, %dma_start3A_189] : memref<4096x8192xf32, #tpu.memory_space<hbm>> -> memref<4x8192xf32, #tpu.memory_space<hbm>>
      %dma_start3A_191 = arith.constant 0 : i32
      %dma_start3A_192 = tpu.memref_slice %arg7[%add3A_188, %dma_start3A_191] : memref<4096x8192xf32, #tpu.memory_space<hbm>> -> memref<4x8192xf32, #tpu.memory_space<hbm>>
      tpu.enqueue_dma source(%arg20 : memref<4x8192xf32, #tpu.memory_space<vmem>>) target(%dma_start3A_192 : memref<4x8192xf32, #tpu.memory_space<hbm>>) target_semaphore(%arg26 : memref<!tpu.dma_semaphore, #tpu.memory_space<semaphore_mem>>)
      %mul3A_193 = arith.constant 2 : i32
      %mul3A_194 = arith.muli %mul3A_193, %scan3A_44 : i32
      %add3A_195 = arith.constant 1 : i32
      %add3A_196 = arith.addi %mul3A_194, %add3A_195 : i32
      %add3A_197 = arith.constant 1 : i32
      %add3A_198 = arith.addi %add3A_196, %add3A_197 : i32
      %lt3A_199 = arith.constant 32 : i32
      %lt3A_200 = arith.cmpi slt, %add3A_198, %lt3A_199 : i32
      %convert_element_type3A_201 = arith.extui %lt3A_200 : i1 to i32
      %cond3A_202 = arith.constant 0 : i32
      %cond3A_203 = arith.cmpi ne, %convert_element_type3A_201, %cond3A_202 : i32
      scf.if %cond3A_203 {
        %add3A_348 = arith.constant 1 : i32
        %add3A_349 = arith.addi %add3A_196, %add3A_348 : i32
        %mul3A_350 = arith.constant 4 : i32
        %mul3A_351 = arith.muli %add3A_349, %mul3A_350 : i32
        %add3A_352 = arith.addi %mul3A_2, %mul3A_351 : i32
        %dma_start3A_353 = arith.constant 0 : i32
        %dma_start3A_354 = tpu.memref_slice %arg2[%add3A_352, %dma_start3A_353] : memref<4096x1024xf32, #tpu.memory_space<hbm>> -> memref<4x1024xf32, #tpu.memory_space<hbm>>
        %dma_start3A_355 = arith.constant 0 : i32
        %dma_start3A_356 = tpu.memref_slice %arg2[%add3A_352, %dma_start3A_355] : memref<4096x1024xf32, #tpu.memory_space<hbm>> -> memref<4x1024xf32, #tpu.memory_space<hbm>>
        tpu.enqueue_dma source(%dma_start3A_356 : memref<4x1024xf32, #tpu.memory_space<hbm>>) target(%arg16 : memref<4x1024xf32, #tpu.memory_space<vmem>>) target_semaphore(%arg22 : memref<!tpu.dma_semaphore, #tpu.memory_space<semaphore_mem>>)
        %dma_start3A_357 = arith.constant 0 : i32
        %dma_start3A_358 = tpu.memref_slice %arg3[%add3A_352, %dma_start3A_357] : memref<4096x1024xf32, #tpu.memory_space<hbm>> -> memref<4x1024xf32, #tpu.memory_space<hbm>>
        %dma_start3A_359 = arith.constant 0 : i32
        %dma_start3A_360 = tpu.memref_slice %arg3[%add3A_352, %dma_start3A_359] : memref<4096x1024xf32, #tpu.memory_space<hbm>> -> memref<4x1024xf32, #tpu.memory_space<hbm>>
        tpu.enqueue_dma source(%dma_start3A_360 : memref<4x1024xf32, #tpu.memory_space<hbm>>) target(%arg18 : memref<4x1024xf32, #tpu.memory_space<vmem>>) target_semaphore(%arg24 : memref<!tpu.dma_semaphore, #tpu.memory_space<semaphore_mem>>)
      } else {
      }
      %dma_wait3A_204 = arith.constant 0 : i32
      %dma_wait3A_205 = arith.constant 0 : i32
      %dma_wait3A_206 = tpu.memref_slice %arg2[%dma_wait3A_204, %dma_wait3A_205] : memref<4096x1024xf32, #tpu.memory_space<hbm>> -> memref<4x1024xf32, #tpu.memory_space<hbm>>
      %dma_wait3A_207 = arith.constant 0 : i32
      %dma_wait3A_208 = arith.constant 0 : i32
      %dma_wait3A_209 = tpu.memref_slice %arg2[%dma_wait3A_207, %dma_wait3A_208] : memref<4096x1024xf32, #tpu.memory_space<hbm>> -> memref<4x1024xf32, #tpu.memory_space<hbm>>
      tpu.wait_dma2 semaphore(%arg23 : memref<!tpu.dma_semaphore, #tpu.memory_space<semaphore_mem>>) src(%dma_wait3A_209 : memref<4x1024xf32, #tpu.memory_space<hbm>>) dst(%arg17 : memref<4x1024xf32, #tpu.memory_space<vmem>>)
      %dma_wait3A_210 = arith.constant 0 : i32
      %dma_wait3A_211 = arith.constant 0 : i32
      %dma_wait3A_212 = tpu.memref_slice %arg3[%dma_wait3A_210, %dma_wait3A_211] : memref<4096x1024xf32, #tpu.memory_space<hbm>> -> memref<4x1024xf32, #tpu.memory_space<hbm>>
      %dma_wait3A_213 = arith.constant 0 : i32
      %dma_wait3A_214 = arith.constant 0 : i32
      %dma_wait3A_215 = tpu.memref_slice %arg3[%dma_wait3A_213, %dma_wait3A_214] : memref<4096x1024xf32, #tpu.memory_space<hbm>> -> memref<4x1024xf32, #tpu.memory_space<hbm>>
      tpu.wait_dma2 semaphore(%arg25 : memref<!tpu.dma_semaphore, #tpu.memory_space<semaphore_mem>>) src(%dma_wait3A_215 : memref<4x1024xf32, #tpu.memory_space<hbm>>) dst(%arg19 : memref<4x1024xf32, #tpu.memory_space<vmem>>)
      %ge3A_216 = arith.constant 2 : i32
      %ge3A_217 = arith.cmpi sge, %add3A_196, %ge3A_216 : i32
      %convert_element_type3A_218 = arith.extui %ge3A_217 : i1 to i32
      %cond3A_219 = arith.constant 0 : i32
      %cond3A_220 = arith.cmpi ne, %convert_element_type3A_218, %cond3A_219 : i32
      scf.if %cond3A_220 {
        %dma_wait3A_348 = arith.constant 0 : i32
        %dma_wait3A_349 = arith.constant 0 : i32
        %dma_wait3A_350 = tpu.memref_slice %arg7[%dma_wait3A_348, %dma_wait3A_349] : memref<4096x8192xf32, #tpu.memory_space<hbm>> -> memref<4x8192xf32, #tpu.memory_space<hbm>>
        %dma_wait3A_351 = arith.constant 0 : i32
        %dma_wait3A_352 = arith.constant 0 : i32
        %dma_wait3A_353 = tpu.memref_slice %arg7[%dma_wait3A_351, %dma_wait3A_352] : memref<4096x8192xf32, #tpu.memory_space<hbm>> -> memref<4x8192xf32, #tpu.memory_space<hbm>>
        tpu.wait_dma2 semaphore(%arg27 : memref<!tpu.dma_semaphore, #tpu.memory_space<semaphore_mem>>) src(%arg21 : memref<4x8192xf32, #tpu.memory_space<vmem>>) dst(%dma_wait3A_353 : memref<4x8192xf32, #tpu.memory_space<hbm>>)
      } else {
      }
      %mul3A_221 = arith.constant 4 : i32
      %mul3A_222 = arith.muli %add3A_196, %mul3A_221 : i32
      %add3A_223 = arith.constant 0 : i32
      %add3A_224 = arith.addi %mul3A_222, %add3A_223 : i32
      %broadcast_in_dim3A_225 = arith.constant 0 : i32
      %broadcast_in_dim3A_226 = vector.broadcast %broadcast_in_dim3A_225 : i32 to vector<16xi32>
      %add3A_227 = vector.broadcast %add3A_224 : i32 to vector<16xi32>
      %add3A_228 = arith.addi %broadcast_in_dim3A_226, %add3A_227 : vector<16xi32>
      %gather3A_229 = tpu.vector_load_idx %arg11[%add3A_228] : memref<128xf32, #tpu.memory_space<vmem>>[vector<16xi32>], vector<16xf32>,
      %gather3A_230 = tpu.vector_load_idx %arg12[%add3A_228] : memref<128xf32, #tpu.memory_space<vmem>>[vector<16xi32>], vector<16xf32>,
      %gather3A_231 = tpu.vector_load_idx %arg13[%add3A_228] : memref<128xf32, #tpu.memory_space<vmem>>[vector<16xi32>], vector<16xf32>,
      %gather3A_232 = tpu.vector_load_idx %arg14[%add3A_228] : memref<128xf32, #tpu.memory_space<vmem>>[vector<16xi32>], vector<16xf32>,
      %broadcast_in_dim3A_233 = arith.constant 0.000000e+00 : f32
      %broadcast_in_dim3A_234 = vector.broadcast %broadcast_in_dim3A_233 : f32 to vector<16xf32>
      %scan3A_235 = arith.constant 0 : i32
      %scan3A_236 = arith.constant 64 : i32
      %scan3A_237 = arith.addi %scan3A_235, %scan3A_236 : i32
      %scan3A_238 = arith.constant 4 : i32
      %scan3A_239 = scf.for %scan3A_348 = %scan3A_235 to %scan3A_237 step %scan3A_238 iter_args(%scan3A_349 = %broadcast_in_dim3A_234) -> (vector<16xf32>)  : i32 {
        %mul3A_350 = arith.constant 16 : i32
        %mul3A_351 = arith.muli %scan3A_348, %mul3A_350 : i32
        %get3A = arith.constant 0 : i32
        %get3A_352 = arith.index_cast %get3A : i32 to index
        %get3A_353 = arith.index_cast %mul3A_351 : i32 to index
        %get3A_354 = tpu.vector_load %arg17[%get3A_352, %get3A_353] {strides = array<i32>} : memref<4x1024xf32, #tpu.memory_space<vmem>>, vector<16xf32>,
        %get3A_355 = arith.constant 0 : i32
        %get3A_356 = arith.index_cast %get3A_355 : i32 to index
        %get3A_357 = arith.index_cast %mul3A_351 : i32 to index
        %get3A_358 = tpu.vector_load %arg19[%get3A_356, %get3A_357] {strides = array<i32>} : memref<4x1024xf32, #tpu.memory_space<vmem>>, vector<16xf32>,
        %mul3A_359 = arith.mulf %get3A_354, %get3A_358 : vector<16xf32>
        %get3A_360 = arith.index_cast %mul3A_351 : i32 to index
        %get3A_361 = tpu.vector_load %arg10[%get3A_360] {strides = array<i32>} : memref<1024xf32, #tpu.memory_space<vmem>>, vector<16xf32>,
        %mul3A_362 = arith.mulf %mul3A_359, %get3A_361 : vector<16xf32>
        %add3A_363 = arith.addf %scan3A_349, %mul3A_362 : vector<16xf32>
        %scan3A_364 = arith.constant 1 : i32
        %scan3A_365 = arith.addi %scan3A_348, %scan3A_364 : i32
        %mul3A_366 = arith.constant 16 : i32
        %mul3A_367 = arith.muli %scan3A_365, %mul3A_366 : i32
        %get3A_368 = arith.constant 0 : i32
        %get3A_369 = arith.index_cast %get3A_368 : i32 to index
        %get3A_370 = arith.index_cast %mul3A_367 : i32 to index
        %get3A_371 = tpu.vector_load %arg17[%get3A_369, %get3A_370] {strides = array<i32>} : memref<4x1024xf32, #tpu.memory_space<vmem>>, vector<16xf32>,
        %get3A_372 = arith.constant 0 : i32
        %get3A_373 = arith.index_cast %get3A_372 : i32 to index
        %get3A_374 = arith.index_cast %mul3A_367 : i32 to index
        %get3A_375 = tpu.vector_load %arg19[%get3A_373, %get3A_374] {strides = array<i32>} : memref<4x1024xf32, #tpu.memory_space<vmem>>, vector<16xf32>,
        %mul3A_376 = arith.mulf %get3A_371, %get3A_375 : vector<16xf32>
        %get3A_377 = arith.index_cast %mul3A_367 : i32 to index
        %get3A_378 = tpu.vector_load %arg10[%get3A_377] {strides = array<i32>} : memref<1024xf32, #tpu.memory_space<vmem>>, vector<16xf32>,
        %mul3A_379 = arith.mulf %mul3A_376, %get3A_378 : vector<16xf32>
        %add3A_380 = arith.addf %add3A_363, %mul3A_379 : vector<16xf32>
        %scan3A_381 = arith.constant 2 : i32
        %scan3A_382 = arith.addi %scan3A_348, %scan3A_381 : i32
        %mul3A_383 = arith.constant 16 : i32
        %mul3A_384 = arith.muli %scan3A_382, %mul3A_383 : i32
        %get3A_385 = arith.constant 0 : i32
        %get3A_386 = arith.index_cast %get3A_385 : i32 to index
        %get3A_387 = arith.index_cast %mul3A_384 : i32 to index
        %get3A_388 = tpu.vector_load %arg17[%get3A_386, %get3A_387] {strides = array<i32>} : memref<4x1024xf32, #tpu.memory_space<vmem>>, vector<16xf32>,
        %get3A_389 = arith.constant 0 : i32
        %get3A_390 = arith.index_cast %get3A_389 : i32 to index
        %get3A_391 = arith.index_cast %mul3A_384 : i32 to index
        %get3A_392 = tpu.vector_load %arg19[%get3A_390, %get3A_391] {strides = array<i32>} : memref<4x1024xf32, #tpu.memory_space<vmem>>, vector<16xf32>,
        %mul3A_393 = arith.mulf %get3A_388, %get3A_392 : vector<16xf32>
        %get3A_394 = arith.index_cast %mul3A_384 : i32 to index
        %get3A_395 = tpu.vector_load %arg10[%get3A_394] {strides = array<i32>} : memref<1024xf32, #tpu.memory_space<vmem>>, vector<16xf32>,
        %mul3A_396 = arith.mulf %mul3A_393, %get3A_395 : vector<16xf32>
        %add3A_397 = arith.addf %add3A_380, %mul3A_396 : vector<16xf32>
        %scan3A_398 = arith.constant 3 : i32
        %scan3A_399 = arith.addi %scan3A_348, %scan3A_398 : i32
        %mul3A_400 = arith.constant 16 : i32
        %mul3A_401 = arith.muli %scan3A_399, %mul3A_400 : i32
        %get3A_402 = arith.constant 0 : i32
        %get3A_403 = arith.index_cast %get3A_402 : i32 to index
        %get3A_404 = arith.index_cast %mul3A_401 : i32 to index
        %get3A_405 = tpu.vector_load %arg17[%get3A_403, %get3A_404] {strides = array<i32>} : memref<4x1024xf32, #tpu.memory_space<vmem>>, vector<16xf32>,
        %get3A_406 = arith.constant 0 : i32
        %get3A_407 = arith.index_cast %get3A_406 : i32 to index
        %get3A_408 = arith.index_cast %mul3A_401 : i32 to index
        %get3A_409 = tpu.vector_load %arg19[%get3A_407, %get3A_408] {strides = array<i32>} : memref<4x1024xf32, #tpu.memory_space<vmem>>, vector<16xf32>,
        %mul3A_410 = arith.mulf %get3A_405, %get3A_409 : vector<16xf32>
        %get3A_411 = arith.index_cast %mul3A_401 : i32 to index
        %get3A_412 = tpu.vector_load %arg10[%get3A_411] {strides = array<i32>} : memref<1024xf32, #tpu.memory_space<vmem>>, vector<16xf32>,
        %mul3A_413 = arith.mulf %mul3A_410, %get3A_412 : vector<16xf32>
        %add3A_414 = arith.addf %add3A_397, %mul3A_413 : vector<16xf32>
        scf.yield %add3A_414 : vector<16xf32>
      }
      %scan3A_240 = arith.constant 64 : i32
      %reduce_sum3A_241 = arith.constant true
      %reduce_sum3A_242 = vector.broadcast %reduce_sum3A_241 : i1 to vector<16xi1>
      %reduce_sum3A_243 = tpu.scan <sum>, %scan3A_239 masked %reduce_sum3A_242 : vector<16xf32>, vector<16xi1> -> vector<16xf32>
      %reduce_sum3A_244 = vector.extract %reduce_sum3A_243[15] : f32 from vector<16xf32>
      %mul3A_245 = vector.broadcast %reduce_sum3A_244 : f32 to vector<16xf32>
      %mul3A_246 = arith.mulf %gather3A_232, %mul3A_245 : vector<16xf32>
      %add3A_247 = arith.addf %gather3A_231, %mul3A_246 : vector<16xf32>
      %mul3A_248 = arith.constant 4 : i32
      %mul3A_249 = arith.muli %add3A_196, %mul3A_248 : i32
      %add3A_250 = arith.constant 1 : i32
      %add3A_251 = arith.addi %mul3A_249, %add3A_250 : i32
      %broadcast_in_dim3A_252 = arith.constant 0 : i32
      %broadcast_in_dim3A_253 = vector.broadcast %broadcast_in_dim3A_252 : i32 to vector<16xi32>
      %add3A_254 = vector.broadcast %add3A_251 : i32 to vector<16xi32>
      %add3A_255 = arith.addi %broadcast_in_dim3A_253, %add3A_254 : vector<16xi32>
      %gather3A_256 = tpu.vector_load_idx %arg11[%add3A_255] : memref<128xf32, #tpu.memory_space<vmem>>[vector<16xi32>], vector<16xf32>,
      %gather3A_257 = tpu.vector_load_idx %arg12[%add3A_255] : memref<128xf32, #tpu.memory_space<vmem>>[vector<16xi32>], vector<16xf32>,
      %gather3A_258 = tpu.vector_load_idx %arg13[%add3A_255] : memref<128xf32, #tpu.memory_space<vmem>>[vector<16xi32>], vector<16xf32>,
      %gather3A_259 = tpu.vector_load_idx %arg14[%add3A_255] : memref<128xf32, #tpu.memory_space<vmem>>[vector<16xi32>], vector<16xf32>,
      %broadcast_in_dim3A_260 = arith.constant 0.000000e+00 : f32
      %broadcast_in_dim3A_261 = vector.broadcast %broadcast_in_dim3A_260 : f32 to vector<16xf32>
      %scan3A_262 = arith.constant 0 : i32
      %scan3A_263 = arith.constant 64 : i32
      %scan3A_264 = arith.addi %scan3A_262, %scan3A_263 : i32
      %scan3A_265 = arith.constant 4 : i32
      %scan3A_266 = scf.for %scan3A_348 = %scan3A_262 to %scan3A_264 step %scan3A_265 iter_args(%scan3A_349 = %broadcast_in_dim3A_261) -> (vector<16xf32>)  : i32 {
        %mul3A_350 = arith.constant 16 : i32
        %mul3A_351 = arith.muli %scan3A_348, %mul3A_350 : i32
        %get3A = arith.constant 1 : i32
        %get3A_352 = arith.index_cast %get3A : i32 to index
        %get3A_353 = arith.index_cast %mul3A_351 : i32 to index
        %get3A_354 = tpu.vector_load %arg17[%get3A_352, %get3A_353] {strides = array<i32>} : memref<4x1024xf32, #tpu.memory_space<vmem>>, vector<16xf32>,
        %get3A_355 = arith.constant 1 : i32
        %get3A_356 = arith.index_cast %get3A_355 : i32 to index
        %get3A_357 = arith.index_cast %mul3A_351 : i32 to index
        %get3A_358 = tpu.vector_load %arg19[%get3A_356, %get3A_357] {strides = array<i32>} : memref<4x1024xf32, #tpu.memory_space<vmem>>, vector<16xf32>,
        %mul3A_359 = arith.mulf %get3A_354, %get3A_358 : vector<16xf32>
        %get3A_360 = arith.index_cast %mul3A_351 : i32 to index
        %get3A_361 = tpu.vector_load %arg10[%get3A_360] {strides = array<i32>} : memref<1024xf32, #tpu.memory_space<vmem>>, vector<16xf32>,
        %mul3A_362 = arith.mulf %mul3A_359, %get3A_361 : vector<16xf32>
        %add3A_363 = arith.addf %scan3A_349, %mul3A_362 : vector<16xf32>
        %scan3A_364 = arith.constant 1 : i32
        %scan3A_365 = arith.addi %scan3A_348, %scan3A_364 : i32
        %mul3A_366 = arith.constant 16 : i32
        %mul3A_367 = arith.muli %scan3A_365, %mul3A_366 : i32
        %get3A_368 = arith.constant 1 : i32
        %get3A_369 = arith.index_cast %get3A_368 : i32 to index
        %get3A_370 = arith.index_cast %mul3A_367 : i32 to index
        %get3A_371 = tpu.vector_load %arg17[%get3A_369, %get3A_370] {strides = array<i32>} : memref<4x1024xf32, #tpu.memory_space<vmem>>, vector<16xf32>,
        %get3A_372 = arith.constant 1 : i32
        %get3A_373 = arith.index_cast %get3A_372 : i32 to index
        %get3A_374 = arith.index_cast %mul3A_367 : i32 to index
        %get3A_375 = tpu.vector_load %arg19[%get3A_373, %get3A_374] {strides = array<i32>} : memref<4x1024xf32, #tpu.memory_space<vmem>>, vector<16xf32>,
        %mul3A_376 = arith.mulf %get3A_371, %get3A_375 : vector<16xf32>
        %get3A_377 = arith.index_cast %mul3A_367 : i32 to index
        %get3A_378 = tpu.vector_load %arg10[%get3A_377] {strides = array<i32>} : memref<1024xf32, #tpu.memory_space<vmem>>, vector<16xf32>,
        %mul3A_379 = arith.mulf %mul3A_376, %get3A_378 : vector<16xf32>
        %add3A_380 = arith.addf %add3A_363, %mul3A_379 : vector<16xf32>
        %scan3A_381 = arith.constant 2 : i32
        %scan3A_382 = arith.addi %scan3A_348, %scan3A_381 : i32
        %mul3A_383 = arith.constant 16 : i32
        %mul3A_384 = arith.muli %scan3A_382, %mul3A_383 : i32
        %get3A_385 = arith.constant 1 : i32
        %get3A_386 = arith.index_cast %get3A_385 : i32 to index
        %get3A_387 = arith.index_cast %mul3A_384 : i32 to index
        %get3A_388 = tpu.vector_load %arg17[%get3A_386, %get3A_387] {strides = array<i32>} : memref<4x1024xf32, #tpu.memory_space<vmem>>, vector<16xf32>,
        %get3A_389 = arith.constant 1 : i32
        %get3A_390 = arith.index_cast %get3A_389 : i32 to index
        %get3A_391 = arith.index_cast %mul3A_384 : i32 to index
        %get3A_392 = tpu.vector_load %arg19[%get3A_390, %get3A_391] {strides = array<i32>} : memref<4x1024xf32, #tpu.memory_space<vmem>>, vector<16xf32>,
        %mul3A_393 = arith.mulf %get3A_388, %get3A_392 : vector<16xf32>
        %get3A_394 = arith.index_cast %mul3A_384 : i32 to index
        %get3A_395 = tpu.vector_load %arg10[%get3A_394] {strides = array<i32>} : memref<1024xf32, #tpu.memory_space<vmem>>, vector<16xf32>,
        %mul3A_396 = arith.mulf %mul3A_393, %get3A_395 : vector<16xf32>
        %add3A_397 = arith.addf %add3A_380, %mul3A_396 : vector<16xf32>
        %scan3A_398 = arith.constant 3 : i32
        %scan3A_399 = arith.addi %scan3A_348, %scan3A_398 : i32
        %mul3A_400 = arith.constant 16 : i32
        %mul3A_401 = arith.muli %scan3A_399, %mul3A_400 : i32
        %get3A_402 = arith.constant 1 : i32
        %get3A_403 = arith.index_cast %get3A_402 : i32 to index
        %get3A_404 = arith.index_cast %mul3A_401 : i32 to index
        %get3A_405 = tpu.vector_load %arg17[%get3A_403, %get3A_404] {strides = array<i32>} : memref<4x1024xf32, #tpu.memory_space<vmem>>, vector<16xf32>,
        %get3A_406 = arith.constant 1 : i32
        %get3A_407 = arith.index_cast %get3A_406 : i32 to index
        %get3A_408 = arith.index_cast %mul3A_401 : i32 to index
        %get3A_409 = tpu.vector_load %arg19[%get3A_407, %get3A_408] {strides = array<i32>} : memref<4x1024xf32, #tpu.memory_space<vmem>>, vector<16xf32>,
        %mul3A_410 = arith.mulf %get3A_405, %get3A_409 : vector<16xf32>
        %get3A_411 = arith.index_cast %mul3A_401 : i32 to index
        %get3A_412 = tpu.vector_load %arg10[%get3A_411] {strides = array<i32>} : memref<1024xf32, #tpu.memory_space<vmem>>, vector<16xf32>,
        %mul3A_413 = arith.mulf %mul3A_410, %get3A_412 : vector<16xf32>
        %add3A_414 = arith.addf %add3A_397, %mul3A_413 : vector<16xf32>
        scf.yield %add3A_414 : vector<16xf32>
      }
      %scan3A_267 = arith.constant 64 : i32
      %reduce_sum3A_268 = arith.constant true
      %reduce_sum3A_269 = vector.broadcast %reduce_sum3A_268 : i1 to vector<16xi1>
      %reduce_sum3A_270 = tpu.scan <sum>, %scan3A_266 masked %reduce_sum3A_269 : vector<16xf32>, vector<16xi1> -> vector<16xf32>
      %reduce_sum3A_271 = vector.extract %reduce_sum3A_270[15] : f32 from vector<16xf32>
      %mul3A_272 = vector.broadcast %reduce_sum3A_271 : f32 to vector<16xf32>
      %mul3A_273 = arith.mulf %gather3A_259, %mul3A_272 : vector<16xf32>
      %add3A_274 = arith.addf %gather3A_258, %mul3A_273 : vector<16xf32>
      %mul3A_275 = arith.constant 4 : i32
      %mul3A_276 = arith.muli %add3A_196, %mul3A_275 : i32
      %add3A_277 = arith.constant 2 : i32
      %add3A_278 = arith.addi %mul3A_276, %add3A_277 : i32
      %broadcast_in_dim3A_279 = arith.constant 0 : i32
      %broadcast_in_dim3A_280 = vector.broadcast %broadcast_in_dim3A_279 : i32 to vector<16xi32>
      %add3A_281 = vector.broadcast %add3A_278 : i32 to vector<16xi32>
      %add3A_282 = arith.addi %broadcast_in_dim3A_280, %add3A_281 : vector<16xi32>
      %gather3A_283 = tpu.vector_load_idx %arg11[%add3A_282] : memref<128xf32, #tpu.memory_space<vmem>>[vector<16xi32>], vector<16xf32>,
      %gather3A_284 = tpu.vector_load_idx %arg12[%add3A_282] : memref<128xf32, #tpu.memory_space<vmem>>[vector<16xi32>], vector<16xf32>,
      %gather3A_285 = tpu.vector_load_idx %arg13[%add3A_282] : memref<128xf32, #tpu.memory_space<vmem>>[vector<16xi32>], vector<16xf32>,
      %gather3A_286 = tpu.vector_load_idx %arg14[%add3A_282] : memref<128xf32, #tpu.memory_space<vmem>>[vector<16xi32>], vector<16xf32>,
      %broadcast_in_dim3A_287 = arith.constant 0.000000e+00 : f32
      %broadcast_in_dim3A_288 = vector.broadcast %broadcast_in_dim3A_287 : f32 to vector<16xf32>
      %scan3A_289 = arith.constant 0 : i32
      %scan3A_290 = arith.constant 64 : i32
      %scan3A_291 = arith.addi %scan3A_289, %scan3A_290 : i32
      %scan3A_292 = arith.constant 4 : i32
      %scan3A_293 = scf.for %scan3A_348 = %scan3A_289 to %scan3A_291 step %scan3A_292 iter_args(%scan3A_349 = %broadcast_in_dim3A_288) -> (vector<16xf32>)  : i32 {
        %mul3A_350 = arith.constant 16 : i32
        %mul3A_351 = arith.muli %scan3A_348, %mul3A_350 : i32
        %get3A = arith.constant 2 : i32
        %get3A_352 = arith.index_cast %get3A : i32 to index
        %get3A_353 = arith.index_cast %mul3A_351 : i32 to index
        %get3A_354 = tpu.vector_load %arg17[%get3A_352, %get3A_353] {strides = array<i32>} : memref<4x1024xf32, #tpu.memory_space<vmem>>, vector<16xf32>,
        %get3A_355 = arith.constant 2 : i32
        %get3A_356 = arith.index_cast %get3A_355 : i32 to index
        %get3A_357 = arith.index_cast %mul3A_351 : i32 to index
        %get3A_358 = tpu.vector_load %arg19[%get3A_356, %get3A_357] {strides = array<i32>} : memref<4x1024xf32, #tpu.memory_space<vmem>>, vector<16xf32>,
        %mul3A_359 = arith.mulf %get3A_354, %get3A_358 : vector<16xf32>
        %get3A_360 = arith.index_cast %mul3A_351 : i32 to index
        %get3A_361 = tpu.vector_load %arg10[%get3A_360] {strides = array<i32>} : memref<1024xf32, #tpu.memory_space<vmem>>, vector<16xf32>,
        %mul3A_362 = arith.mulf %mul3A_359, %get3A_361 : vector<16xf32>
        %add3A_363 = arith.addf %scan3A_349, %mul3A_362 : vector<16xf32>
        %scan3A_364 = arith.constant 1 : i32
        %scan3A_365 = arith.addi %scan3A_348, %scan3A_364 : i32
        %mul3A_366 = arith.constant 16 : i32
        %mul3A_367 = arith.muli %scan3A_365, %mul3A_366 : i32
        %get3A_368 = arith.constant 2 : i32
        %get3A_369 = arith.index_cast %get3A_368 : i32 to index
        %get3A_370 = arith.index_cast %mul3A_367 : i32 to index
        %get3A_371 = tpu.vector_load %arg17[%get3A_369, %get3A_370] {strides = array<i32>} : memref<4x1024xf32, #tpu.memory_space<vmem>>, vector<16xf32>,
        %get3A_372 = arith.constant 2 : i32
        %get3A_373 = arith.index_cast %get3A_372 : i32 to index
        %get3A_374 = arith.index_cast %mul3A_367 : i32 to index
        %get3A_375 = tpu.vector_load %arg19[%get3A_373, %get3A_374] {strides = array<i32>} : memref<4x1024xf32, #tpu.memory_space<vmem>>, vector<16xf32>,
        %mul3A_376 = arith.mulf %get3A_371, %get3A_375 : vector<16xf32>
        %get3A_377 = arith.index_cast %mul3A_367 : i32 to index
        %get3A_378 = tpu.vector_load %arg10[%get3A_377] {strides = array<i32>} : memref<1024xf32, #tpu.memory_space<vmem>>, vector<16xf32>,
        %mul3A_379 = arith.mulf %mul3A_376, %get3A_378 : vector<16xf32>
        %add3A_380 = arith.addf %add3A_363, %mul3A_379 : vector<16xf32>
        %scan3A_381 = arith.constant 2 : i32
        %scan3A_382 = arith.addi %scan3A_348, %scan3A_381 : i32
        %mul3A_383 = arith.constant 16 : i32
        %mul3A_384 = arith.muli %scan3A_382, %mul3A_383 : i32
        %get3A_385 = arith.constant 2 : i32
        %get3A_386 = arith.index_cast %get3A_385 : i32 to index
        %get3A_387 = arith.index_cast %mul3A_384 : i32 to index
        %get3A_388 = tpu.vector_load %arg17[%get3A_386, %get3A_387] {strides = array<i32>} : memref<4x1024xf32, #tpu.memory_space<vmem>>, vector<16xf32>,
        %get3A_389 = arith.constant 2 : i32
        %get3A_390 = arith.index_cast %get3A_389 : i32 to index
        %get3A_391 = arith.index_cast %mul3A_384 : i32 to index
        %get3A_392 = tpu.vector_load %arg19[%get3A_390, %get3A_391] {strides = array<i32>} : memref<4x1024xf32, #tpu.memory_space<vmem>>, vector<16xf32>,
        %mul3A_393 = arith.mulf %get3A_388, %get3A_392 : vector<16xf32>
        %get3A_394 = arith.index_cast %mul3A_384 : i32 to index
        %get3A_395 = tpu.vector_load %arg10[%get3A_394] {strides = array<i32>} : memref<1024xf32, #tpu.memory_space<vmem>>, vector<16xf32>,
        %mul3A_396 = arith.mulf %mul3A_393, %get3A_395 : vector<16xf32>
        %add3A_397 = arith.addf %add3A_380, %mul3A_396 : vector<16xf32>
        %scan3A_398 = arith.constant 3 : i32
        %scan3A_399 = arith.addi %scan3A_348, %scan3A_398 : i32
        %mul3A_400 = arith.constant 16 : i32
        %mul3A_401 = arith.muli %scan3A_399, %mul3A_400 : i32
        %get3A_402 = arith.constant 2 : i32
        %get3A_403 = arith.index_cast %get3A_402 : i32 to index
        %get3A_404 = arith.index_cast %mul3A_401 : i32 to index
        %get3A_405 = tpu.vector_load %arg17[%get3A_403, %get3A_404] {strides = array<i32>} : memref<4x1024xf32, #tpu.memory_space<vmem>>, vector<16xf32>,
        %get3A_406 = arith.constant 2 : i32
        %get3A_407 = arith.index_cast %get3A_406 : i32 to index
        %get3A_408 = arith.index_cast %mul3A_401 : i32 to index
        %get3A_409 = tpu.vector_load %arg19[%get3A_407, %get3A_408] {strides = array<i32>} : memref<4x1024xf32, #tpu.memory_space<vmem>>, vector<16xf32>,
        %mul3A_410 = arith.mulf %get3A_405, %get3A_409 : vector<16xf32>
        %get3A_411 = arith.index_cast %mul3A_401 : i32 to index
        %get3A_412 = tpu.vector_load %arg10[%get3A_411] {strides = array<i32>} : memref<1024xf32, #tpu.memory_space<vmem>>, vector<16xf32>,
        %mul3A_413 = arith.mulf %mul3A_410, %get3A_412 : vector<16xf32>
        %add3A_414 = arith.addf %add3A_397, %mul3A_413 : vector<16xf32>
        scf.yield %add3A_414 : vector<16xf32>
      }
      %scan3A_294 = arith.constant 64 : i32
      %reduce_sum3A_295 = arith.constant true
      %reduce_sum3A_296 = vector.broadcast %reduce_sum3A_295 : i1 to vector<16xi1>
      %reduce_sum3A_297 = tpu.scan <sum>, %scan3A_293 masked %reduce_sum3A_296 : vector<16xf32>, vector<16xi1> -> vector<16xf32>
      %reduce_sum3A_298 = vector.extract %reduce_sum3A_297[15] : f32 from vector<16xf32>
      %mul3A_299 = vector.broadcast %reduce_sum3A_298 : f32 to vector<16xf32>
      %mul3A_300 = arith.mulf %gather3A_286, %mul3A_299 : vector<16xf32>
      %add3A_301 = arith.addf %gather3A_285, %mul3A_300 : vector<16xf32>
      %mul3A_302 = arith.constant 4 : i32
      %mul3A_303 = arith.muli %add3A_196, %mul3A_302 : i32
      %add3A_304 = arith.constant 3 : i32
      %add3A_305 = arith.addi %mul3A_303, %add3A_304 : i32
      %broadcast_in_dim3A_306 = arith.constant 0 : i32
      %broadcast_in_dim3A_307 = vector.broadcast %broadcast_in_dim3A_306 : i32 to vector<16xi32>
      %add3A_308 = vector.broadcast %add3A_305 : i32 to vector<16xi32>
      %add3A_309 = arith.addi %broadcast_in_dim3A_307, %add3A_308 : vector<16xi32>
      %gather3A_310 = tpu.vector_load_idx %arg11[%add3A_309] : memref<128xf32, #tpu.memory_space<vmem>>[vector<16xi32>], vector<16xf32>,
      %gather3A_311 = tpu.vector_load_idx %arg12[%add3A_309] : memref<128xf32, #tpu.memory_space<vmem>>[vector<16xi32>], vector<16xf32>,
      %gather3A_312 = tpu.vector_load_idx %arg13[%add3A_309] : memref<128xf32, #tpu.memory_space<vmem>>[vector<16xi32>], vector<16xf32>,
      %gather3A_313 = tpu.vector_load_idx %arg14[%add3A_309] : memref<128xf32, #tpu.memory_space<vmem>>[vector<16xi32>], vector<16xf32>,
      %broadcast_in_dim3A_314 = arith.constant 0.000000e+00 : f32
      %broadcast_in_dim3A_315 = vector.broadcast %broadcast_in_dim3A_314 : f32 to vector<16xf32>
      %scan3A_316 = arith.constant 0 : i32
      %scan3A_317 = arith.constant 64 : i32
      %scan3A_318 = arith.addi %scan3A_316, %scan3A_317 : i32
      %scan3A_319 = arith.constant 4 : i32
      %scan3A_320 = scf.for %scan3A_348 = %scan3A_316 to %scan3A_318 step %scan3A_319 iter_args(%scan3A_349 = %broadcast_in_dim3A_315) -> (vector<16xf32>)  : i32 {
        %mul3A_350 = arith.constant 16 : i32
        %mul3A_351 = arith.muli %scan3A_348, %mul3A_350 : i32
        %get3A = arith.constant 3 : i32
        %get3A_352 = arith.index_cast %get3A : i32 to index
        %get3A_353 = arith.index_cast %mul3A_351 : i32 to index
        %get3A_354 = tpu.vector_load %arg17[%get3A_352, %get3A_353] {strides = array<i32>} : memref<4x1024xf32, #tpu.memory_space<vmem>>, vector<16xf32>,
        %get3A_355 = arith.constant 3 : i32
        %get3A_356 = arith.index_cast %get3A_355 : i32 to index
        %get3A_357 = arith.index_cast %mul3A_351 : i32 to index
        %get3A_358 = tpu.vector_load %arg19[%get3A_356, %get3A_357] {strides = array<i32>} : memref<4x1024xf32, #tpu.memory_space<vmem>>, vector<16xf32>,
        %mul3A_359 = arith.mulf %get3A_354, %get3A_358 : vector<16xf32>
        %get3A_360 = arith.index_cast %mul3A_351 : i32 to index
        %get3A_361 = tpu.vector_load %arg10[%get3A_360] {strides = array<i32>} : memref<1024xf32, #tpu.memory_space<vmem>>, vector<16xf32>,
        %mul3A_362 = arith.mulf %mul3A_359, %get3A_361 : vector<16xf32>
        %add3A_363 = arith.addf %scan3A_349, %mul3A_362 : vector<16xf32>
        %scan3A_364 = arith.constant 1 : i32
        %scan3A_365 = arith.addi %scan3A_348, %scan3A_364 : i32
        %mul3A_366 = arith.constant 16 : i32
        %mul3A_367 = arith.muli %scan3A_365, %mul3A_366 : i32
        %get3A_368 = arith.constant 3 : i32
        %get3A_369 = arith.index_cast %get3A_368 : i32 to index
        %get3A_370 = arith.index_cast %mul3A_367 : i32 to index
        %get3A_371 = tpu.vector_load %arg17[%get3A_369, %get3A_370] {strides = array<i32>} : memref<4x1024xf32, #tpu.memory_space<vmem>>, vector<16xf32>,
        %get3A_372 = arith.constant 3 : i32
        %get3A_373 = arith.index_cast %get3A_372 : i32 to index
        %get3A_374 = arith.index_cast %mul3A_367 : i32 to index
        %get3A_375 = tpu.vector_load %arg19[%get3A_373, %get3A_374] {strides = array<i32>} : memref<4x1024xf32, #tpu.memory_space<vmem>>, vector<16xf32>,
        %mul3A_376 = arith.mulf %get3A_371, %get3A_375 : vector<16xf32>
        %get3A_377 = arith.index_cast %mul3A_367 : i32 to index
        %get3A_378 = tpu.vector_load %arg10[%get3A_377] {strides = array<i32>} : memref<1024xf32, #tpu.memory_space<vmem>>, vector<16xf32>,
        %mul3A_379 = arith.mulf %mul3A_376, %get3A_378 : vector<16xf32>
        %add3A_380 = arith.addf %add3A_363, %mul3A_379 : vector<16xf32>
        %scan3A_381 = arith.constant 2 : i32
        %scan3A_382 = arith.addi %scan3A_348, %scan3A_381 : i32
        %mul3A_383 = arith.constant 16 : i32
        %mul3A_384 = arith.muli %scan3A_382, %mul3A_383 : i32
        %get3A_385 = arith.constant 3 : i32
        %get3A_386 = arith.index_cast %get3A_385 : i32 to index
        %get3A_387 = arith.index_cast %mul3A_384 : i32 to index
        %get3A_388 = tpu.vector_load %arg17[%get3A_386, %get3A_387] {strides = array<i32>} : memref<4x1024xf32, #tpu.memory_space<vmem>>, vector<16xf32>,
        %get3A_389 = arith.constant 3 : i32
        %get3A_390 = arith.index_cast %get3A_389 : i32 to index
        %get3A_391 = arith.index_cast %mul3A_384 : i32 to index
        %get3A_392 = tpu.vector_load %arg19[%get3A_390, %get3A_391] {strides = array<i32>} : memref<4x1024xf32, #tpu.memory_space<vmem>>, vector<16xf32>,
        %mul3A_393 = arith.mulf %get3A_388, %get3A_392 : vector<16xf32>
        %get3A_394 = arith.index_cast %mul3A_384 : i32 to index
        %get3A_395 = tpu.vector_load %arg10[%get3A_394] {strides = array<i32>} : memref<1024xf32, #tpu.memory_space<vmem>>, vector<16xf32>,
        %mul3A_396 = arith.mulf %mul3A_393, %get3A_395 : vector<16xf32>
        %add3A_397 = arith.addf %add3A_380, %mul3A_396 : vector<16xf32>
        %scan3A_398 = arith.constant 3 : i32
        %scan3A_399 = arith.addi %scan3A_348, %scan3A_398 : i32
        %mul3A_400 = arith.constant 16 : i32
        %mul3A_401 = arith.muli %scan3A_399, %mul3A_400 : i32
        %get3A_402 = arith.constant 3 : i32
        %get3A_403 = arith.index_cast %get3A_402 : i32 to index
        %get3A_404 = arith.index_cast %mul3A_401 : i32 to index
        %get3A_405 = tpu.vector_load %arg17[%get3A_403, %get3A_404] {strides = array<i32>} : memref<4x1024xf32, #tpu.memory_space<vmem>>, vector<16xf32>,
        %get3A_406 = arith.constant 3 : i32
        %get3A_407 = arith.index_cast %get3A_406 : i32 to index
        %get3A_408 = arith.index_cast %mul3A_401 : i32 to index
        %get3A_409 = tpu.vector_load %arg19[%get3A_407, %get3A_408] {strides = array<i32>} : memref<4x1024xf32, #tpu.memory_space<vmem>>, vector<16xf32>,
        %mul3A_410 = arith.mulf %get3A_405, %get3A_409 : vector<16xf32>
        %get3A_411 = arith.index_cast %mul3A_401 : i32 to index
        %get3A_412 = tpu.vector_load %arg10[%get3A_411] {strides = array<i32>} : memref<1024xf32, #tpu.memory_space<vmem>>, vector<16xf32>,
        %mul3A_413 = arith.mulf %mul3A_410, %get3A_412 : vector<16xf32>
        %add3A_414 = arith.addf %add3A_397, %mul3A_413 : vector<16xf32>
        scf.yield %add3A_414 : vector<16xf32>
      }
      %scan3A_321 = arith.constant 64 : i32
      %reduce_sum3A_322 = arith.constant true
      %reduce_sum3A_323 = vector.broadcast %reduce_sum3A_322 : i1 to vector<16xi1>
      %reduce_sum3A_324 = tpu.scan <sum>, %scan3A_320 masked %reduce_sum3A_323 : vector<16xf32>, vector<16xi1> -> vector<16xf32>
      %reduce_sum3A_325 = vector.extract %reduce_sum3A_324[15] : f32 from vector<16xf32>
      %mul3A_326 = vector.broadcast %reduce_sum3A_325 : f32 to vector<16xf32>
      %mul3A_327 = arith.mulf %gather3A_313, %mul3A_326 : vector<16xf32>
      %add3A_328 = arith.addf %gather3A_312, %mul3A_327 : vector<16xf32>
      %broadcast_in_dim3A_329 = arith.constant 0 : i32
      %broadcast_in_dim3A_330 = vector.broadcast %broadcast_in_dim3A_329 : i32 to vector<16xi32>
      %broadcast_in_dim3A_331 = arith.constant 1 : i32
      %broadcast_in_dim3A_332 = vector.broadcast %broadcast_in_dim3A_331 : i32 to vector<16xi32>
      %broadcast_in_dim3A_333 = arith.constant 2 : i32
      %broadcast_in_dim3A_334 = vector.broadcast %broadcast_in_dim3A_333 : i32 to vector<16xi32>
      %broadcast_in_dim3A_335 = arith.constant 3 : i32
      %broadcast_in_dim3A_336 = vector.broadcast %broadcast_in_dim3A_335 : i32 to vector<16xi32>
      %parallel_loop3A_337 = arith.constant 0 : i32
      %parallel_loop3A_338 = arith.constant 256 : i32
      %parallel_loop3A_339 = arith.constant 1 : i32
      scf.for %parallel_loop3A_348 = %parallel_loop3A_337 to %parallel_loop3A_338 step %parallel_loop3A_339  : i32 {
        %parallel_loop3A_349 = arith.constant 16 : i32
        %parallel_loop3A_350 = arith.muli %parallel_loop3A_348, %parallel_loop3A_349 : i32
        %parallel_loop3A_351 = arith.constant 16 : i32
        %parallel_loop3A_352 = arith.muli %parallel_loop3A_348, %parallel_loop3A_351 : i32
        %parallel_loop3A_353 = arith.constant 4096 : i32
        %parallel_loop3A_354 = arith.addi %parallel_loop3A_353, %parallel_loop3A_352 : i32
        %parallel_loop3A_355 = arith.index_cast %parallel_loop3A_350 : i32 to index
        %parallel_loop3A_356 = tpu.vector_load %arg8[%parallel_loop3A_355] {strides = array<i32>} : memref<4096xi32, #tpu.memory_space<vmem>>, vector<16xi32>,
        %parallel_loop3A_357 = tpu.vector_load_idx %arg17[%broadcast_in_dim3A_330, %parallel_loop3A_356] : memref<4x1024xf32, #tpu.memory_space<vmem>>[vector<16xi32>, vector<16xi32>], vector<16xf32>,
        %parallel_loop3A_358 = arith.mulf %parallel_loop3A_357, %gather3A_229 : vector<16xf32>
        %parallel_loop3A_359 = arith.addf %parallel_loop3A_358, %gather3A_230 : vector<16xf32>
        %parallel_loop3A_360 = arith.constant 0 : i32
        %parallel_loop3A_361 = arith.index_cast %parallel_loop3A_360 : i32 to index
        %parallel_loop3A_362 = arith.index_cast %parallel_loop3A_350 : i32 to index
        %parallel_loop3A_363 = tpu.vector_load %arg21[%parallel_loop3A_361, %parallel_loop3A_362] {strides = array<i32>} : memref<4x8192xf32, #tpu.memory_space<vmem>>, vector<16xf32>,
        tpu.vector_store %arg21[%parallel_loop3A_361, %parallel_loop3A_362], %parallel_loop3A_359 {strides = array<i32>} : memref<4x8192xf32, #tpu.memory_space<vmem>>, vector<16xf32>,
        %parallel_loop3A_364 = arith.constant 0 : i32
        %parallel_loop3A_365 = arith.index_cast %parallel_loop3A_364 : i32 to index
        %parallel_loop3A_366 = arith.index_cast %parallel_loop3A_354 : i32 to index
        %parallel_loop3A_367 = tpu.vector_load %arg21[%parallel_loop3A_365, %parallel_loop3A_366] {strides = array<i32>} : memref<4x8192xf32, #tpu.memory_space<vmem>>, vector<16xf32>,
        tpu.vector_store %arg21[%parallel_loop3A_365, %parallel_loop3A_366], %add3A_247 {strides = array<i32>} : memref<4x8192xf32, #tpu.memory_space<vmem>>, vector<16xf32>,
        %parallel_loop3A_368 = tpu.vector_load_idx %arg17[%broadcast_in_dim3A_332, %parallel_loop3A_356] : memref<4x1024xf32, #tpu.memory_space<vmem>>[vector<16xi32>, vector<16xi32>], vector<16xf32>,
        %parallel_loop3A_369 = arith.mulf %parallel_loop3A_368, %gather3A_256 : vector<16xf32>
        %parallel_loop3A_370 = arith.addf %parallel_loop3A_369, %gather3A_257 : vector<16xf32>
        %parallel_loop3A_371 = arith.constant 1 : i32
        %parallel_loop3A_372 = arith.index_cast %parallel_loop3A_371 : i32 to index
        %parallel_loop3A_373 = arith.index_cast %parallel_loop3A_350 : i32 to index
        %parallel_loop3A_374 = tpu.vector_load %arg21[%parallel_loop3A_372, %parallel_loop3A_373] {strides = array<i32>} : memref<4x8192xf32, #tpu.memory_space<vmem>>, vector<16xf32>,
        tpu.vector_store %arg21[%parallel_loop3A_372, %parallel_loop3A_373], %parallel_loop3A_370 {strides = array<i32>} : memref<4x8192xf32, #tpu.memory_space<vmem>>, vector<16xf32>,
        %parallel_loop3A_375 = arith.constant 1 : i32
        %parallel_loop3A_376 = arith.index_cast %parallel_loop3A_375 : i32 to index
        %parallel_loop3A_377 = arith.index_cast %parallel_loop3A_354 : i32 to index
        %parallel_loop3A_378 = tpu.vector_load %arg21[%parallel_loop3A_376, %parallel_loop3A_377] {strides = array<i32>} : memref<4x8192xf32, #tpu.memory_space<vmem>>, vector<16xf32>,
        tpu.vector_store %arg21[%parallel_loop3A_376, %parallel_loop3A_377], %add3A_274 {strides = array<i32>} : memref<4x8192xf32, #tpu.memory_space<vmem>>, vector<16xf32>,
        %parallel_loop3A_379 = tpu.vector_load_idx %arg17[%broadcast_in_dim3A_334, %parallel_loop3A_356] : memref<4x1024xf32, #tpu.memory_space<vmem>>[vector<16xi32>, vector<16xi32>], vector<16xf32>,
        %parallel_loop3A_380 = arith.mulf %parallel_loop3A_379, %gather3A_283 : vector<16xf32>
        %parallel_loop3A_381 = arith.addf %parallel_loop3A_380, %gather3A_284 : vector<16xf32>
        %parallel_loop3A_382 = arith.constant 2 : i32
        %parallel_loop3A_383 = arith.index_cast %parallel_loop3A_382 : i32 to index
        %parallel_loop3A_384 = arith.index_cast %parallel_loop3A_350 : i32 to index
        %parallel_loop3A_385 = tpu.vector_load %arg21[%parallel_loop3A_383, %parallel_loop3A_384] {strides = array<i32>} : memref<4x8192xf32, #tpu.memory_space<vmem>>, vector<16xf32>,
        tpu.vector_store %arg21[%parallel_loop3A_383, %parallel_loop3A_384], %parallel_loop3A_381 {strides = array<i32>} : memref<4x8192xf32, #tpu.memory_space<vmem>>, vector<16xf32>,
        %parallel_loop3A_386 = arith.constant 2 : i32
        %parallel_loop3A_387 = arith.index_cast %parallel_loop3A_386 : i32 to index
        %parallel_loop3A_388 = arith.index_cast %parallel_loop3A_354 : i32 to index
        %parallel_loop3A_389 = tpu.vector_load %arg21[%parallel_loop3A_387, %parallel_loop3A_388] {strides = array<i32>} : memref<4x8192xf32, #tpu.memory_space<vmem>>, vector<16xf32>,
        tpu.vector_store %arg21[%parallel_loop3A_387, %parallel_loop3A_388], %add3A_301 {strides = array<i32>} : memref<4x8192xf32, #tpu.memory_space<vmem>>, vector<16xf32>,
        %parallel_loop3A_390 = tpu.vector_load_idx %arg17[%broadcast_in_dim3A_336, %parallel_loop3A_356] : memref<4x1024xf32, #tpu.memory_space<vmem>>[vector<16xi32>, vector<16xi32>], vector<16xf32>,
        %parallel_loop3A_391 = arith.mulf %parallel_loop3A_390, %gather3A_310 : vector<16xf32>
        %parallel_loop3A_392 = arith.addf %parallel_loop3A_391, %gather3A_311 : vector<16xf32>
        %parallel_loop3A_393 = arith.constant 3 : i32
        %parallel_loop3A_394 = arith.index_cast %parallel_loop3A_393 : i32 to index
        %parallel_loop3A_395 = arith.index_cast %parallel_loop3A_350 : i32 to index
        %parallel_loop3A_396 = tpu.vector_load %arg21[%parallel_loop3A_394, %parallel_loop3A_395] {strides = array<i32>} : memref<4x8192xf32, #tpu.memory_space<vmem>>, vector<16xf32>,
        tpu.vector_store %arg21[%parallel_loop3A_394, %parallel_loop3A_395], %parallel_loop3A_392 {strides = array<i32>} : memref<4x8192xf32, #tpu.memory_space<vmem>>, vector<16xf32>,
        %parallel_loop3A_397 = arith.constant 3 : i32
        %parallel_loop3A_398 = arith.index_cast %parallel_loop3A_397 : i32 to index
        %parallel_loop3A_399 = arith.index_cast %parallel_loop3A_354 : i32 to index
        %parallel_loop3A_400 = tpu.vector_load %arg21[%parallel_loop3A_398, %parallel_loop3A_399] {strides = array<i32>} : memref<4x8192xf32, #tpu.memory_space<vmem>>, vector<16xf32>,
        tpu.vector_store %arg21[%parallel_loop3A_398, %parallel_loop3A_399], %add3A_328 {strides = array<i32>} : memref<4x8192xf32, #tpu.memory_space<vmem>>, vector<16xf32>,
      } {sc.loop_unroll_factor = 8 : i64, sc.parallel_access}
      %mul3A_340 = arith.constant 4 : i32
      %mul3A_341 = arith.muli %add3A_196, %mul3A_340 : i32
      %add3A_342 = arith.addi %mul3A_2, %mul3A_341 : i32
      %dma_start3A_343 = arith.constant 0 : i32
      %dma_start3A_344 = tpu.memref_slice %arg7[%add3A_342, %dma_start3A_343] : memref<4096x8192xf32, #tpu.memory_space<hbm>> -> memref<4x8192xf32, #tpu.memory_space<hbm>>
      %dma_start3A_345 = arith.constant 0 : i32
      %dma_start3A_346 = tpu.memref_slice %arg7[%add3A_342, %dma_start3A_345] : memref<4096x8192xf32, #tpu.memory_space<hbm>> -> memref<4x8192xf32, #tpu.memory_space<hbm>>
      tpu.enqueue_dma source(%arg21 : memref<4x8192xf32, #tpu.memory_space<vmem>>) target(%dma_start3A_346 : memref<4x8192xf32, #tpu.memory_space<hbm>>) target_semaphore(%arg27 : memref<!tpu.dma_semaphore, #tpu.memory_space<semaphore_mem>>)
      %scan3A_347 = arith.constant 0 : i32
      scf.yield %scan3A_347 : i32
    }
    %scan3A_32 = arith.constant 16 : i32
    %dma_wait3A = arith.constant 0 : i32
    %dma_wait3A_33 = arith.constant 0 : i32
    %dma_wait3A_34 = tpu.memref_slice %arg7[%dma_wait3A, %dma_wait3A_33] : memref<4096x8192xf32, #tpu.memory_space<hbm>> -> memref<4x8192xf32, #tpu.memory_space<hbm>>
    %dma_wait3A_35 = arith.constant 0 : i32
    %dma_wait3A_36 = arith.constant 0 : i32
    %dma_wait3A_37 = tpu.memref_slice %arg7[%dma_wait3A_35, %dma_wait3A_36] : memref<4096x8192xf32, #tpu.memory_space<hbm>> -> memref<4x8192xf32, #tpu.memory_space<hbm>>
    tpu.wait_dma2 semaphore(%arg26 : memref<!tpu.dma_semaphore, #tpu.memory_space<semaphore_mem>>) src(%arg20 : memref<4x8192xf32, #tpu.memory_space<vmem>>) dst(%dma_wait3A_37 : memref<4x8192xf32, #tpu.memory_space<hbm>>)
    %dma_wait3A_38 = arith.constant 0 : i32
    %dma_wait3A_39 = arith.constant 0 : i32
    %dma_wait3A_40 = tpu.memref_slice %arg7[%dma_wait3A_38, %dma_wait3A_39] : memref<4096x8192xf32, #tpu.memory_space<hbm>> -> memref<4x8192xf32, #tpu.memory_space<hbm>>
    %dma_wait3A_41 = arith.constant 0 : i32
    %dma_wait3A_42 = arith.constant 0 : i32
    %dma_wait3A_43 = tpu.memref_slice %arg7[%dma_wait3A_41, %dma_wait3A_42] : memref<4096x8192xf32, #tpu.memory_space<hbm>> -> memref<4x8192xf32, #tpu.memory_space<hbm>>
    tpu.wait_dma2 semaphore(%arg27 : memref<!tpu.dma_semaphore, #tpu.memory_space<semaphore_mem>>) src(%arg21 : memref<4x8192xf32, #tpu.memory_space<vmem>>) dst(%dma_wait3A_43 : memref<4x8192xf32, #tpu.memory_space<hbm>>)
    return
  }
}

</mosaic_0001>

<sc_bundles>
// kernel: kernel.3.cloned.1.call-start
scs
__scs_entry_jumppad:
0x0: {  	(pc) =	sbr.rel $0x88, $3  }
0x1: {  	(tag) =	ssettag $0x0;
	lr =	simm.s32 $0x1  }
0x2: {  	[smem:$0x3F99] =	sst lr;
	_ =	strace $0xD0000000  }
0x3: {  	_ = 	snop  }
0x4: {  	_ = 	snop  }
0x5: {  	_ = 	snop  }
0x6: {  	_ = 	snop  }
0x7: {  	_ = 	snop  }
__scs_overlays_trampoline_lowered:
0x8: {  	[smem:$0x3FA8] =	sst s0  }
0x9: {  	[smem:$0x3FA9] =	sst s1  }
0xa: {  	[smem:$0x3FAA] =	sst s2  }
0xb: {  	[smem:$0x3FAB] =	sst s3  }
0xc: {  	[smem:$0x3FAC] =	sst s4  }
0xd: {  	[smem:$0x3FAD] =	sst s5  }
0xe: {  	[smem:$0x3FAE] =	sst s6  }
0xf: {  	[smem:$0x3FAF] =	sst s7  }
0x10: {  	[smem:$0x3FB0] =	sst s8  }
0x11: {  	[smem:$0x3FB1] =	sst s9;
	s0 =	simm.s32 @!p0 $0x0  }
0x12: {  	s1 =	sld [smem:$0x3F97];
	s0 =	simm.s32 @p0 $0x1  }
0x13: {  	[smem:$0x3FB2] =	sst s0;
	s0 =	simm.s32 @!p1 $0x0  }
0x14: {  	s2 =	sld [smem:$0x3F96];
	s0 =	simm.s32 @p1 $0x1  }
0x15: {  	[smem:$0x3FB3] =	sst s0;
	s0 =	simm.s32 @!p2 $0x0  }
0x16: {  	s3 =	sld [smem:$0x3FDB];
	s0 =	simm.s32 @p2 $0x1  }
0x17: {  	s4 =	simm.s32 $0x1BF5;
	[smem:$0x3FB5] =	sst s0  }
0x18: {  	s0 =	sld [smem:$0x3F98];
	_ =	swait.ge [sflag:s4], $0x0  }
0x19: {  	s7 =	sld [smem:$0x3F99]  }
0x1a: {  	s8 =	sadd.s32 $0xFFFFE003, lr  }
0x1b: {  	s9 =	sadd.s32 $0xFFFFFEF7, lr;
	s5 =	simm.s32 $0xFFFFFFFF;
	p2 =	slt.u32 s8, $0xFFFFF086  }
0x1c: {  	p1 =	slt.u32 s9, $0xF7A;
	s5 =	simm.s32 @!p2 $0x0  }
0x1d: {  	s5 =	simm.s32 @p1 $0x1;
	p0 =	seq.s32 s7, s2  }
0x1e: {  	s7 =	smul.u32 @!p0 $0xF7A, s2;
	p2 =	seq.s32 @!p0 s5, $0x0  }
0x1f: {  	s9 =	smul.u32 $0xF7A, s1;
	s8 =	simm.s32 @!p0 $0x1BF5;
	p2 =	por !p2, p0  }
0x20: {  	[sflag:s8] =	ssyncset.s32 @!p0 $0xFFFFF086;
	s6 =	sadd.s32 @!p0 s3, s7;
	s7 =	simm.s32 @!p0 $0x108  }
0x21: {  	s3 =	sadd.s32 s3, s9;
	s6 =	sadd.s32 @!p0 $0x88, s6;
	s7 =	simm.s32 @p2 $0x1082  }
0x22: {  	[simem:s7], [sflag:s8] =	dma.local @!p0 [hbm:s6], $0xF7A  }
0x23: {  	s9 =	sor.u32 $0xD0000000, s2;
	s6 =	simm.s32 $0x108;
	_ =	swait.ge @!p0 [sflag:s8], $0x0  }
0x24: {  	s3 =	sadd.s32 $0x88, s3;
	s6 =	simm.s32 @!p1 $0x1082;
	[sflag:s4] =	ssyncset.s32 $0xFFFFF086  }
0x25: {  	[simem:s6], [sflag:s4] =	dma.local [hbm:s3], $0xF7A  }
0x26: {  	[smem:$0x3F99] =	sst s1;
	(tag) =	ssettag s2;
	_ =	strace s9  }
0x27: {  	s1 =	sld [smem:$0x3FA9]  }
0x28: {  	s2 =	sld [smem:$0x3FAA]  }
0x29: {  	s4 =	sld [smem:$0x3FAC]  }
0x2a: {  	p0 =	seq.s32 s5, $0x0;
	s5 =	sld [smem:$0x3FAD]  }
0x2b: {  	s6 =	sld [smem:$0x3FAE]  }
0x2c: {  	s7 =	sld [smem:$0x3FAF]  }
0x2d: {  	s3 =	simm.s32 $0x108;
	s8 =	sld [smem:$0x3FB0]  }
0x2e: {  	s3 =	simm.s32 @!p0 $0x1082;
	s9 =	sld [smem:$0x3FB1]  }
0x2f: {  	lr =	sadd.s32 s0, s3;
	s0 =	sld [smem:$0x3FA8]  }
0x30: {  	s3 =	sld [smem:$0x3FAB]  }
0x31: {  	[smem:$0x3FB4] =	sst s10  }
0x32: {  	s10 =	sld [smem:$0x3FB2];
	_ =	sdelay $0x3  }
0x33: {  	p0 =	seq.s32 s10, $0x1;
	s10 =	sld [smem:$0x3FB4];
	_ =	sdelay $0x3  }
0x34: {  	[smem:$0x3FB4] =	sst s10  }
0x35: {  	s10 =	sld [smem:$0x3FB3];
	_ =	sdelay $0x3  }
0x36: {  	p1 =	seq.s32 s10, $0x1;
	s10 =	sld [smem:$0x3FB4];
	_ =	sdelay $0x3  }
0x37: {  	[smem:$0x3FB4] =	sst s10  }
0x38: {  	s10 =	sld [smem:$0x3FB5]  }
0x39: {  	_ = 	snop;
	(pc) =	sbr.ind lr, $3  }
0x3a: {  	_ = 	snop  }
0x3b: {  	_ = 	snop  }
0x3c: {  	p2 =	seq.s32 s10, $0x1;
	s10 =	sld [smem:$0x3FB4]  }
0x3d: {  	_ =	shalt  }
0x3e: {  	_ =	shalt  }
0x3f: {  	_ =	shalt  }
0x40: {  	_ =	shalt  }
0x41: {  	_ =	shalt  }
0x42: {  	_ =	shalt  }
0x43: {  	_ =	shalt  }
0x44: {  	_ =	shalt  }
0x45: {  	_ =	shalt  }
0x46: {  	_ =	shalt  }
0x47: {  	_ =	shalt  }
0x48: {  	_ =	shalt  }
0x49: {  	_ =	shalt  }
0x4a: {  	_ =	shalt  }
0x4b: {  	_ =	shalt  }
0x4c: {  	_ =	shalt  }
0x4d: {  	_ =	shalt  }
0x4e: {  	_ =	shalt  }
0x4f: {  	_ =	shalt  }
0x50: {  	_ =	shalt  }
0x51: {  	_ =	shalt  }
0x52: {  	_ =	shalt  }
0x53: {  	_ =	shalt  }
0x54: {  	_ =	shalt  }
0x55: {  	_ =	shalt  }
0x56: {  	_ =	shalt  }
0x57: {  	_ =	shalt  }
0x58: {  	_ =	shalt  }
0x59: {  	_ =	shalt  }
0x5a: {  	_ =	shalt  }
0x5b: {  	_ =	shalt  }
0x5c: {  	_ =	shalt  }
0x5d: {  	_ =	shalt  }
0x5e: {  	_ =	shalt  }
0x5f: {  	_ =	shalt  }
0x60: {  	_ =	shalt  }
0x61: {  	_ =	shalt  }
0x62: {  	_ =	shalt  }
0x63: {  	_ =	shalt  }
0x64: {  	_ =	shalt  }
0x65: {  	_ =	shalt  }
0x66: {  	_ =	shalt  }
0x67: {  	_ =	shalt  }
0x68: {  	_ =	shalt  }
0x69: {  	_ =	shalt  }
0x6a: {  	_ =	shalt  }
0x6b: {  	_ =	shalt  }
0x6c: {  	_ =	shalt  }
0x6d: {  	_ =	shalt  }
0x6e: {  	_ =	shalt  }
0x6f: {  	_ =	shalt  }
0x70: {  	_ =	shalt  }
0x71: {  	_ =	shalt  }
0x72: {  	_ =	shalt  }
0x73: {  	_ =	shalt  }
0x74: {  	_ =	shalt  }
0x75: {  	_ =	shalt  }
0x76: {  	_ =	shalt  }
0x77: {  	_ =	shalt  }
0x78: {  	_ =	shalt  }
0x79: {  	_ =	shalt  }
0x7a: {  	_ =	shalt  }
0x7b: {  	_ =	shalt  }
0x7c: {  	_ =	shalt  }
0x7d: {  	_ =	shalt  }
0x7e: {  	_ =	shalt  }
0x7f: {  	_ =	shalt  }
0x80: {  	_ =	shalt  }
0x81: {  	_ =	shalt  }
0x82: {  	_ =	shalt  }
0x83: {  	_ =	shalt  }
0x84: {  	_ =	shalt  }
0x85: {  	_ =	shalt  }
0x86: {  	_ =	shalt  }
0x87: {  	_ =	shalt  }
.Lfunc_end0:
.L_simem_size_0:
called_computation_lowered:
.L_overlay_start_0:
0x88: {  	s2 =	sld [smem:$0x3FD9]  }
0x89: {  	s3 =	sld [smem:$0x3FFE];
	_ =	sdelay $0x1  }
0x8a: {  	s1 =	srdreg.scid  }
0x8b: {  	s0 =	sand.u32 $0x1, s1  }
0x8c: {  	s17 =	sshll.u32 s0, $0xA;
	s2 =	sadd.s32 s3, s2  }
0x8d: {  	s2 =	sadd.s32 s2, s17  }
0x8e: {  	[smem:$0x3FC0] =	sst s2  }
0x8f: {  	_ = 	snop  }
0x90: {  	s2 =	sld [smem:$0x3FC9]  }
0x91: {  	s18 =	sld [smem:$0x3FC8]  }
0x92: {  	s4 =	sld [smem:$0x3FC3]  }
0x93: {  	s5 =	sld [smem:$0x3FC2]  }
0x94: {  	s6 =	sld [smem:$0x3FD0];
	(tm) =	ssettm $0x1  }
0x95: {  	s7 =	sld [smem:$0x3FFB];
	_ =	sdelay $0x3  }
0x96: {  	_ =	strace s7  }
0x97: {  	s7 =	sld [smem:$0x3FFC];
	_ =	sdelay $0x3  }
0x98: {  	_ =	strace s7  }
0x99: {  	s7 =	sld [smem:$0x3FFD];
	_ =	sdelay $0x3  }
0x9a: {  	_ =	strace s7  }
0x9b: {  	_ =	strace $0x8FFFFFFF  }
0x9c: {  	s19 =	sld [smem:$0x3FDB];
	_ =	sdelay $0x1  }
0x9d: {  	s8 =	simm.s32 $_scs_section_size  }
0x9e: {  	s9 =	simm.s32 $_size__tile_overlayer_lowered;
	s10 =	simm.s32 $_tile_overlayer_lowered  }
0x9f: {  	s22 =	simm.s32 $0x1BFF;
	s21 =	sshll.u32 s10, $0x1;
	s7 =	sadd.s32 s8, s19  }
0xa0: {  	s11 =	simm.s32 $0x0;
	s20 =	sshll.u32 s9, $0x1;
	s9 =	sadd.s32 s21, s7  }
0xa1: {  	[timem:s11], [sflag:s22] =	dma.local [hbm:s9], s20  }
0xa2: {  	_ =	swait.ge [sflag:s22], s20  }
0xa3: {  	s8 =	ssub.s32 $0x0, s20;
	[sflag:s22] =	ssyncset.done $0x0  }
0xa4: {  	[sflag:s22] =	ssyncadd.s32 s8;
	_ =	sdelay $0x1  }
0xa5: {  	s23 =	simm.s32 $0x1B8B  }
0xa6: {  	_ =	swait.ge [sflag:s23], $0x1  }
0xa7: {  	[sflag:s23] =	ssyncset.done $0x0  }
0xa8: {  	s25 =	simm.s32 $0x1B8E;
	s24 =	sld [smem:$0x3FFE];
	[sflag:s23] =	ssyncadd.s32 $0xFFFFFFFF  }
0xa9: {  	s26 =	simm.s32 $execute0_lowered;
	[smem:$0x3FD2] =	sst s25  }
0xaa: {  	s9 =	sshll.u32 s26, $0x1;
	_ =	strace $0x80000046;
	[dreg:$0x1] =	wrdreg $0xFFFFFFFF  }
0xab: {  	s28 =	simm.s32 $_size_execute0_lowered;
	s7 =	sadd.s32 s7, s9;
	[dreg:$0x0] =	wrdreg $0x0  }
0xac: {  	s9 =	sshll.u32 s28, $0x1;
	[dreg:$0x2] =	wrdreg s7  }
0xad: {  	[dreg:$0x3] =	wrdreg s9  }
0xae: {  	[dreg:$0x4] =	wrdreg $0xC0  }
0xaf: {  	_ =	task [dreg:s11], $0x5FFFF  }
0xb0: {  	[dreg:$0x1] =	wrdreg $0xFFFFFFFF  }
0xb1: {  	[dreg:$0x0] =	wrdreg $0x60  }
0xb2: {  	[dreg:$0x2] =	wrdreg s2  }
0xb3: {  	[dreg:$0x3] =	wrdreg s18  }
0xb4: {  	[dreg:$0x4] =	wrdreg s24  }
0xb5: {  	[dreg:$0x5] =	wrdreg s4  }
0xb6: {  	[dreg:$0x6] =	wrdreg s5  }
0xb7: {  	[dreg:$0x7] =	wrdreg s6  }
0xb8: {  	[dreg:$0x8] =	wrdreg $0x9  }
0xb9: {  	_ =	task.clear_ibuf [dreg:s11], $0x9FFFF;
	_ =	strace $0x90000046  }
0xba: {  	s29 =	simm.s32 $0x9;
	_ =	strace $0x80000048  }
0xbb: {  	_ =	swait.ge [sflag:s29], $0x1  }
0xbc: {  	[sflag:s29] =	ssyncadd.s32 $0xFFFFFFFF  }
0xbd: {  	_ =	strace $0x90000048  }
0xbe: {  	_ =	sfence  }
0xbf: {  	s30 =	sld [smem:$0x0];
	_ =	sdelay $0x2  }
0xc0: {  	s31 =	sshll.u32 s1, $0xD;
	s1 =	sshrl.u32 s1, $0x2  }
0xc1: {  	s3 =	sand.u32 $0x4000, s31;
	s1 =	sadd.s32 s1, s30  }
0xc2: {  	s0 =	sor.u32 s3, s0;
	s1 =	sshll.u32 s1, $0x11  }
0xc3: {  	s0 =	sor.u32 s1, s0  }
0xc4: {  	s0 =	sadd.s32 $0x8F2B, s0  }
0xc5: {  	[sflag:s0] =	ssyncadd.remote.s32 $0x1  }
0xc6: {  	_ =	sfence.sel $0xFFFF  }
0xc7: {  	[dreg:$0x0] =	wrdreg $0xFFFFFFFF;
	(pc) =	sbr.abs _section_cstart, $3  }
0xc8: {  	[dreg:$0x1] =	wrdreg $0xFFFFFFFF  }
0xc9: {  	_ =	task.clear_ibuf [dreg:s11], $0x2FFFF;
	_ =	strace $0x9FFFFFFF  }
0xca: {  	(tm) =	ssettm $0x7FFFFFFF  }
0xcb: {  	_ =	shalt  }
tec
execute0_lowered:
.L_overlay_start_1:
0x0: {  	(tag) =	ssettag $0x1  }
0x1: {  	s24 =	rddreg [dreg:$0x0]  }
0x2: {  	s0 =	rddreg [dreg:$0x1]  }
0x3: {  	s1 =	rddreg [dreg:$0x2]  }
0x4: {  	s6 =	rddreg [dreg:$0x5]  }
0x5: {  	s3 =	srdreg.scid;
	s2 =	stileid.u32;
	s7 =	simm.s32 $0x0  }
0x6: {  	s18 =	simm.s32 $0x1A00;
	s19 =	simm.s32 $0x200;
	s28 =	simm.s32 $0x1800  }
0x7: {  	s29 =	simm.s32 $0x1880;
	s30 =	simm.s32 $0x1900;
	s31 =	simm.s32 $0x1980  }
0x8: {  	s3 =	sand.u32 $0x1, s3;
	s4 =	sshll.u32 s2, $0x8;
	[smem:$0x7FF] =	sst s7  }
0x9: {  	s13 =	smov.u32 s0;
	s23 =	sadd.s32 $0x40, s6;
	s5 =	sshll.u32 s3, $0x7  }
0xa: {  	_ =	strace $0x80000047;
	s3 =	ssub.s32 $0x2, s3;
	[dreg:$0xb] =	wrdreg s23  }
0xb: {  	s23 =	simm.s32 $0x6A00;
	s2 =	sor.u32 s5, s4;
	s20 =	sshrl.u32 s3, $0x1  }
0xc: {  	s4 =	sshll.u32 s2, $0x4;
	s15 =	smov.u32 s2;
	s5 =	sshll.u32 s2, $0x7  }
0xd: {  	s3 =	ssub.s32 s3, s20;
	s20 =	simm.s32 $0x400;
	s21 =	sadd.s32 s24, s5  }
0xe: {  	s2 =	simm.s32 $0x0;
	s0 =	sadd.s32 s0, s5;
	[dreg:$0x8] =	wrdreg s21  }
0xf: {  	s1 =	sadd.s32 s4, s1;
	s22 =	sor.u32 $0x400, s5;
	[dreg:$0x9] =	wrdreg s0  }
0x10: {  	s25 =	smax.u32 s3, $0x1;
	s26 =	sor.u32 $0x40, s5;
	[dreg:$0xa] =	wrdreg s22  }
0x11: {  	s4 =	simm.s32 $0x2;
	s3 =	simm.s32 $0x4;
	[dreg:$0xc] =	wrdreg s25  }
0x12: {  	v0 =	vlaneseq.u32;
	s1 =	sadd.s32 $0x400, s1;
	[dreg:$0xd] =	wrdreg s26;
	s21 =	simm.s32 $0x5A00  }
0x13: {  	v0 =	vmul.u32 $0x80, v0;
	s25 =	simm.s32 $0x1;
	s26 =	simm.s32 $0x3;
	[dreg:$0x7] =	wrdreg s1  }
.LBB2_1:
0x14: {  	[dreg:$0xe] =	wrdreg s2  }
0x15: {  	s0 =	rddreg [dreg:$0x4];
	s1 =	simm.s32 $0x0;
	s16 =	simm.s32 $0x7  }
0x16: {  	[tilespmem:s1], [sflag:$0x7] =	stream.linear.gather [hbm4b:s0+s1], $0x1000, $0x38;
	[tilespmem:$0x19A00] =	vst v63  }
0x17: {  	_ =	swait.ge [sflag:s16], $0x1000  }
0x18: {  	[sflag:s16] =	ssyncset.done $0x0  }
0x19: {  	[sflag:s16] =	ssyncadd.s32 $0xFFFFF000  }
0x1a: {  	s5 =	simm.s32 $0x1000;
	s17 =	rddreg [dreg:$0x3]  }
0x1b: {  	[tilespmem:s5], [sflag:$0x7] =	stream.linear.gather [hbm4b:s17+s1], $0x400, $0x38;
	[tilespmem:$0x19A00] =	vst v63  }
0x1c: {  	_ =	swait.ge [sflag:s16], $0x400  }
0x1d: {  	[sflag:s16] =	ssyncset.done $0x0  }
0x1e: {  	s22 =	rddreg [dreg:$0x7];
	[sflag:s16] =	ssyncadd.s32 $0xFFFFFC00  }
0x1f: {  	[tilespmem:s18], [sflag:$0x7] =	stream.linear.gather [hbm4b:s22+s1], $0x4000, $0x38;
	[tilespmem:$0x19A00] =	vst v63  }
0x20: {  	_ =	swait.ge [sflag:s16], $0x4000  }
0x21: {  	[sflag:s16] =	ssyncset.done $0x0  }
0x22: {  	s1 =	simm.s32 $0x0;
	[sflag:s16] =	ssyncadd.s32 $0xFFFFC000  }
0x23: {  	v1 =	vld [tilespmem:s1+$0x1000]  }
0x24: {  	s6 =	simm.s32 $0x40  }
.LBB2_2:
0x25: {  	p0 =	sne.s32 s6, $0xFC0  }
.Ltmp0:
0x26: {  	_ = 	snop;
	(pc) =	sbr.rel @p0 .LBB2_2-.Ltmp0, $4  }
0x27: {  	_ = 	snop  }
0x28: {  	s7 =	sshra.s32 s6, $0x2;
	s6 =	sadd.s32 $0x40, s6;
	v2 =	vcvt.s32.f32 v1  }
0x29: {  	v1 =	vld [tilespmem:s7+$0x1000]  }
0x2a: {  	[tilespmem:s1+$0x1400] =	vst v2;
	s1 =	smov.u32 s7  }
0x2b: {  	s6 =	simm.s32 $0x0  }
0x2c: {  	v2 =	vmov s6  }
0x2d: {  	v2 =	vshll.u32 v2, $0x7  }
0x2e: {  	v2 =	vor.u32 v0, v2  }
0x2f: {  	v3 =	vor.u32 $0x1, v2;
	_ =	sdelay $0x1  }
0x30: {  	v1 =	vcvt.s32.f32 v1;
	_ =	sdelay $0x1  }
0x31: {  	[tilespmem:s1+$0x1400] =	vst v1  }
0x32: {  	v1 =	vld.idx.msk [tilespmem:v3+s18+$0x0], $0xffff  }
0x33: {  	v3 =	vld.idx.msk [tilespmem:v2+s18+$0x0], $0xffff;
	_ =	sdelay $0x3  }
0x34: {  	v4 =	vmul.f32 $9.999999740e-05, v1  }
0x35: {  	v1 =	vmax.f32 v3, v1  }
0x36: {  	v5 =	vor.u32 $0x3, v2;
	(erf) = vrcp.f32 v1;
	v4 =	vmax.f32 v4, $1.000000000e+00  }
0x37: {  	v1 =	vor.u32 $0x2, v2;
	(erf) = vrcp.f32 v4;
	_ =	sdelay $0x1  }
0x38: {  	(erf) = vrcp.f32 v3;
	_ =	sdelay $0x1  }
0x39: {  	v2 =	vld.idx.msk [tilespmem:v5+s18+$0x0], $0xffff  }
0x3a: {  	v1 =	vld.idx.msk [tilespmem:v1+s18+$0x0], $0xffff  }
0x3b: {  	s22 =	simm.s32 $0x10  }
0x3c: {  	v3 =	vmov s22  }
0x3d: {  	v3 =	vshll.u32 v3, $0x7;
	v4 =	vpop (erf)  }
0x3e: {  	s6 =	simm.s32 $0x1800;
	v3 =	vor.u32 v0, v3;
	v2 =	vmul.f32 v4, v2;
	v5 =	vpop (erf)  }
0x3f: {  	s7 =	simm.s32 $0x1880;
	v6 =	vmul.f32 $4.999999870e-05, v1;
	v4 =	vor.u32 $0x1, v3;
	[tilespmem:s6+$0x0] =	vst v5  }
0x40: {  	s9 =	simm.s32 $0x1900;
	s11 =	simm.s32 $0x1980;
	v7 =	vpop (erf);
	[tilespmem:s7+$0x0] =	vst v2  }
0x41: {  	s10 =	simm.s32 $0x1910;
	s1 =	simm.s32 $0x20;
	v1 =	vor.u32 $0x3, v3;
	v2 =	vor.u32 $0x2, v3;
	v5 =	vmul.f32 v5, v7;
	[tilespmem:s9+$0x0] =	vst v6;
	s9 =	simm.s32 $0x1990  }
.LBB2_4:
0x42: {  	s6 =	sadd.s32 $0x10, s6;
	s7 =	sadd.s32 $0x10, s7  }
0x43: {  	[tilespmem:s11+$0x0] =	vst v5;
	s14 =	smov.u32 s1;
	s16 =	sadd.s32 $0x10, s1;
	s11 =	smov.u32 s9  }
0x44: {  	p0 =	sne.s32 s1, $0x70;
	v4 =	vld.idx.msk [tilespmem:v4+s18+$0x0], $0xffff  }
0x45: {  	v3 =	vld.idx.msk [tilespmem:v3+s18+$0x0], $0xffff;
	_ =	sdelay $0x4  }
0x46: {  	v5 =	vmul.f32 $9.999999740e-05, v4  }
0x47: {  	v4 =	vmax.f32 v3, v4  }
0x48: {  	v5 =	vmax.f32 v5, $1.000000000e+00;
	(erf) = vrcp.f32 v4  }
0x49: {  	(erf) = vrcp.f32 v5  }
0x4a: {  	(erf) = vrcp.f32 v3;
	_ =	sdelay $0x1  }
0x4b: {  	v5 =	vld.idx.msk [tilespmem:v1+s18+$0x0], $0xffff  }
0x4c: {  	v6 =	vld.idx.msk [tilespmem:v2+s18+$0x0], $0xffff;
	_ =	sdelay $0x1  }
0x4d: {  	v1 =	vmov s14  }
0x4e: {  	v1 =	vshll.u32 v1, $0x7  }
.Ltmp1:
0x4f: {  	v3 =	vor.u32 v0, v1;
	v2 =	vpop (erf);
	(pc) =	sbr.rel @p0 .LBB2_4-.Ltmp1, $4  }
0x50: {  	v4 =	vor.u32 $0x1, v3;
	v1 =	vor.u32 $0x3, v3;
	v5 =	vmul.f32 v2, v5;
	v7 =	vpop (erf)  }
0x51: {  	v2 =	vor.u32 $0x2, v3;
	v6 =	vmul.f32 $4.999999870e-05, v6;
	[tilespmem:s6+$0x0] =	vst v7;
	v8 =	vpop (erf)  }
0x52: {  	[tilespmem:s7+$0x0] =	vst v5;
	v5 =	vmul.f32 v7, v8  }
0x53: {  	s9 =	sadd.s32 $0x10, s9;
	s1 =	smov.u32 s16;
	[tilespmem:s10+$0x0] =	vst v6;
	s10 =	sadd.s32 $0x10, s10  }
0x54: {  	_ =	sdelay $0x2  }
0x55: {  	[tilespmem:s11+$0x0] =	vst v5  }
0x56: {  	v4 =	vld.idx.msk [tilespmem:v4+s18+$0x0], $0xffff  }
0x57: {  	v3 =	vld.idx.msk [tilespmem:v3+s18+$0x0], $0xffff;
	_ =	sdelay $0x3  }
0x58: {  	v62 =	vmul.f32 $9.999999740e-05, v4  }
0x59: {  	v4 =	vmax.f32 v3, v4  }
0x5a: {  	(erf) = vrcp.f32 v4;
	v5 =	vmax.f32 v62, $1.000000000e+00  }
0x5b: {  	(erf) = vrcp.f32 v5  }
0x5c: {  	(erf) = vrcp.f32 v3;
	_ =	sdelay $0x2  }
0x5d: {  	v1 =	vld.idx.msk [tilespmem:v1+s18+$0x0], $0xffff  }
0x5e: {  	v2 =	vld.idx.msk [tilespmem:v2+s18+$0x0], $0xffff;
	_ =	sdelay $0x2  }
0x5f: {  	v3 =	vpop (erf)  }
0x60: {  	s1 =	sadd.s32 $0x10, s6;
	v1 =	vmul.f32 v3, v1;
	v3 =	vpop (erf)  }
0x61: {  	s16 =	sadd.s32 $0x10, s7;
	v2 =	vmul.f32 $4.999999870e-05, v2;
	[tilespmem:s1+$0x0] =	vst v3;
	v63 =	vpop (erf)  }
0x62: {  	[tilespmem:s16+$0x0] =	vst v1;
	v1 =	vmul.f32 v3, v63  }
0x63: {  	s0 =	rddreg [dreg:$0x8];
	[tilespmem:s10+$0x0] =	vst v2  }
0x64: {  	s17 =	rddreg [dreg:$0x9];
	[tilespmem:s9+$0x0] =	vst v1  }
0x65: {  	[tilespmem:s21], [sflag:$0x1] =	stream.strided.gather [hbm4b:s0+s19], $0x1000, s20, s19, $0x38;
	[tilespmem:$0x19A00] =	vst v63  }
0x66: {  	s22 =	simm.s32 $0x7A00;
	s11 =	simm.s32 $0x0;
	s10 =	simm.s32 $0x0  }
0x67: {  	[tilespmem:s22], [sflag:$0x3] =	stream.strided.gather [hbm4b:s17+s19], $0x1000, s20, s19, $0x38;
	[tilespmem:$0x19A00] =	vst v63  }
.LBB2_6:
0x68: {  	s7 =	sshll.u32 s11, $0xA;
	s0 =	rddreg [dreg:$0xd]  }
0x69: {  	s1 =	sor.u32 s0, s7  }
0x6a: {  	s6 =	sadd.s32 s24, s1  }
0x6b: {  	[tilespmem:s23], [sflag:$0x2] =	stream.strided.gather [hbm4b:s6+s19], $0x1000, s20, s19, $0x38;
	[tilespmem:$0x19A00] =	vst v63  }
0x6c: {  	s22 =	simm.s32 $0x8A00;
	s1 =	sadd.s32 s13, s1  }
0x6d: {  	[tilespmem:s22], [sflag:$0x4] =	stream.strided.gather [hbm4b:s1+s19], $0x1000, s20, s19, $0x38;
	[tilespmem:$0x19A00] =	vst v63  }
0x6e: {  	s14 =	sshll.u32 s11, $0x3;
	_ =	swait.ge [sflag:s25], $0x1000  }
0x6f: {  	v1 =	vmov s14;
	[sflag:s25] =	ssyncset.done $0x0  }
0x70: {  	v1 =	vand.u32 $0xFFFFFFF8, v1;
	[sflag:s25] =	ssyncadd.s32 $0xFFFFF000  }
0x71: {  	v3 =	vbroadcast v1, $0x0;
	_ =	swait.ge [sflag:s26], $0x1000  }
0x72: {  	p0 =	seq.s32 s11, $0x0;
	[sflag:s26] =	ssyncset.done $0x0  }
0x73: {  	s1 =	simm.s32 @!p0 $0x5;
	[sflag:s26] =	ssyncadd.s32 $0xFFFFF000  }
0x74: {  	_ =	swait.ge @!p0 [sflag:s1], $0x8000  }
0x75: {  	[sflag:s1] =	ssyncset.done @!p0 $0x0  }
0x76: {  	[sflag:s1] =	ssyncadd.s32 @!p0 $0xFFFF8000  }
0x77: {  	v1 =	vld.idx.msk [tilespmem:v3+s28+$0x0], $0xffff  }
0x78: {  	v2 =	vld.idx.msk [tilespmem:v3+s29+$0x0], $0xffff  }
0x79: {  	s12 =	smov.u32 s24;
	v9 =	vld.idx.msk [tilespmem:v3+s30+$0x0], $0xffff  }
0x7a: {  	s9 =	sand.u32 $0x40, s10;
	s16 =	sand.u32 $0xE00, s10;
	s24 =	simm.s32 $0x0;
	v10 =	vld.idx.msk [tilespmem:v3+s31+$0x0], $0xffff  }
0x7b: {  	s2 =	sand.u32 $0x380, s10;
	s0 =	sor.u32 s9, s16;
	v6 =	vld [tilespmem:s24+$0x1400]  }
0x7c: {  	s17 =	sor.u32 $0x20, s9;
	s6 =	sor.u32 $0x1400, s2;
	v3 =	vld [tilespmem:s0+$0x5A00]  }
0x7d: {  	s5 =	sor.u32 $0x10, s9;
	s22 =	sor.u32 s17, s6;
	v4 =	vld [tilespmem:s0+$0x7A00]  }
0x7e: {  	s8 =	sor.u32 s5, s6;
	v5 =	vld [tilespmem:s22+$0x0]  }
0x7f: {  	s1 =	sor.u32 s16, s5;
	v8 =	vld [tilespmem:s8+$0x0]  }
0x80: {  	v16 =	vld [tilespmem:s1+$0x5A00]  }
0x81: {  	s17 =	sor.u32 s16, s17;
	v18 =	vld [tilespmem:s1+$0x7A00]  }
0x82: {  	v14 =	vld [tilespmem:s17+$0x5A00];
	s24 =	sor.u32 $0x30, s9  }
0x83: {  	s22 =	sor.u32 $0x4, s14;
	v15 =	vld [tilespmem:s17+$0x7A00];
	s1 =	sor.u32 s16, s24  }
0x84: {  	v17 =	vimm.f32 $0.0e+00;
	s9 =	simm.s32 $0x0;
	s17 =	simm.s32 $0x0;
	s16 =	simm.s32 $0x100;
	v13 =	vld [tilespmem:s1+$0x5A00];
	v19 =	vmul.f32 v4, v3  }
.LBB2_7:
0x85: {  	s5 =	sshra.s32 s16, $0x2;
	v3 =	vld [tilespmem:s1+$0x7A00];
	s17 =	sadd.s32 $0x40, s17  }
0x86: {  	s0 =	sand.u32 $0xE00, s16;
	s1 =	sand.u32 $0x40, s17;
	v4 =	vmul.f32 v6, v19;
	v6 =	vld [tilespmem:s5+$0x1400];
	v7 =	vmul.f32 v18, v16;
	s5 =	sor.u32 s24, s6  }
0x87: {  	s6 =	sand.u32 $0x380, s17;
	s24 =	sor.u32 s1, s0;
	v11 =	vld [tilespmem:s5+$0x0]  }
0x88: {  	s6 =	sor.u32 $0x1400, s6;
	s5 =	sor.u32 $0x20, s1;
	v12 =	vld [tilespmem:s24+$0x5A00];
	v4 =	vadd.f32 v4, v17;
	v7 =	vmul.f32 v8, v7;
	v8 =	vmul.f32 v15, v14  }
0x89: {  	s9 =	sadd.s32 $0x4, s9;
	s2 =	sor.u32 s5, s6;
	v19 =	vld [tilespmem:s24+$0x7A00];
	s24 =	sor.u32 $0x10, s1  }
0x8a: {  	p1 =	slt.u32 s9, $0x3C;
	s8 =	sor.u32 s24, s6;
	v4 =	vadd.f32 v7, v4;
	v7 =	vmul.f32 v5, v8;
	v5 =	vld [tilespmem:s2+$0x0];
	v3 =	vmul.f32 v3, v13  }
0x8b: {  	s2 =	sor.u32 s0, s24;
	v8 =	vld [tilespmem:s8+$0x0]  }
.Ltmp2:
0x8c: {  	v16 =	vld [tilespmem:s2+$0x5A00];
	v4 =	vadd.f32 v7, v4;
	v3 =	vmul.f32 v11, v3;
	(pc) =	sbr.rel @p1 .LBB2_7-.Ltmp2, $4  }
0x8d: {  	v18 =	vld [tilespmem:s2+$0x7A00];
	s2 =	sor.u32 s0, s5  }
0x8e: {  	s24 =	sor.u32 $0x30, s1;
	v14 =	vld [tilespmem:s2+$0x5A00];
	v17 =	vadd.f32 v3, v4  }
0x8f: {  	s1 =	sor.u32 s0, s24;
	v15 =	vld [tilespmem:s2+$0x7A00]  }
0x90: {  	s16 =	sadd.s32 $0x100, s16;
	v19 =	vmul.f32 v19, v12;
	v13 =	vld [tilespmem:s1+$0x5A00]  }
0x91: {  	s0 =	sor.u32 $0x1, s14  }
0x92: {  	v3 =	vmov s0  }
0x93: {  	v3 =	vand.u32 $0xFFFFFFF9, v3  }
0x94: {  	s8 =	sor.u32 s24, s6;
	s6 =	simm.s32 $0x0;
	v7 =	vbroadcast v3, $0x0  }
0x95: {  	v20 =	vld [tilespmem:s1+$0x7A00];
	s1 =	sand.u32 $0x40, s6;
	s2 =	sand.u32 $0xE00, s6  }
0x96: {  	v21 =	vld [tilespmem:s8+$0x0];
	s16 =	sor.u32 s1, s2  }
0x97: {  	v6 =	vmul.f32 v6, v19;
	s24 =	sor.u32 $0x10, s1;
	v19 =	vld [tilespmem:s16+$0x5A80]  }
0x98: {  	v25 =	vld [tilespmem:s16+$0x7A80];
	s0 =	sor.u32 s24, s2  }
0x99: {  	v22 =	vld [tilespmem:s0+$0x5A80]  }
0x9a: {  	v3 =	vld.idx.msk [tilespmem:v7+s28+$0x0], $0xffff  }
0x9b: {  	v4 =	vld.idx.msk [tilespmem:v7+s29+$0x0], $0xffff  }
0x9c: {  	v16 =	vmul.f32 v18, v16;
	v11 =	vld.idx.msk [tilespmem:v7+s30+$0x0], $0xffff  }
0x9d: {  	s9 =	simm.s32 $0x0;
	s5 =	sand.u32 $0x380, s6;
	v12 =	vld.idx.msk [tilespmem:v7+s31+$0x0], $0xffff  }
0x9e: {  	s17 =	sor.u32 $0x20, s1;
	v6 =	vadd.f32 v6, v17;
	v16 =	vmul.f32 v8, v16;
	v15 =	vmul.f32 v15, v14;
	v7 =	vld [tilespmem:s9+$0x1400];
	s9 =	sor.u32 $0x1400, s5  }
0x9f: {  	v24 =	vld [tilespmem:s0+$0x7A80];
	s8 =	sor.u32 s17, s9  }
0xa0: {  	v6 =	vadd.f32 v16, v6;
	v5 =	vmul.f32 v5, v15;
	v13 =	vmul.f32 v20, v13;
	s16 =	sor.u32 s24, s9;
	v8 =	vld [tilespmem:s8+$0x0]  }
0xa1: {  	s17 =	sor.u32 s17, s2;
	v14 =	vld [tilespmem:s16+$0x0]  }
0xa2: {  	v5 =	vadd.f32 v5, v6;
	v6 =	vmul.f32 v21, v13;
	s24 =	sor.u32 $0x30, s1;
	v18 =	vld [tilespmem:s17+$0x5A80]  }
0xa3: {  	v20 =	vld [tilespmem:s17+$0x7A80];
	s1 =	sor.u32 s24, s2  }
0xa4: {  	v23 =	vimm.f32 $0.0e+00;
	v25 =	vmul.f32 v25, v19;
	v17 =	vadd.f32 v6, v5;
	s16 =	simm.s32 $0x0;
	s17 =	simm.s32 $0x100;
	v16 =	vld [tilespmem:s1+$0x5A80]  }
.LBB2_9:
0xa5: {  	s0 =	sshra.s32 s17, $0x2;
	v5 =	vld [tilespmem:s1+$0x7A80];
	s6 =	sadd.s32 $0x40, s6  }
0xa6: {  	s2 =	sand.u32 $0xE00, s17;
	s1 =	sand.u32 $0x40, s6;
	v6 =	vmul.f32 v7, v25;
	v7 =	vld [tilespmem:s0+$0x1400];
	v13 =	vmul.f32 v24, v22;
	s0 =	sor.u32 s24, s9  }
0xa7: {  	s8 =	sand.u32 $0x380, s6;
	s5 =	sor.u32 s1, s2;
	v15 =	vld [tilespmem:s0+$0x0]  }
0xa8: {  	s9 =	sor.u32 $0x1400, s8;
	s0 =	sor.u32 $0x20, s1;
	v19 =	vld [tilespmem:s5+$0x5A80];
	v6 =	vadd.f32 v6, v23;
	v13 =	vmul.f32 v14, v13;
	v14 =	vmul.f32 v20, v18  }
0xa9: {  	s16 =	sadd.s32 $0x4, s16;
	s8 =	sor.u32 s0, s9;
	v21 =	vld [tilespmem:s5+$0x7A80];
	s5 =	sor.u32 $0x10, s1  }
0xaa: {  	p1 =	slt.u32 s16, $0x3C;
	s24 =	sor.u32 s5, s9;
	v6 =	vadd.f32 v13, v6;
	v13 =	vmul.f32 v8, v14;
	v8 =	vld [tilespmem:s8+$0x0];
	v5 =	vmul.f32 v5, v16  }
0xab: {  	s5 =	sor.u32 s5, s2;
	v14 =	vld [tilespmem:s24+$0x0]  }
.Ltmp3:
0xac: {  	v22 =	vld [tilespmem:s5+$0x5A80];
	v6 =	vadd.f32 v13, v6;
	v5 =	vmul.f32 v15, v5;
	(pc) =	sbr.rel @p1 .LBB2_9-.Ltmp3, $4  }
0xad: {  	s0 =	sor.u32 s0, s2;
	v24 =	vld [tilespmem:s5+$0x7A80]  }
0xae: {  	s24 =	sor.u32 $0x30, s1;
	v18 =	vld [tilespmem:s0+$0x5A80];
	v23 =	vadd.f32 v5, v6  }
0xaf: {  	s1 =	sor.u32 s24, s2;
	v20 =	vld [tilespmem:s0+$0x7A80]  }
0xb0: {  	s17 =	sadd.s32 $0x100, s17;
	v25 =	vmul.f32 v21, v19;
	v16 =	vld [tilespmem:s1+$0x5A80]  }
0xb1: {  	s0 =	sor.u32 $0x2, s14  }
0xb2: {  	v27 =	vld [tilespmem:s1+$0x7A80];
	s2 =	sor.u32 s24, s9;
	p1 =	por $0x0, $0x0;
	v5 =	vmov s0;
	s0 =	simm.s32 $0x1  }
0xb3: {  	s6 =	simm.s32 $0x0;
	s5 =	simm.s32 $0x1400;
	v28 =	vld [tilespmem:s2+$0x0];
	s0 =	simm.s32 @!p1 $0x0  }
0xb4: {  	v19 =	vld [tilespmem:s5+$0x0];
	s9 =	sand.u32 $0x3C0, s6;
	s0 =	sshll.u32 s0, $0x6  }
0xb5: {  	v21 =	vld [tilespmem:s9+$0x1420];
	s0 =	sadd.s32 $0x0, s0  }
0xb6: {  	v7 =	vmul.f32 v7, v25;
	v24 =	vmul.f32 v24, v22;
	v22 =	vld [tilespmem:s9+$0x1410];
	s8 =	sor.u32 $0x100, s0  }
0xb7: {  	v5 =	vand.u32 $0xFFFFFFFA, v5;
	s2 =	sadd.s32 $0x10, s0;
	v31 =	vld [tilespmem:s8+$0x5A00]  }
0xb8: {  	v7 =	vadd.f32 v7, v23;
	v14 =	vmul.f32 v14, v24;
	v18 =	vmul.f32 v20, v18;
	v20 =	vld [tilespmem:s8+$0x7A00];
	s16 =	sor.u32 $0x100, s2  }
0xb9: {  	v15 =	vbroadcast v5, $0x0;
	s17 =	sadd.s32 $0x20, s0;
	v26 =	vld [tilespmem:s16+$0x5A00]  }
0xba: {  	v7 =	vadd.f32 v14, v7;
	v8 =	vmul.f32 v8, v18;
	v14 =	vmul.f32 v27, v16;
	s24 =	sor.u32 $0x100, s17;
	v29 =	vld [tilespmem:s16+$0x7A00]  }
0xbb: {  	s0 =	sadd.s32 $0x30, s0;
	v25 =	vld [tilespmem:s24+$0x5A00]  }
0xbc: {  	s0 =	sor.u32 $0x100, s0;
	v7 =	vadd.f32 v8, v7;
	v8 =	vmul.f32 v28, v14;
	v28 =	vld [tilespmem:s24+$0x7A00]  }
0xbd: {  	v24 =	vld [tilespmem:s0+$0x5A00]  }
0xbe: {  	v27 =	vld [tilespmem:s0+$0x7A00]  }
0xbf: {  	v5 =	vld.idx.msk [tilespmem:v15+s28+$0x0], $0xffff  }
0xc0: {  	v6 =	vld.idx.msk [tilespmem:v15+s29+$0x0], $0xffff  }
0xc1: {  	p1 =	por !p1, !p1;
	v13 =	vld.idx.msk [tilespmem:v15+s30+$0x0], $0xffff  }
0xc2: {  	v30 =	vimm.f32 $0.0e+00;
	s17 =	simm.s32 $0x1440;
	s16 =	simm.s32 $0x0;
	s24 =	simm.s32 $0x0;
	v15 =	vld.idx.msk [tilespmem:v15+s31+$0x0], $0xffff;
	v23 =	vadd.f32 v8, v7;
	v31 =	vmul.f32 v20, v31  }
.LBB2_11:
0xc3: {  	s0 =	simm.s32 $0x1  }
0xc4: {  	v7 =	vmul.f32 v19, v31;
	v19 =	vld [tilespmem:s17+$0x0];
	v8 =	vmul.f32 v29, v26;
	s6 =	sadd.s32 $0x100, s6;
	s24 =	sadd.s32 $0x40, s24;
	s0 =	simm.s32 @!p1 $0x0  }
0xc5: {  	s16 =	sadd.s32 $0x4, s16;
	s0 =	sshll.u32 s0, $0x6;
	v14 =	vld [tilespmem:s9+$0x1430];
	s9 =	sand.u32 $0x3C0, s24  }
0xc6: {  	p2 =	slt.u32 s16, $0x3C;
	v7 =	vadd.f32 v7, v30;
	v8 =	vmul.f32 v22, v8;
	v18 =	vmul.f32 v28, v25;
	s0 =	sadd.s32 s0, s6;
	v16 =	vld [tilespmem:s9+$0x1420]  }
0xc7: {  	s1 =	sor.u32 $0x100, s0;
	v22 =	vld [tilespmem:s9+$0x1410]  }
0xc8: {  	s2 =	sadd.s32 $0x10, s0;
	v7 =	vadd.f32 v8, v7;
	v8 =	vmul.f32 v21, v18;
	v18 =	vmul.f32 v27, v24;
	v20 =	vld [tilespmem:s1+$0x5A00]  }
0xc9: {  	v24 =	vld [tilespmem:s1+$0x7A00];
	s1 =	sor.u32 $0x100, s2  }
0xca: {  	s2 =	sadd.s32 $0x20, s0;
	v7 =	vadd.f32 v8, v7;
	v26 =	vld [tilespmem:s1+$0x5A00];
	v8 =	vmul.f32 v14, v18  }
.Ltmp4:
0xcb: {  	v29 =	vld [tilespmem:s1+$0x7A00];
	s1 =	sor.u32 $0x100, s2;
	v21 =	vmov v16;
	(pc) =	sbr.rel @p2 .LBB2_11-.Ltmp4, $4  }
0xcc: {  	s0 =	sadd.s32 $0x30, s0;
	v25 =	vld [tilespmem:s1+$0x5A00];
	v30 =	vadd.f32 v8, v7  }
0xcd: {  	s0 =	sor.u32 $0x100, s0;
	v28 =	vld [tilespmem:s1+$0x7A00]  }
0xce: {  	v31 =	vmul.f32 v24, v20;
	v24 =	vld [tilespmem:s0+$0x5A00]  }
0xcf: {  	s17 =	sadd.s32 $0x40, s17;
	p1 =	por !p1, !p1;
	v27 =	vld [tilespmem:s0+$0x7A00]  }
0xd0: {  	s0 =	sor.u32 $0x3, s14  }
0xd1: {  	p1 =	por $0x0, $0x0;
	v7 =	vmov s0;
	s0 =	simm.s32 $0x1  }
0xd2: {  	v32 =	vld [tilespmem:s9+$0x1430];
	s9 =	simm.s32 $0x0;
	s1 =	simm.s32 $0x1400;
	s0 =	simm.s32 @!p1 $0x0  }
0xd3: {  	v20 =	vld [tilespmem:s1+$0x0];
	s6 =	sand.u32 $0x3C0, s9;
	s0 =	sshll.u32 s0, $0x6  }
0xd4: {  	v18 =	vld [tilespmem:s6+$0x1420];
	s0 =	sadd.s32 $0x0, s0  }
0xd5: {  	v31 =	vmul.f32 v19, v31;
	v26 =	vmul.f32 v29, v26;
	v19 =	vld [tilespmem:s6+$0x1410];
	s8 =	sor.u32 $0x180, s0  }
0xd6: {  	v7 =	vand.u32 $0xFFFFFFFB, v7;
	s2 =	sadd.s32 $0x10, s0;
	v33 =	vld [tilespmem:s8+$0x5A00]  }
0xd7: {  	v30 =	vadd.f32 v31, v30;
	v22 =	vmul.f32 v22, v26;
	v16 =	vbroadcast v7, $0x0;
	v26 =	vld [tilespmem:s8+$0x7A00];
	s16 =	sor.u32 $0x180, s2  }
0xd8: {  	v25 =	vmul.f32 v28, v25;
	s17 =	sadd.s32 $0x20, s0;
	v29 =	vld [tilespmem:s16+$0x5A00]  }
0xd9: {  	v28 =	vadd.f32 v22, v30;
	s24 =	sor.u32 $0x180, s17;
	v30 =	vld [tilespmem:s16+$0x7A00]  }
0xda: {  	v21 =	vmul.f32 v21, v25;
	v24 =	vmul.f32 v27, v24;
	s0 =	sadd.s32 $0x30, s0;
	v22 =	vld [tilespmem:s24+$0x5A00]  }
0xdb: {  	s0 =	sor.u32 $0x180, s0;
	v25 =	vld [tilespmem:s24+$0x7A00]  }
0xdc: {  	v27 =	vadd.f32 v21, v28;
	v24 =	vmul.f32 v32, v24;
	v21 =	vld [tilespmem:s0+$0x5A00]  }
0xdd: {  	v8 =	vld.idx.msk [tilespmem:v16+s28+$0x0], $0xffff  }
0xde: {  	v34 =	vadd.f32 v24, v27;
	v24 =	vld [tilespmem:s0+$0x7A00]  }
0xdf: {  	v7 =	vld.idx.msk [tilespmem:v16+s29+$0x0], $0xffff  }
0xe0: {  	p1 =	por !p1, !p1;
	v14 =	vld.idx.msk [tilespmem:v16+s30+$0x0], $0xffff  }
0xe1: {  	v28 =	vimm.f32 $0.0e+00;
	s17 =	simm.s32 $0x1440;
	s16 =	simm.s32 $0x0;
	s24 =	simm.s32 $0x0;
	v16 =	vld.idx.msk [tilespmem:v16+s31+$0x0], $0xffff;
	v35 =	vmul.f32 v26, v33  }
.LBB2_13:
0xe2: {  	s0 =	simm.s32 $0x1  }
0xe3: {  	v26 =	vmul.f32 v20, v35;
	v20 =	vld [tilespmem:s17+$0x0];
	v27 =	vmul.f32 v30, v29;
	s9 =	sadd.s32 $0x100, s9;
	s24 =	sadd.s32 $0x40, s24;
	s0 =	simm.s32 @!p1 $0x0  }
0xe4: {  	s16 =	sadd.s32 $0x4, s16;
	s0 =	sshll.u32 s0, $0x6;
	v30 =	vld [tilespmem:s6+$0x1430];
	s6 =	sand.u32 $0x3C0, s24  }
0xe5: {  	p2 =	slt.u32 s16, $0x3C;
	v26 =	vadd.f32 v26, v28;
	v27 =	vmul.f32 v19, v27;
	v22 =	vmul.f32 v25, v22;
	s0 =	sadd.s32 s0, s9;
	v31 =	vld [tilespmem:s6+$0x1420]  }
0xe6: {  	s1 =	sor.u32 $0x180, s0;
	v19 =	vld [tilespmem:s6+$0x1410]  }
0xe7: {  	s2 =	sadd.s32 $0x10, s0;
	v25 =	vadd.f32 v27, v26;
	v22 =	vmul.f32 v18, v22;
	v21 =	vmul.f32 v24, v21;
	v32 =	vld [tilespmem:s1+$0x5A00]  }
0xe8: {  	v24 =	vld [tilespmem:s1+$0x7A00];
	s1 =	sor.u32 $0x180, s2  }
0xe9: {  	s2 =	sadd.s32 $0x20, s0;
	v25 =	vadd.f32 v22, v25;
	v29 =	vld [tilespmem:s1+$0x5A00];
	v21 =	vmul.f32 v30, v21  }
.Ltmp5:
0xea: {  	v30 =	vld [tilespmem:s1+$0x7A00];
	s1 =	sor.u32 $0x180, s2;
	v18 =	vmov v31;
	(pc) =	sbr.rel @p2 .LBB2_13-.Ltmp5, $4  }
0xeb: {  	s0 =	sadd.s32 $0x30, s0;
	v22 =	vld [tilespmem:s1+$0x5A00];
	v28 =	vadd.f32 v21, v25  }
0xec: {  	s0 =	sor.u32 $0x180, s0;
	v25 =	vld [tilespmem:s1+$0x7A00]  }
0xed: {  	v35 =	vmul.f32 v24, v32;
	v21 =	vld [tilespmem:s0+$0x5A00]  }
0xee: {  	s17 =	sadd.s32 $0x40, s17;
	p1 =	por !p1, !p1;
	v24 =	vld [tilespmem:s0+$0x7A00]  }
0xef: {  	(xrf2) =	vadd.scan.msk.f32 $0xffff, v17  }
0xf0: {  	s0 =	simm.s32 $0x40  }
0xf1: {  	v17 =	vld [tilespmem:s0+$0x30];
	_ =	sdelay $0x3  }
0xf2: {  	v27 =	vld [tilespmem:s0+$0xFFFFFFD0]  }
0xf3: {  	v32 =	vld [tilespmem:s0+$0xFFFFFFC0];
	v26 =	vshll.u32 v17, $0x2  }
0xf4: {  	v17 =	vand.u32 $0x7F, v17;
	v26 =	vand.u32 $0xFFFFFE00, v26  }
0xf5: {  	v36 =	vor.u32 v17, v26;
	v26 =	vld [tilespmem:s0+$0xFFFFFFE0]  }
0xf6: {  	v31, _, _ =	vpop (xrf2)  }
0xf7: {  	v37 =	vld [tilespmem:s0+$0x0];
	v17 =	vbroadcast v31, $0xF  }
0xf8: {  	v58 =	vshll.u32 v27, $0x2;
	v59 =	vshll.u32 v32, $0x2;
	(xrf2) =	vadd.scan.msk.f32 $0xffff, v23;
	v23 =	vld [tilespmem:s0+$0x10]  }
0xf9: {  	v32 =	vand.u32 $0x7F, v32;
	v27 =	vand.u32 $0x7F, v27;
	v10 =	vmul.f32 v17, v10;
	v17 =	vld [tilespmem:s0+$0xFFFFFFF0]  }
0xfa: {  	v41 =	vor.u32 $0x80, v36;
	v31 =	vand.u32 $0xFFFFFE00, v59;
	v38 =	vld.idx.msk [tilespmem:v36+s21+$0x0], $0xffff;
	v33 =	vshll.u32 v26, $0x2  }
0xfb: {  	v32 =	vor.u32 v32, v31;
	v26 =	vand.u32 $0x7F, v26;
	v39 =	vand.u32 $0xFFFFFE00, v33  }
0xfc: {  	v40 =	vld [tilespmem:s0+$0x20];
	v9 =	vadd.f32 v10, v9;
	v10 =	vand.u32 $0xFFFFFE00, v58;
	v31 =	vor.u32 v26, v39  }
0xfd: {  	v61 =	vshll.u32 v23, $0x2;
	v33 =	vor.u32 v27, v10;
	v27 =	vshll.u32 v37, $0x2  }
0xfe: {  	v37 =	vand.u32 $0x7F, v37;
	v26 =	vand.u32 $0xFFFFFE00, v27;
	v60 =	vshll.u32 v17, $0x2  }
0xff: {  	s17 =	simm.s32 $0xDBF0;
	v17 =	vand.u32 $0x7F, v17;
	v27 =	vmul.f32 v38, v1;
	v38 =	vld [tilespmem:s6+$0x1430];
	v10 =	vand.u32 $0xFFFFFE00, v60  }
0x100: {  	v43 =	vand.u32 $0x7F, v23;
	v23 =	vor.u32 v37, v26;
	[tilespmem:s17+$0xFFFFFE80] =	vst v9;
	v17 =	vor.u32 v17, v10;
	v10 =	vld.idx.msk [tilespmem:v32+s21+$0x0], $0xffff  }
0x101: {  	v39 =	vand.u32 $0xFFFFFE00, v61;
	v42 =	vadd.f32 v27, v2;
	v27 =	vshll.u32 v40, $0x2;
	v63 =	vld.idx.msk [tilespmem:v31+s21+$0x0], $0xffff;
	[tilespmem:s17+$0xFFFFFE10] =	vst v9  }
0x102: {  	v40 =	vand.u32 $0x7F, v40;
	[tilespmem:s17+$0xFFFFFE30] =	vst v9;
	v62 =	vld.idx.msk [tilespmem:v33+s21+$0x0], $0xffff;
	v26 =	vand.u32 $0xFFFFFE00, v27;
	v27 =	vor.u32 v43, v39  }
0x103: {  	[tilespmem:s17+$0xFFFFBE80] =	vst v42;
	v26 =	vor.u32 v40, v26  }
0x104: {  	[tilespmem:s17+$0xFFFFFE20] =	vst v9;
	v41 =	vld.idx.msk [tilespmem:v41+s21+$0x0], $0xffff  }
0x105: {  	v47, _, _ =	vpop (xrf2);
	v50 =	vld.idx.msk [tilespmem:v23+s21+$0x0], $0xffff;
	[tilespmem:s17+$0xFFFFFE50] =	vst v9;
	v10 =	vmul.f32 v10, v1  }
0x106: {  	(xrf2) =	vadd.scan.msk.f32 $0xffff, v34;
	v40 =	vbroadcast v47, $0xF;
	v48 =	vld.idx.msk [tilespmem:v17+s21+$0x0], $0xffff;
	[tilespmem:s17+$0xFFFFFE40] =	vst v9;
	v39 =	vmul.f32 v63, v1  }
0x107: {  	v37 =	vmul.f32 v62, v1;
	v45 =	vld.idx.msk [tilespmem:v27+s21+$0x0], $0xffff;
	[tilespmem:s17+$0xFFFFFE60] =	vst v9;
	v10 =	vadd.f32 v10, v2  }
0x108: {  	v49 =	vor.u32 $0x80, v32;
	v12 =	vmul.f32 v40, v12;
	v46 =	vld.idx.msk [tilespmem:v26+s21+$0x0], $0xffff;
	v39 =	vadd.f32 v39, v2;
	[tilespmem:s17+$0xFFFFFE70] =	vst v9  }
0x109: {  	v44 =	vor.u32 $0x80, v33;
	v37 =	vadd.f32 v37, v2;
	[tilespmem:s17+$0xFFFFBE10] =	vst v10  }
0x10a: {  	v41 =	vmul.f32 v41, v3;
	v10 =	vadd.f32 v12, v11;
	v12 =	vor.u32 $0x100, v36;
	[tilespmem:s17+$0xFFFFBE30] =	vst v39  }
0x10b: {  	v52 =	vor.u32 $0x80, v17;
	v11 =	vmul.f32 v48, v1;
	[tilespmem:s17+$0xFFFFBE20] =	vst v37  }
0x10c: {  	v51 =	vor.u32 $0x80, v31;
	v54 =	vadd.f32 v41, v4;
	[tilespmem:s17+$0xFFFFFF00] =	vst v10  }
0x10d: {  	v58 =	vor.u32 $0x80, v27;
	v34 =	vld.idx.msk [tilespmem:v49+s21+$0x0], $0xffff;
	v57 =	vmul.f32 v45, v1;
	[tilespmem:s17+$0xFFFFFE90] =	vst v10;
	v11 =	vadd.f32 v11, v2  }
0x10e: {  	v56 =	vld.idx.msk [tilespmem:v44+s21+$0x0], $0xffff;
	[tilespmem:s17+$0xFFFFBF00] =	vst v54  }
0x10f: {  	v46 =	vmul.f32 v46, v1;
	v59 =	vadd.f32 v57, v2;
	[tilespmem:s17+$0xFFFFBE40] =	vst v11;
	v11 =	vor.u32 $0x80, v26;
	v12 =	vld.idx.msk [tilespmem:v12+s21+$0x0], $0xffff  }
0x110: {  	v55 =	vor.u32 $0x80, v23;
	v53 =	vmul.f32 v50, v1;
	v61, _, _ =	vpop (xrf2);
	[tilespmem:s17+$0xFFFFFEA0] =	vst v10;
	v37 =	vld.idx.msk [tilespmem:v52+s21+$0x0], $0xffff  }
0x111: {  	v20 =	vmul.f32 v20, v35;
	v40 =	vld.idx.msk [tilespmem:v51+s21+$0x0], $0xffff;
	v35 =	vbroadcast v61, $0xF;
	v60 =	vadd.f32 v46, v2;
	[tilespmem:s17+$0xFFFFBE60] =	vst v59  }
0x112: {  	v42 =	vadd.f32 v53, v2;
	[tilespmem:s17+$0xFFFFFEB0] =	vst v10;
	v34 =	vmul.f32 v34, v3;
	v45 =	vld.idx.msk [tilespmem:v58+s21+$0x0], $0xffff  }
0x113: {  	v29 =	vmul.f32 v30, v29;
	v20 =	vadd.f32 v20, v28;
	v15 =	vmul.f32 v35, v15;
	[tilespmem:s17+$0xFFFFBE70] =	vst v60  }
0x114: {  	v49 =	vor.u32 $0x100, v32;
	[tilespmem:s17+$0xFFFFBE50] =	vst v42;
	v34 =	vadd.f32 v34, v4;
	v47 =	vld.idx.msk [tilespmem:v11+s21+$0x0], $0xffff;
	v12 =	vmul.f32 v12, v5  }
0x115: {  	v62 =	vld.idx.msk [tilespmem:v55+s21+$0x0], $0xffff;
	[tilespmem:s17+$0xFFFFFED0] =	vst v10;
	v11 =	vadd.f32 v15, v13;
	v13 =	vor.u32 $0x180, v36;
	v15 =	vmul.f32 v37, v3  }
0x116: {  	v19 =	vmul.f32 v19, v29;
	v22 =	vmul.f32 v25, v22;
	[tilespmem:s17+$0xFFFFBE90] =	vst v34;
	v12 =	vadd.f32 v12, v6  }
0x117: {  	v51 =	vmul.f32 v45, v3;
	[tilespmem:s17+$0xFFFFFF80] =	vst v11;
	v15 =	vadd.f32 v15, v4  }
0x118: {  	v19 =	vadd.f32 v19, v20;
	v18 =	vmul.f32 v18, v22;
	v63 =	vmul.f32 v56, v3;
	[tilespmem:s17+$0xFFFFBF80] =	vst v12  }
0x119: {  	v25 =	vld.idx.msk [tilespmem:v49+s21+$0x0], $0xffff;
	v12 =	vor.u32 $0x100, v33;
	[tilespmem:s17+$0xFFFFBEC0] =	vst v15;
	v15 =	vadd.f32 v51, v4;
	v53 =	vmul.f32 v47, v3  }
0x11a: {  	v40 =	vmul.f32 v40, v3;
	[tilespmem:s17+$0xFFFFFEC0] =	vst v10;
	v46 =	vadd.f32 v63, v4;
	v13 =	vld.idx.msk [tilespmem:v13+s21+$0x0], $0xffff  }
0x11b: {  	v21 =	vmul.f32 v24, v21;
	v20 =	vor.u32 $0x100, v31;
	[tilespmem:s17+$0xFFFFBEE0] =	vst v15;
	v15 =	vadd.f32 v53, v4  }
0x11c: {  	v24 =	vor.u32 $0x100, v23;
	v48 =	vadd.f32 v40, v4;
	v50 =	vmul.f32 v62, v3;
	[tilespmem:s17+$0xFFFFBEA0] =	vst v46  }
0x11d: {  	[tilespmem:s17+$0xFFFFBEF0] =	vst v15;
	v15 =	vadd.f32 v18, v19;
	v18 =	vmul.f32 v38, v21;
	v19 =	vor.u32 $0x100, v27  }
0x11e: {  	[tilespmem:s17+$0xFFFFFEE0] =	vst v10;
	v52 =	vadd.f32 v50, v4;
	v12 =	vld.idx.msk [tilespmem:v12+s21+$0x0], $0xffff;
	v21 =	vor.u32 $0x100, v26  }
0x11f: {  	[tilespmem:s17+$0xFFFFBEB0] =	vst v48;
	v13 =	vmul.f32 v13, v8;
	v15 =	vadd.f32 v18, v15;
	v18 =	vmul.f32 v25, v5  }
0x120: {  	v22 =	vor.u32 $0x100, v17;
	v20 =	vld.idx.msk [tilespmem:v20+s21+$0x0], $0xffff;
	[tilespmem:s17+$0xFFFFBED0] =	vst v52  }
0x121: {  	[tilespmem:s17+$0xFFFFFEF0] =	vst v10;
	v13 =	vadd.f32 v13, v7;
	(xrf2) =	vadd.scan.msk.f32 $0xffff, v15;
	v15 =	vadd.f32 v18, v6;
	v18 =	vld.idx.msk [tilespmem:v24+s21+$0x0], $0xffff  }
0x122: {  	[tilespmem:s17+$0xFFFFFF10] =	vst v11;
	v19 =	vld.idx.msk [tilespmem:v19+s21+$0x0], $0xffff  }
0x123: {  	v12 =	vmul.f32 v12, v5;
	[tilespmem:s17+$0xFFFFC000] =	vst v13;
	v13 =	vor.u32 $0x180, v32;
	v21 =	vld.idx.msk [tilespmem:v21+s21+$0x0], $0xffff  }
0x124: {  	[tilespmem:s17+$0xFFFFBF10] =	vst v15;
	v15 =	vor.u32 $0x180, v33  }
0x125: {  	[tilespmem:s17+$0xFFFFFF30] =	vst v11;
	v22 =	vld.idx.msk [tilespmem:v22+s21+$0x0], $0xffff;
	v20 =	vmul.f32 v20, v5;
	v12 =	vadd.f32 v12, v6  }
0x126: {  	s24 =	simm.s32 $0xC0;
	[tilespmem:s17+$0xFFFFFF40] =	vst v11  }
0x127: {  	v24 =	vld [tilespmem:s24+$0x30];
	[tilespmem:s17+$0xFFFFBF20] =	vst v12;
	v12 =	vadd.f32 v20, v6;
	v18 =	vmul.f32 v18, v5  }
0x128: {  	[tilespmem:s17+$0xFFFFFF20] =	vst v11;
	v19 =	vmul.f32 v19, v5;
	v25 =	vld.idx.msk [tilespmem:v13+s21+$0x0], $0xffff;
	v13 =	vmul.f32 v21, v5  }
0x129: {  	v20 =	vor.u32 $0x180, v31;
	[tilespmem:s17+$0xFFFFBF30] =	vst v12;
	v12 =	vadd.f32 v18, v6;
	v15 =	vld.idx.msk [tilespmem:v15+s21+$0x0], $0xffff  }
0x12a: {  	v22 =	vmul.f32 v22, v5;
	[tilespmem:s17+$0xFFFFFF50] =	vst v11;
	v18 =	vadd.f32 v19, v6  }
0x12b: {  	[tilespmem:s17+$0xFFFFBF50] =	vst v12;
	v12 =	vadd.f32 v13, v6  }
0x12c: {  	v22 =	vadd.f32 v22, v6;
	v13, _, _ =	vpop (xrf2);
	[tilespmem:s17+$0xFFFFBF60] =	vst v18  }
0x12d: {  	v56 =	vld [tilespmem:s24+$0x20];
	v18 =	vbroadcast v13, $0xF;
	[tilespmem:s17+$0xFFFFBF70] =	vst v12;
	v12 =	vshll.u32 v24, $0x2;
	v19 =	vmul.f32 v25, v8  }
0x12e: {  	[tilespmem:s17+$0xFFFFFF60] =	vst v11;
	v21 =	vand.u32 $0x7F, v24;
	v13 =	vld.idx.msk [tilespmem:v20+s21+$0x0], $0xffff;
	v12 =	vand.u32 $0xFFFFFE00, v12;
	v15 =	vmul.f32 v15, v8  }
0x12f: {  	[tilespmem:s17+$0xFFFFFF70] =	vst v11;
	v20 =	vld [tilespmem:s24+$0xFFFFFFD0];
	v24 =	vor.u32 v21, v12;
	v12 =	vmul.f32 v18, v16;
	v18 =	vadd.f32 v19, v7  }
0x130: {  	[tilespmem:s17+$0xFFFFBF40] =	vst v22;
	v22 =	vld [tilespmem:s24+$0xFFFFFFC0];
	v15 =	vadd.f32 v15, v7  }
0x131: {  	v16 =	vld [tilespmem:s24+$0xFFFFFFE0];
	v12 =	vadd.f32 v12, v14;
	[tilespmem:s17+$0xFFFFBF90] =	vst v18  }
0x132: {  	v17 =	vor.u32 $0x180, v17;
	v21 =	vld [tilespmem:s24+$0xFFFFFFF0];
	[tilespmem:s17+$0xFFFFBFA0] =	vst v15  }
0x133: {  	v30 =	vand.u32 $0x7F, v56;
	v26 =	vor.u32 $0x180, v26;
	v19 =	vor.u32 $0x180, v23;
	[tilespmem:s17+$0xFFFFFF90] =	vst v12  }
0x134: {  	v23 =	vor.u32 $0x180, v27;
	v27 =	vld [tilespmem:s24+$0x10];
	v59 =	vor.u32 $0x80, v24;
	v14 =	vshll.u32 v20, $0x2;
	[tilespmem:s17+$0xFFFFFFA0] =	vst v12  }
0x135: {  	v25 =	vld [tilespmem:s24+$0x0];
	v18 =	vand.u32 $0x7F, v22;
	v54 =	vand.u32 $0xFFFFFE00, v14;
	v14 =	vshll.u32 v22, $0x2;
	[tilespmem:s17+$0xFFFFFFB0] =	vst v12  }
0x136: {  	v20 =	vand.u32 $0x7F, v20;
	[tilespmem:s17+$0x0] =	vst v12;
	v55 =	vld.idx.msk [tilespmem:v24+s21+$0x0], $0xffff;
	v15 =	vshll.u32 v16, $0x2;
	v22 =	vand.u32 $0xFFFFFE00, v14  }
0x137: {  	s16 =	simm.s32 $0xDDF0;
	v14 =	vld.idx.msk [tilespmem:v17+s21+$0x0], $0xffff;
	v17 =	vshll.u32 v21, $0x2;
	[tilespmem:s17+$0xFFFFFFC0] =	vst v12;
	v21 =	vand.u32 $0x7F, v21;
	v18 =	vor.u32 v18, v22  }
0x138: {  	[tilespmem:s16+$0xFFFFFE80] =	vst v9;
	v57 =	vand.u32 $0xFFFFFE00, v15;
	v22 =	vand.u32 $0x7F, v16;
	v15 =	vld.idx.msk [tilespmem:v19+s21+$0x0], $0xffff;
	v19 =	vor.u32 v20, v54  }
0x139: {  	v58 =	vshll.u32 v27, $0x2;
	v20 =	vand.u32 $0xFFFFFE00, v17;
	v16 =	vld.idx.msk [tilespmem:v23+s21+$0x0], $0xffff;
	[tilespmem:s17+$0xFFFFFFD0] =	vst v12;
	v23 =	vor.u32 v22, v57  }
0x13a: {  	v27 =	vand.u32 $0x7F, v27;
	v17 =	vshll.u32 v25, $0x2;
	[tilespmem:s17+$0xFFFFFFE0] =	vst v12;
	v31 =	vor.u32 v21, v20  }
0x13b: {  	v25 =	vand.u32 $0x7F, v25;
	v22 =	vand.u32 $0xFFFFFE00, v17;
	v17 =	vld.idx.msk [tilespmem:v26+s21+$0x0], $0xffff;
	[tilespmem:s17+$0xFFFFFFF0] =	vst v12;
	v26 =	vmul.f32 v55, v1  }
0x13c: {  	v28 =	vand.u32 $0xFFFFFE00, v58;
	v20 =	vshll.u32 v56, $0x2;
	v21 =	vor.u32 v25, v22;
	v60 =	vld.idx.msk [tilespmem:v18+s21+$0x0], $0xffff;
	[tilespmem:s16+$0xFFFFFE10] =	vst v9  }
0x13d: {  	v22 =	vand.u32 $0xFFFFFE00, v20;
	v20 =	vor.u32 v27, v28;
	v25 =	vld.idx.msk [tilespmem:v19+s21+$0x0], $0xffff;
	[tilespmem:s16+$0xFFFFFE20] =	vst v9;
	v26 =	vadd.f32 v26, v2  }
0x13e: {  	v22 =	vor.u32 v30, v22;
	v27 =	vld.idx.msk [tilespmem:v23+s21+$0x0], $0xffff;
	[tilespmem:s16+$0xFFFFFE30] =	vst v9  }
0x13f: {  	v61 =	vld.idx.msk [tilespmem:v31+s21+$0x0], $0xffff;
	[tilespmem:s16+$0xFFFFBE80] =	vst v26  }
0x140: {  	[tilespmem:s16+$0xFFFFFE40] =	vst v9;
	v26 =	vld.idx.msk [tilespmem:v59+s21+$0x0], $0xffff  }
0x141: {  	v40 =	vld.idx.msk [tilespmem:v21+s21+$0x0], $0xffff;
	[tilespmem:s16+$0xFFFFFE50] =	vst v9;
	v62 =	vmul.f32 v60, v1  }
0x142: {  	v41 =	vor.u32 $0x80, v19;
	v42 =	vld.idx.msk [tilespmem:v20+s21+$0x0], $0xffff;
	[tilespmem:s16+$0xFFFFFE60] =	vst v9;
	v25 =	vmul.f32 v25, v1  }
0x143: {  	v44 =	vld.idx.msk [tilespmem:v22+s21+$0x0], $0xffff;
	[tilespmem:s16+$0xFFFFFE70] =	vst v9;
	v27 =	vmul.f32 v27, v1;
	v29 =	vadd.f32 v62, v2  }
0x144: {  	v63 =	vor.u32 $0x80, v18;
	[tilespmem:s16+$0xFFFFFF00] =	vst v10;
	v28 =	vmul.f32 v61, v1;
	v25 =	vadd.f32 v25, v2  }
0x145: {  	v45 =	vor.u32 $0x100, v24;
	v27 =	vadd.f32 v27, v2;
	[tilespmem:s16+$0xFFFFBE10] =	vst v29;
	v26 =	vmul.f32 v26, v3  }
0x146: {  	v28 =	vadd.f32 v28, v2;
	[tilespmem:s16+$0xFFFFBE20] =	vst v25;
	v25 =	vor.u32 $0x80, v31  }
0x147: {  	v32 =	vmul.f32 v40, v1;
	[tilespmem:s16+$0xFFFFBE30] =	vst v27;
	v27 =	vor.u32 $0x80, v21;
	v33 =	vld.idx.msk [tilespmem:v41+s21+$0x0], $0xffff;
	v26 =	vadd.f32 v26, v4  }
0x148: {  	v46 =	vor.u32 $0x80, v20;
	v34 =	vmul.f32 v42, v1;
	[tilespmem:s16+$0xFFFFBE40] =	vst v28  }
0x149: {  	v43 =	vor.u32 $0x80, v23;
	v32 =	vadd.f32 v32, v2;
	v30 =	vld.idx.msk [tilespmem:v63+s21+$0x0], $0xffff;
	[tilespmem:s16+$0xFFFFBF00] =	vst v26  }
0x14a: {  	v47 =	vor.u32 $0x80, v22;
	v36 =	vmul.f32 v44, v1;
	[tilespmem:s16+$0xFFFFFE90] =	vst v10;
	v26 =	vadd.f32 v34, v2;
	v29 =	vld.idx.msk [tilespmem:v45+s21+$0x0], $0xffff  }
0x14b: {  	[tilespmem:s16+$0xFFFFBE50] =	vst v32;
	v25 =	vld.idx.msk [tilespmem:v25+s21+$0x0], $0xffff  }
0x14c: {  	v48 =	vadd.f32 v36, v2;
	[tilespmem:s16+$0xFFFFBE60] =	vst v26;
	v26 =	vld.idx.msk [tilespmem:v27+s21+$0x0], $0xffff;
	v27 =	vmul.f32 v33, v3  }
0x14d: {  	[tilespmem:s16+$0xFFFFFEA0] =	vst v10;
	v49 =	vld.idx.msk [tilespmem:v46+s21+$0x0], $0xffff  }
0x14e: {  	v35 =	vld.idx.msk [tilespmem:v43+s21+$0x0], $0xffff;
	[tilespmem:s16+$0xFFFFBE70] =	vst v48;
	v30 =	vmul.f32 v30, v3;
	v27 =	vadd.f32 v27, v4  }
0x14f: {  	v24 =	vor.u32 $0x180, v24;
	[tilespmem:s16+$0xFFFFFEB0] =	vst v10;
	v28 =	vld.idx.msk [tilespmem:v47+s21+$0x0], $0xffff;
	v29 =	vmul.f32 v29, v5  }
0x150: {  	v30 =	vadd.f32 v30, v4;
	[tilespmem:s16+$0xFFFFBEA0] =	vst v27;
	v25 =	vmul.f32 v25, v3;
	v27 =	vor.u32 $0x100, v18  }
0x151: {  	v53 =	vor.u32 $0x100, v19;
	[tilespmem:s16+$0xFFFFFF80] =	vst v11;
	v26 =	vmul.f32 v26, v3;
	v29 =	vadd.f32 v29, v6  }
0x152: {  	[tilespmem:s16+$0xFFFFBE90] =	vst v30;
	v25 =	vadd.f32 v25, v4;
	v52 =	vmul.f32 v49, v3  }
0x153: {  	v26 =	vadd.f32 v26, v4;
	[tilespmem:s16+$0xFFFFBF80] =	vst v29  }
0x154: {  	v54 =	vor.u32 $0x100, v31;
	v28 =	vmul.f32 v28, v3;
	[tilespmem:s16+$0xFFFFBEC0] =	vst v25;
	v25 =	vadd.f32 v52, v4;
	v24 =	vld.idx.msk [tilespmem:v24+s21+$0x0], $0xffff  }
0x155: {  	v50 =	vmul.f32 v35, v3;
	[tilespmem:s16+$0xFFFFBED0] =	vst v26;
	v26 =	vor.u32 $0x100, v23;
	v27 =	vld.idx.msk [tilespmem:v27+s21+$0x0], $0xffff  }
0x156: {  	v29 =	vld.idx.msk [tilespmem:v53+s21+$0x0], $0xffff;
	[tilespmem:s16+$0xFFFFBEE0] =	vst v25;
	v25 =	vadd.f32 v28, v4  }
0x157: {  	v55 =	vor.u32 $0x100, v21;
	[tilespmem:s16+$0xFFFFFEC0] =	vst v10;
	v51 =	vadd.f32 v50, v4  }
0x158: {  	[tilespmem:s16+$0xFFFFBEF0] =	vst v25;
	v25 =	vor.u32 $0x100, v20  }
0x159: {  	v56 =	vor.u32 $0x100, v22;
	[tilespmem:s16+$0xFFFFBEB0] =	vst v51;
	v28 =	vld.idx.msk [tilespmem:v54+s21+$0x0], $0xffff  }
0x15a: {  	[tilespmem:s16+$0xFFFFFEF0] =	vst v10;
	v24 =	vmul.f32 v24, v8;
	v27 =	vmul.f32 v27, v5;
	v26 =	vld.idx.msk [tilespmem:v26+s21+$0x0], $0xffff  }
0x15b: {  	v57 =	vmul.f32 v13, v8;
	v59 =	vor.u32 $0x180, v19;
	[tilespmem:s16+$0xFFFFFED0] =	vst v10;
	v19 =	vmul.f32 v29, v5  }
0x15c: {  	v58 =	vor.u32 $0x180, v18;
	[tilespmem:s16+$0xFFFFFEE0] =	vst v10;
	v24 =	vadd.f32 v24, v7;
	v18 =	vadd.f32 v27, v6;
	v27 =	vld.idx.msk [tilespmem:v55+s21+$0x0], $0xffff  }
0x15d: {  	v15 =	vmul.f32 v15, v8;
	[tilespmem:s16+$0xFFFFFF10] =	vst v11;
	v19 =	vadd.f32 v19, v6;
	v60 =	vld.idx.msk [tilespmem:v25+s21+$0x0], $0xffff  }
0x15e: {  	v14 =	vmul.f32 v14, v8;
	v28 =	vmul.f32 v28, v5;
	[tilespmem:s16+$0xFFFFC000] =	vst v24;
	v24 =	vld.idx.msk [tilespmem:v56+s21+$0x0], $0xffff  }
0x15f: {  	v23 =	vor.u32 $0x180, v23;
	[tilespmem:s16+$0xFFFFBF20] =	vst v19;
	v19 =	vadd.f32 v15, v7;
	v25 =	vmul.f32 v26, v5  }
0x160: {  	v16 =	vmul.f32 v16, v8;
	v28 =	vadd.f32 v28, v6;
	[tilespmem:s16+$0xFFFFBF10] =	vst v18;
	v18 =	vadd.f32 v14, v7  }
0x161: {  	[tilespmem:s16+$0xFFFFFF20] =	vst v11;
	v14 =	vor.u32 $0x180, v21;
	v61 =	vadd.f32 v25, v6;
	v27 =	vmul.f32 v27, v5;
	v25 =	vld.idx.msk [tilespmem:v58+s21+$0x0], $0xffff  }
0x162: {  	[tilespmem:s16+$0xFFFFFF30] =	vst v11;
	v21 =	vadd.f32 v16, v7;
	v26 =	vmul.f32 v17, v8;
	v62 =	vmul.f32 v60, v5  }
0x163: {  	v13 =	vor.u32 $0x180, v31;
	[tilespmem:s16+$0xFFFFBF30] =	vst v61;
	v27 =	vadd.f32 v27, v6;
	v63 =	vmul.f32 v24, v5;
	v24 =	vld.idx.msk [tilespmem:v59+s21+$0x0], $0xffff  }
0x164: {  	v16 =	vor.u32 $0x180, v22;
	v17 =	vadd.f32 v57, v7;
	[tilespmem:s16+$0xFFFFBF40] =	vst v28;
	v22 =	vld.idx.msk [tilespmem:v23+s21+$0x0], $0xffff;
	v23 =	vadd.f32 v62, v6  }
0x165: {  	s9 =	simm.s32 $0x8;
	s6 =	simm.s32 $0x140;
	v15 =	vor.u32 $0x180, v20;
	v20 =	vadd.f32 v26, v7;
	[tilespmem:s16+$0xFFFFBF50] =	vst v27;
	v26 =	vadd.f32 v63, v6  }
.LBB2_15:
0x166: {  	v27 =	vld [tilespmem:s6+$0x30];
	s9 =	sadd.s32 $0x8, s9;
	v25 =	vmul.f32 v25, v8;
	[tilespmem:s16+$0xFFFFBF60] =	vst v23  }
0x167: {  	v23 =	vld [tilespmem:s6+$0xFFFFFFD0];
	p1 =	slt.u32 s9, $0xF8;
	[tilespmem:s16+$0xFFFFBF70] =	vst v26  }
0x168: {  	v24 =	vmul.f32 v24, v8;
	v26 =	vld [tilespmem:s6+$0xFFFFFFE0];
	v25 =	vadd.f32 v25, v7;
	[tilespmem:s16+$0xFFFFFF40] =	vst v11  }
0x169: {  	v28 =	vld [tilespmem:s6+$0xFFFFFFF0];
	[tilespmem:s16+$0xFFFFFF50] =	vst v11  }
0x16a: {  	v24 =	vadd.f32 v24, v7;
	v32 =	vmul.f32 v22, v8;
	v29 =	vld [tilespmem:s6+$0x0];
	[tilespmem:s16+$0xFFFFFF60] =	vst v11  }
0x16b: {  	v30 =	vld [tilespmem:s6+$0x10];
	v22 =	vshll.u32 v27, $0x2;
	[tilespmem:s16+$0xFFFFFF70] =	vst v11  }
0x16c: {  	v27 =	vand.u32 $0x7F, v27;
	v31 =	vshll.u32 v23, $0x2;
	v33 =	vld [tilespmem:s6+$0x20];
	v22 =	vand.u32 $0xFFFFFE00, v22;
	[tilespmem:s16+$0xFFFFBF90] =	vst v25  }
0x16d: {  	v25 =	vld [tilespmem:s6+$0xFFFFFFC0];
	v31 =	vand.u32 $0xFFFFFE00, v31;
	v34 =	vshll.u32 v26, $0x2;
	v22 =	vor.u32 v27, v22;
	[tilespmem:s16+$0xFFFFBFA0] =	vst v24  }
0x16e: {  	v23 =	vand.u32 $0x7F, v23;
	v24 =	vand.u32 $0xFFFFFE00, v34;
	v27 =	vshll.u32 v28, $0x2;
	v34 =	vld.idx.msk [tilespmem:v13+s21+$0x0], $0xffff;
	[tilespmem:s17+$0xFFFFBFB0] =	vst v17  }
0x16f: {  	v13 =	vand.u32 $0x7F, v26;
	v17 =	vand.u32 $0xFFFFFE00, v27;
	v26 =	vshll.u32 v29, $0x2;
	v35 =	vld.idx.msk [tilespmem:v14+s21+$0x0], $0xffff;
	[tilespmem:s17+$0xFFFFBFC0] =	vst v18  }
0x170: {  	v14 =	vand.u32 $0x7F, v28;
	v18 =	vand.u32 $0xFFFFFE00, v26;
	v26 =	vshll.u32 v30, $0x2;
	v36 =	vld.idx.msk [tilespmem:v15+s21+$0x0], $0xffff;
	[tilespmem:s17+$0xFFFFBFD0] =	vst v19  }
0x171: {  	v15 =	vand.u32 $0x7F, v29;
	v19 =	vand.u32 $0xFFFFFE00, v26;
	v26 =	vshll.u32 v33, $0x2;
	v37 =	vld.idx.msk [tilespmem:v16+s21+$0x0], $0xffff;
	[tilespmem:s17+$0xFFFFBFE0] =	vst v21  }
0x172: {  	v16 =	vand.u32 $0x7F, v25;
	v21 =	vshll.u32 v25, $0x2;
	v25 =	vand.u32 $0xFFFFFE00, v26;
	v26 =	vld.idx.msk [tilespmem:v22+s21+$0x0], $0xffff;
	[tilespmem:s17+$0xFFFFBFF0] =	vst v20;
	s17 =	smov.u32 s16  }
0x173: {  	v27 =	vand.u32 $0x7F, v33;
	v20 =	vand.u32 $0xFFFFFE00, v21;
	v21 =	vand.u32 $0x7F, v30;
	[tilespmem:s16+$0xFFFFFF90] =	vst v12  }
0x174: {  	v13 =	vor.u32 v13, v24;
	v16 =	vor.u32 v16, v20;
	v20 =	vor.u32 v23, v31;
	[tilespmem:s16+$0xFFFFFFA0] =	vst v12  }
0x175: {  	v14 =	vor.u32 v14, v17;
	v17 =	vor.u32 v15, v18;
	v18 =	vor.u32 v21, v19;
	[tilespmem:s16+$0xFFFFFFB0] =	vst v12  }
0x176: {  	v33 =	vor.u32 v27, v25;
	v19 =	vor.u32 $0x80, v16;
	v21 =	vor.u32 $0x80, v20;
	[tilespmem:s16+$0xFFFFFFC0] =	vst v12  }
0x177: {  	v38 =	vor.u32 $0x80, v13;
	v39 =	vor.u32 $0x80, v14;
	v40 =	vor.u32 $0x80, v17;
	[tilespmem:s16+$0xFFFFFFD0] =	vst v12  }
0x178: {  	v42 =	vor.u32 $0x80, v22;
	v41 =	vor.u32 $0x80, v18;
	v15 =	vmul.f32 v26, v1;
	[tilespmem:s16+$0xFFFFFFE0] =	vst v12  }
0x179: {  	v45 =	vor.u32 $0x80, v33;
	v44 =	vor.u32 $0x100, v16;
	v29 =	vor.u32 $0x100, v20;
	v43 =	vld.idx.msk [tilespmem:v16+s21+$0x0], $0xffff;
	[tilespmem:s16+$0xFFFFFFF0] =	vst v12  }
0x17a: {  	v30 =	vor.u32 $0x100, v13;
	v27 =	vor.u32 $0x100, v14;
	v15 =	vadd.f32 v15, v2;
	s16 =	sadd.s32 $0x200, s16;
	v46 =	vld.idx.msk [tilespmem:v20+s21+$0x0], $0xffff;
	[tilespmem:s17+$0x0] =	vst v12  }
0x17b: {  	v31 =	vor.u32 $0x100, v17;
	v28 =	vor.u32 $0x100, v18;
	v26 =	vor.u32 $0x100, v33;
	v47 =	vld.idx.msk [tilespmem:v13+s21+$0x0], $0xffff;
	[tilespmem:s16+$0xFFFFFE80] =	vst v9  }
0x17c: {  	v23 =	vor.u32 $0x180, v13;
	v25 =	vor.u32 $0x180, v16;
	v24 =	vor.u32 $0x180, v20;
	v20 =	vld.idx.msk [tilespmem:v14+s21+$0x0], $0xffff;
	[tilespmem:s16+$0xFFFFBE80] =	vst v15  }
0x17d: {  	v13 =	vor.u32 $0x180, v14;
	v14 =	vor.u32 $0x180, v17;
	v15 =	vor.u32 $0x180, v18;
	[tilespmem:s16+$0xFFFFFE10] =	vst v9;
	v42 =	vld.idx.msk [tilespmem:v42+s21+$0x0], $0xffff  }
0x17e: {  	v34 =	vmul.f32 v34, v8;
	v35 =	vmul.f32 v35, v8;
	v16 =	vor.u32 $0x180, v33;
	[tilespmem:s16+$0xFFFFFE20] =	vst v9;
	v48 =	vld.idx.msk [tilespmem:v17+s21+$0x0], $0xffff  }
0x17f: {  	v36 =	vmul.f32 v36, v8;
	v17 =	vmul.f32 v43, v1;
	[tilespmem:s16+$0xFFFFFE30] =	vst v9;
	v43 =	vld.idx.msk [tilespmem:v18+s21+$0x0], $0xffff  }
0x180: {  	v37 =	vmul.f32 v37, v8;
	v18 =	vmul.f32 v46, v1;
	[tilespmem:s16+$0xFFFFFE40] =	vst v9;
	v33 =	vld.idx.msk [tilespmem:v33+s21+$0x0], $0xffff  }
0x181: {  	v46 =	vadd.f32 v17, v2;
	v47 =	vmul.f32 v47, v1;
	v17 =	vadd.f32 v32, v7;
	[tilespmem:s16+$0xFFFFFE50] =	vst v9  }
0x182: {  	v32 =	vadd.f32 v18, v2;
	v20 =	vmul.f32 v20, v1;
	v18 =	vadd.f32 v34, v7;
	[tilespmem:s16+$0xFFFFFE60] =	vst v9  }
0x183: {  	v34 =	vadd.f32 v47, v2;
	v42 =	vmul.f32 v42, v3;
	[tilespmem:s16+$0xFFFFBE10] =	vst v46;
	v46 =	vor.u32 $0x100, v22  }
0x184: {  	v20 =	vadd.f32 v20, v2;
	v47 =	vld.idx.msk [tilespmem:v19+s21+$0x0], $0xffff;
	[tilespmem:s16+$0xFFFFBE20] =	vst v32;
	v19 =	vmul.f32 v48, v1  }
0x185: {  	v32 =	vld.idx.msk [tilespmem:v21+s21+$0x0], $0xffff;
	[tilespmem:s16+$0xFFFFBE30] =	vst v34;
	v21 =	vmul.f32 v43, v1;
	v34 =	vadd.f32 v42, v4  }
0x186: {  	v33 =	vmul.f32 v33, v1;
	v38 =	vld.idx.msk [tilespmem:v38+s21+$0x0], $0xffff;
	v42 =	vadd.f32 v19, v2;
	[tilespmem:s16+$0xFFFFFF00] =	vst v10  }
0x187: {  	v19 =	vadd.f32 v35, v7;
	v43 =	vadd.f32 v21, v2;
	[tilespmem:s16+$0xFFFFBF00] =	vst v34  }
0x188: {  	v33 =	vadd.f32 v33, v2;
	v21 =	vadd.f32 v36, v7;
	[tilespmem:s16+$0xFFFFBE40] =	vst v20;
	v34 =	vld.idx.msk [tilespmem:v46+s21+$0x0], $0xffff  }
0x189: {  	v20 =	vadd.f32 v37, v7;
	v35 =	vld.idx.msk [tilespmem:v39+s21+$0x0], $0xffff;
	[tilespmem:s16+$0xFFFFBE50] =	vst v42  }
0x18a: {  	v36 =	vmul.f32 v47, v3;
	v37 =	vld.idx.msk [tilespmem:v40+s21+$0x0], $0xffff;
	[tilespmem:s16+$0xFFFFBE60] =	vst v43  }
0x18b: {  	v32 =	vmul.f32 v32, v3;
	v39 =	vld.idx.msk [tilespmem:v41+s21+$0x0], $0xffff;
	[tilespmem:s16+$0xFFFFBE70] =	vst v33  }
0x18c: {  	v33 =	vadd.f32 v36, v4;
	v36 =	vmul.f32 v38, v3;
	[tilespmem:s16+$0xFFFFFE70] =	vst v9  }
0x18d: {  	v32 =	vadd.f32 v32, v4;
	[tilespmem:s16+$0xFFFFFE90] =	vst v10;
	v38 =	vld.idx.msk [tilespmem:v45+s21+$0x0], $0xffff  }
0x18e: {  	v22 =	vor.u32 $0x180, v22;
	v34 =	vmul.f32 v34, v5;
	[tilespmem:s16+$0xFFFFBE90] =	vst v33;
	v33 =	vadd.f32 v36, v4  }
0x18f: {  	v36 =	vld.idx.msk [tilespmem:v44+s21+$0x0], $0xffff;
	[tilespmem:s16+$0xFFFFBEA0] =	vst v32;
	v32 =	vmul.f32 v35, v3  }
0x190: {  	v34 =	vadd.f32 v34, v6;
	[tilespmem:s16+$0xFFFFBEB0] =	vst v33;
	v33 =	vmul.f32 v37, v3  }
0x191: {  	v35 =	vmul.f32 v39, v3;
	v32 =	vadd.f32 v32, v4;
	[tilespmem:s16+$0xFFFFFF80] =	vst v11  }
0x192: {  	v33 =	vadd.f32 v33, v4;
	[tilespmem:s16+$0xFFFFBF80] =	vst v34  }
0x193: {  	v34 =	vmul.f32 v38, v3;
	[tilespmem:s16+$0xFFFFBEC0] =	vst v32;
	v32 =	vadd.f32 v35, v4;
	v22 =	vld.idx.msk [tilespmem:v22+s21+$0x0], $0xffff  }
0x194: {  	[tilespmem:s16+$0xFFFFBED0] =	vst v33  }
0x195: {  	v33 =	vmul.f32 v36, v5;
	[tilespmem:s16+$0xFFFFBEE0] =	vst v32;
	v32 =	vadd.f32 v34, v4  }
0x196: {  	[tilespmem:s16+$0xFFFFFEA0] =	vst v10  }
0x197: {  	v33 =	vadd.f32 v33, v6;
	v29 =	vld.idx.msk [tilespmem:v29+s21+$0x0], $0xffff;
	[tilespmem:s16+$0xFFFFBEF0] =	vst v32  }
0x198: {  	[tilespmem:s16+$0xFFFFFEB0] =	vst v10  }
0x199: {  	v22 =	vmul.f32 v22, v8;
	v30 =	vld.idx.msk [tilespmem:v30+s21+$0x0], $0xffff;
	[tilespmem:s16+$0xFFFFFEC0] =	vst v10  }
0x19a: {  	v27 =	vld.idx.msk [tilespmem:v27+s21+$0x0], $0xffff;
	[tilespmem:s16+$0xFFFFFED0] =	vst v10  }
0x19b: {  	v22 =	vadd.f32 v22, v7;
	v31 =	vld.idx.msk [tilespmem:v31+s21+$0x0], $0xffff;
	[tilespmem:s16+$0xFFFFFEE0] =	vst v10  }
0x19c: {  	v28 =	vld.idx.msk [tilespmem:v28+s21+$0x0], $0xffff;
	[tilespmem:s16+$0xFFFFFEF0] =	vst v10  }
0x19d: {  	v29 =	vmul.f32 v29, v5;
	v26 =	vld.idx.msk [tilespmem:v26+s21+$0x0], $0xffff;
	[tilespmem:s16+$0xFFFFC000] =	vst v22  }
0x19e: {  	[tilespmem:s16+$0xFFFFBF10] =	vst v33  }
0x19f: {  	v22 =	vadd.f32 v29, v6;
	v29 =	vmul.f32 v30, v5;
	[tilespmem:s16+$0xFFFFFF10] =	vst v11  }
0x1a0: {  	v27 =	vmul.f32 v27, v5;
	v25 =	vld.idx.msk [tilespmem:v25+s21+$0x0], $0xffff;
	[tilespmem:s16+$0xFFFFFF20] =	vst v11  }
.Ltmp6:
0x1a1: {  	[tilespmem:s16+$0xFFFFBF20] =	vst v22;
	v22 =	vadd.f32 v29, v6;
	v29 =	vmul.f32 v31, v5;
	(pc) =	sbr.rel @p1 .LBB2_15-.Ltmp6, $4  }
0x1a2: {  	v27 =	vadd.f32 v27, v6;
	v28 =	vmul.f32 v28, v5;
	v24 =	vld.idx.msk [tilespmem:v24+s21+$0x0], $0xffff;
	[tilespmem:s16+$0xFFFFFF30] =	vst v11  }
0x1a3: {  	v26 =	vmul.f32 v26, v5;
	[tilespmem:s16+$0xFFFFBF30] =	vst v22;
	v29 =	vadd.f32 v29, v6  }
0x1a4: {  	v22 =	vld.idx.msk [tilespmem:v23+s21+$0x0], $0xffff;
	[tilespmem:s16+$0xFFFFBF40] =	vst v27;
	v23 =	vadd.f32 v28, v6  }
0x1a5: {  	s6 =	sadd.s32 $0x80, s6;
	v26 =	vadd.f32 v26, v6;
	[tilespmem:s16+$0xFFFFBF50] =	vst v29  }
0x1a6: {  	[tilespmem:s16+$0xFFFFBF60] =	vst v23  }
0x1a7: {  	[tilespmem:s16+$0xFFFFFF40] =	vst v11  }
0x1a8: {  	[tilespmem:s16+$0xFFFFFF50] =	vst v11  }
0x1a9: {  	[tilespmem:s16+$0xFFFFFF60] =	vst v11  }
0x1aa: {  	[tilespmem:s16+$0xFFFFFF70] =	vst v11  }
0x1ab: {  	[tilespmem:s17+$0xFFFFBFB0] =	vst v17  }
0x1ac: {  	[tilespmem:s17+$0xFFFFBFC0] =	vst v18  }
0x1ad: {  	[tilespmem:s17+$0xFFFFBFD0] =	vst v19  }
0x1ae: {  	[tilespmem:s17+$0xFFFFBFE0] =	vst v21  }
0x1af: {  	[tilespmem:s17+$0xFFFFBFF0] =	vst v20  }
0x1b0: {  	v1 =	vmul.f32 v25, v8;
	[tilespmem:s16+$0xFFFFFF90] =	vst v12  }
0x1b1: {  	[tilespmem:s16+$0xFFFFFFA0] =	vst v12;
	v2 =	vmul.f32 v24, v8  }
0x1b2: {  	[tilespmem:s16+$0xFFFFFFB0] =	vst v12;
	v1 =	vadd.f32 v1, v7  }
0x1b3: {  	[tilespmem:s16+$0xFFFFBF70] =	vst v26;
	v3 =	vld.idx.msk [tilespmem:v15+s21+$0x0], $0xffff;
	v2 =	vadd.f32 v2, v7  }
0x1b4: {  	[tilespmem:s16+$0xFFFFBF90] =	vst v1;
	v1 =	vld.idx.msk [tilespmem:v13+s21+$0x0], $0xffff  }
0x1b5: {  	[tilespmem:s16+$0xFFFFBFA0] =	vst v2;
	v2 =	vld.idx.msk [tilespmem:v14+s21+$0x0], $0xffff  }
0x1b6: {  	[tilespmem:s16+$0x0] =	vst v12;
	v4 =	vld.idx.msk [tilespmem:v16+s21+$0x0], $0xffff  }
0x1b7: {  	[tilespmem:s16+$0xFFFFFFE0] =	vst v12;
	v5 =	vmul.f32 v22, v8  }
0x1b8: {  	[tilespmem:s16+$0xFFFFFFF0] =	vst v12;
	v3 =	vmul.f32 v3, v8  }
0x1b9: {  	[tilespmem:s16+$0xFFFFFFC0] =	vst v12;
	v5 =	vadd.f32 v5, v7;
	v1 =	vmul.f32 v1, v8  }
0x1ba: {  	[tilespmem:s16+$0xFFFFFFD0] =	vst v12;
	v3 =	vadd.f32 v3, v7;
	v2 =	vmul.f32 v2, v8  }
0x1bb: {  	v4 =	vmul.f32 v4, v8;
	[tilespmem:s16+$0xFFFFBFB0] =	vst v5;
	v1 =	vadd.f32 v1, v7  }
0x1bc: {  	[tilespmem:s16+$0xFFFFBFE0] =	vst v3;
	v2 =	vadd.f32 v2, v7  }
0x1bd: {  	s0 =	sor.u32 s15, s14;
	[tilespmem:s16+$0xFFFFBFC0] =	vst v1;
	v1 =	vadd.f32 v4, v7  }
0x1be: {  	s8 =	rddreg [dreg:$0x5];
	s17 =	sshll.u32 s0, $0xA;
	[tilespmem:s16+$0xFFFFBFD0] =	vst v2  }
0x1bf: {  	s1 =	simm.s32 $0x9A00;
	s0 =	sadd.s32 s8, s17;
	[tilespmem:s16+$0xFFFFBFF0] =	vst v1  }
0x1c0: {  	[hbm4b:s0+s19] =	stream.strided.scatter [tilespmem:s1], [sflag:$0x5], $0x8000, s20, s19, $0x38;
	[tilespmem:$0x19A00] =	vst v63  }
0x1c1: {  	p1 =	seq.s32 s11, $0xF;
	s0 =	rddreg [dreg:$0xa]  }
0x1c2: {  	s2 =	simm.s32 @!p1 $0x200;
	s0 =	sadd.s32 @!p1 s7, s0  }
0x1c3: {  	s5 =	simm.s32 @!p1 $0x400;
	s6 =	simm.s32 @!p1 $0x5A00;
	s1 =	sadd.s32 @!p1 s12, s0  }
0x1c4: {  	[tilespmem:s6], [sflag:$0x1] =	stream.strided.gather @!p1 [hbm4b:s1+s2], $0x1000, s5, s2, $0x38;
	[tilespmem:$0x19A00] =	vst v63  }
0x1c5: {  	s0 =	sadd.s32 @!p1 s13, s0;
	s1 =	simm.s32 @!p1 $0x7A00  }
0x1c6: {  	[tilespmem:s1], [sflag:$0x3] =	stream.strided.gather @!p1 [hbm4b:s0+s2], $0x1000, s5, s2, $0x38;
	[tilespmem:$0x19A00] =	vst v63  }
0x1c7: {  	_ =	swait.ge [sflag:s4], $0x1000  }
0x1c8: {  	[sflag:s4] =	ssyncset.done $0x0  }
0x1c9: {  	[sflag:s4] =	ssyncadd.s32 $0xFFFFF000  }
0x1ca: {  	_ =	swait.ge [sflag:s3], $0x1000  }
0x1cb: {  	[sflag:s3] =	ssyncset.done $0x0  }
0x1cc: {  	v1 =	vmov s22;
	s0 =	simm.s32 @!p0 $0x6;
	[sflag:s3] =	ssyncadd.s32 $0xFFFFF000  }
0x1cd: {  	v1 =	vand.u32 $0xFFFFFFFC, v1;
	_ =	swait.ge @!p0 [sflag:s0], $0x8000  }
0x1ce: {  	s9 =	simm.s32 $0x0;
	v3 =	vbroadcast v1, $0x0;
	s6 =	simm.s32 $0x0;
	[sflag:s0] =	ssyncset.done @!p0 $0x0  }
0x1cf: {  	s1 =	sand.u32 $0x40, s6;
	s2 =	sand.u32 $0xE00, s6;
	[sflag:s0] =	ssyncadd.s32 @!p0 $0xFFFF8000  }
0x1d0: {  	s24 =	smov.u32 s12;
	s16 =	sand.u32 $0x380, s6;
	s12 =	sor.u32 s1, s2;
	v6 =	vld [tilespmem:s9+$0x1400]  }
0x1d1: {  	s7 =	sor.u32 $0x1400, s16;
	s22 =	sor.u32 $0x20, s1;
	v4 =	vld [tilespmem:s12+$0x6A00]  }
0x1d2: {  	s8 =	sor.u32 s22, s7;
	v7 =	vld [tilespmem:s12+$0x8A00]  }
0x1d3: {  	v5 =	vld [tilespmem:s8+$0x0]  }
0x1d4: {  	v1 =	vld.idx.msk [tilespmem:v3+s28+$0x0], $0xffff  }
0x1d5: {  	v2 =	vld.idx.msk [tilespmem:v3+s29+$0x0], $0xffff  }
0x1d6: {  	v9 =	vld.idx.msk [tilespmem:v3+s30+$0x0], $0xffff  }
0x1d7: {  	s16 =	sor.u32 s2, s22;
	s9 =	sor.u32 $0x10, s1;
	v10 =	vld.idx.msk [tilespmem:v3+s31+$0x0], $0xffff  }
0x1d8: {  	v14 =	vld [tilespmem:s16+$0x6A00];
	s0 =	sor.u32 s2, s9  }
0x1d9: {  	v17 =	vld [tilespmem:s0+$0x6A00]  }
0x1da: {  	v18 =	vld [tilespmem:s0+$0x8A00]  }
0x1db: {  	s22 =	sor.u32 $0x30, s1;
	v15 =	vld [tilespmem:s16+$0x8A00];
	s12 =	sor.u32 s9, s7  }
0x1dc: {  	s1 =	sor.u32 s2, s22;
	v8 =	vld [tilespmem:s12+$0x0]  }
0x1dd: {  	v16 =	vimm.f32 $0.0e+00;
	s16 =	simm.s32 $0x100;
	s9 =	simm.s32 $0x0;
	v13 =	vld [tilespmem:s1+$0x6A00];
	v19 =	vmul.f32 v7, v4  }
.LBB2_17:
0x1de: {  	s0 =	sshra.s32 s16, $0x2;
	v3 =	vld [tilespmem:s1+$0x8A00];
	s6 =	sadd.s32 $0x40, s6  }
0x1df: {  	s2 =	sand.u32 $0xE00, s16;
	s1 =	sand.u32 $0x40, s6;
	v4 =	vmul.f32 v6, v19;
	v6 =	vld [tilespmem:s0+$0x1400];
	v7 =	vmul.f32 v18, v17;
	s0 =	sor.u32 s22, s7  }
0x1e0: {  	s7 =	sand.u32 $0x380, s6;
	s5 =	sor.u32 s1, s2;
	v11 =	vld [tilespmem:s0+$0x0]  }
0x1e1: {  	s7 =	sor.u32 $0x1400, s7;
	s0 =	sor.u32 $0x20, s1;
	v12 =	vld [tilespmem:s5+$0x6A00];
	v4 =	vadd.f32 v4, v16;
	v7 =	vmul.f32 v8, v7;
	v8 =	vmul.f32 v15, v14  }
0x1e2: {  	s9 =	sadd.s32 $0x4, s9;
	s8 =	sor.u32 s0, s7;
	v19 =	vld [tilespmem:s5+$0x8A00];
	s5 =	sor.u32 $0x10, s1  }
0x1e3: {  	p0 =	slt.u32 s9, $0x3C;
	s22 =	sor.u32 s5, s7;
	v4 =	vadd.f32 v7, v4;
	v7 =	vmul.f32 v5, v8;
	v5 =	vld [tilespmem:s8+$0x0];
	v3 =	vmul.f32 v3, v13  }
0x1e4: {  	s5 =	sor.u32 s2, s5;
	v8 =	vld [tilespmem:s22+$0x0]  }
.Ltmp7:
0x1e5: {  	v17 =	vld [tilespmem:s5+$0x6A00];
	v4 =	vadd.f32 v7, v4;
	v3 =	vmul.f32 v11, v3;
	(pc) =	sbr.rel @p0 .LBB2_17-.Ltmp7, $4  }
0x1e6: {  	s0 =	sor.u32 s2, s0;
	v18 =	vld [tilespmem:s5+$0x8A00]  }
0x1e7: {  	s22 =	sor.u32 $0x30, s1;
	v14 =	vld [tilespmem:s0+$0x6A00];
	v16 =	vadd.f32 v3, v4  }
0x1e8: {  	s1 =	sor.u32 s2, s22;
	v15 =	vld [tilespmem:s0+$0x8A00]  }
0x1e9: {  	s16 =	sadd.s32 $0x100, s16;
	v19 =	vmul.f32 v19, v12;
	v13 =	vld [tilespmem:s1+$0x6A00]  }
0x1ea: {  	s0 =	sor.u32 $0x5, s14  }
0x1eb: {  	v3 =	vmov s0  }
0x1ec: {  	v3 =	vand.u32 $0xFFFFFFFD, v3  }
0x1ed: {  	s6 =	simm.s32 $0x0;
	v7 =	vbroadcast v3, $0x0  }
0x1ee: {  	v20 =	vld [tilespmem:s1+$0x8A00];
	s9 =	sor.u32 s22, s7;
	s1 =	sand.u32 $0x40, s6;
	s2 =	sand.u32 $0xE00, s6  }
0x1ef: {  	v21 =	vld [tilespmem:s9+$0x0];
	s5 =	sand.u32 $0x380, s6;
	s16 =	sor.u32 s1, s2  }
0x1f0: {  	v6 =	vmul.f32 v6, v19;
	v17 =	vmul.f32 v18, v17;
	s7 =	sor.u32 $0x1400, s5;
	s22 =	sor.u32 $0x20, s1;
	v19 =	vld [tilespmem:s16+$0x6A80]  }
0x1f1: {  	v25 =	vld [tilespmem:s16+$0x8A80];
	s8 =	sor.u32 s22, s7  }
0x1f2: {  	v6 =	vadd.f32 v6, v16;
	v16 =	vmul.f32 v8, v17;
	v8 =	vld [tilespmem:s8+$0x0]  }
0x1f3: {  	v3 =	vld.idx.msk [tilespmem:v7+s28+$0x0], $0xffff  }
0x1f4: {  	v4 =	vld.idx.msk [tilespmem:v7+s29+$0x0], $0xffff  }
0x1f5: {  	v11 =	vld.idx.msk [tilespmem:v7+s30+$0x0], $0xffff  }
0x1f6: {  	s12 =	simm.s32 $0x0;
	v12 =	vld.idx.msk [tilespmem:v7+s31+$0x0], $0xffff  }
0x1f7: {  	v15 =	vmul.f32 v15, v14;
	s16 =	sor.u32 s22, s2;
	v7 =	vld [tilespmem:s12+$0x1400];
	s12 =	sor.u32 $0x10, s1  }
0x1f8: {  	v18 =	vld [tilespmem:s16+$0x6A80];
	s0 =	sor.u32 s12, s2  }
0x1f9: {  	v6 =	vadd.f32 v16, v6;
	v5 =	vmul.f32 v5, v15;
	v13 =	vmul.f32 v20, v13;
	v22 =	vld [tilespmem:s0+$0x6A80]  }
0x1fa: {  	v24 =	vld [tilespmem:s0+$0x8A80]  }
0x1fb: {  	s22 =	sor.u32 $0x30, s1;
	v20 =	vld [tilespmem:s16+$0x8A80];
	v5 =	vadd.f32 v5, v6;
	v6 =	vmul.f32 v21, v13;
	s9 =	sor.u32 s12, s7  }
0x1fc: {  	s1 =	sor.u32 s22, s2;
	v14 =	vld [tilespmem:s9+$0x0]  }
0x1fd: {  	v23 =	vimm.f32 $0.0e+00;
	s16 =	simm.s32 $0x100;
	v25 =	vmul.f32 v25, v19;
	v17 =	vadd.f32 v6, v5;
	v16 =	vld [tilespmem:s1+$0x6A80];
	s9 =	simm.s32 $0x0  }
.LBB2_19:
0x1fe: {  	s0 =	sshra.s32 s16, $0x2;
	v5 =	vld [tilespmem:s1+$0x8A80];
	s6 =	sadd.s32 $0x40, s6  }
0x1ff: {  	s2 =	sand.u32 $0xE00, s16;
	s1 =	sand.u32 $0x40, s6;
	v6 =	vmul.f32 v7, v25;
	v7 =	vld [tilespmem:s0+$0x1400];
	v13 =	vmul.f32 v24, v22;
	s0 =	sor.u32 s22, s7  }
0x200: {  	s7 =	sand.u32 $0x380, s6;
	s5 =	sor.u32 s1, s2;
	v15 =	vld [tilespmem:s0+$0x0]  }
0x201: {  	s7 =	sor.u32 $0x1400, s7;
	s0 =	sor.u32 $0x20, s1;
	v19 =	vld [tilespmem:s5+$0x6A80];
	v6 =	vadd.f32 v6, v23;
	v13 =	vmul.f32 v14, v13;
	v14 =	vmul.f32 v20, v18  }
0x202: {  	s9 =	sadd.s32 $0x4, s9;
	s8 =	sor.u32 s0, s7;
	v21 =	vld [tilespmem:s5+$0x8A80];
	s5 =	sor.u32 $0x10, s1  }
0x203: {  	p0 =	slt.u32 s9, $0x3C;
	s22 =	sor.u32 s5, s7;
	v6 =	vadd.f32 v13, v6;
	v13 =	vmul.f32 v8, v14;
	v8 =	vld [tilespmem:s8+$0x0];
	v5 =	vmul.f32 v5, v16  }
0x204: {  	s5 =	sor.u32 s5, s2;
	v14 =	vld [tilespmem:s22+$0x0]  }
.Ltmp8:
0x205: {  	v22 =	vld [tilespmem:s5+$0x6A80];
	v6 =	vadd.f32 v13, v6;
	v5 =	vmul.f32 v15, v5;
	(pc) =	sbr.rel @p0 .LBB2_19-.Ltmp8, $4  }
0x206: {  	s0 =	sor.u32 s0, s2;
	v24 =	vld [tilespmem:s5+$0x8A80]  }
0x207: {  	s22 =	sor.u32 $0x30, s1;
	v18 =	vld [tilespmem:s0+$0x6A80];
	v23 =	vadd.f32 v5, v6  }
0x208: {  	s1 =	sor.u32 s22, s2;
	v20 =	vld [tilespmem:s0+$0x8A80]  }
0x209: {  	s16 =	sadd.s32 $0x100, s16;
	v25 =	vmul.f32 v21, v19;
	v16 =	vld [tilespmem:s1+$0x6A80]  }
0x20a: {  	s0 =	sor.u32 $0x6, s14  }
0x20b: {  	v27 =	vld [tilespmem:s1+$0x8A80];
	s7 =	sor.u32 s22, s7;
	p0 =	por $0x0, $0x0;
	v5 =	vmov s0;
	s0 =	simm.s32 $0x1  }
0x20c: {  	s6 =	simm.s32 $0x0;
	s8 =	simm.s32 $0x1400;
	v28 =	vld [tilespmem:s7+$0x0];
	s0 =	simm.s32 @!p0 $0x0  }
0x20d: {  	v19 =	vld [tilespmem:s8+$0x0];
	s7 =	sand.u32 $0x3C0, s6;
	s0 =	sshll.u32 s0, $0x6  }
0x20e: {  	v21 =	vld [tilespmem:s7+$0x1420];
	s0 =	sadd.s32 $0x0, s0  }
0x20f: {  	v7 =	vmul.f32 v7, v25;
	v24 =	vmul.f32 v24, v22;
	v22 =	vld [tilespmem:s7+$0x1410];
	s9 =	sor.u32 $0x100, s0  }
0x210: {  	v5 =	vand.u32 $0xFFFFFFFE, v5;
	s2 =	sadd.s32 $0x10, s0;
	v31 =	vld [tilespmem:s9+$0x6A00]  }
0x211: {  	v7 =	vadd.f32 v7, v23;
	v14 =	vmul.f32 v14, v24;
	v18 =	vmul.f32 v20, v18;
	v20 =	vld [tilespmem:s9+$0x8A00];
	s12 =	sor.u32 $0x100, s2  }
0x212: {  	v15 =	vbroadcast v5, $0x0;
	s16 =	sadd.s32 $0x20, s0;
	v26 =	vld [tilespmem:s12+$0x6A00]  }
0x213: {  	v7 =	vadd.f32 v14, v7;
	v8 =	vmul.f32 v8, v18;
	v14 =	vmul.f32 v27, v16;
	s22 =	sor.u32 $0x100, s16;
	v29 =	vld [tilespmem:s12+$0x8A00]  }
0x214: {  	s0 =	sadd.s32 $0x30, s0;
	v25 =	vld [tilespmem:s22+$0x6A00]  }
0x215: {  	s0 =	sor.u32 $0x100, s0;
	v7 =	vadd.f32 v8, v7;
	v8 =	vmul.f32 v28, v14;
	v28 =	vld [tilespmem:s22+$0x8A00]  }
0x216: {  	v23 =	vld [tilespmem:s0+$0x6A00]  }
0x217: {  	v27 =	vld [tilespmem:s0+$0x8A00]  }
0x218: {  	v5 =	vld.idx.msk [tilespmem:v15+s28+$0x0], $0xffff  }
0x219: {  	v6 =	vld.idx.msk [tilespmem:v15+s29+$0x0], $0xffff  }
0x21a: {  	p0 =	por !p0, !p0;
	v13 =	vld.idx.msk [tilespmem:v15+s30+$0x0], $0xffff  }
0x21b: {  	v30 =	vimm.f32 $0.0e+00;
	s9 =	simm.s32 $0x0;
	s16 =	simm.s32 $0x1440;
	s22 =	simm.s32 $0x0;
	v15 =	vld.idx.msk [tilespmem:v15+s31+$0x0], $0xffff;
	v24 =	vadd.f32 v8, v7;
	v31 =	vmul.f32 v20, v31  }
.LBB2_21:
0x21c: {  	s0 =	simm.s32 $0x1  }
0x21d: {  	v7 =	vmul.f32 v19, v31;
	v19 =	vld [tilespmem:s16+$0x0];
	v8 =	vmul.f32 v29, v26;
	s6 =	sadd.s32 $0x100, s6;
	s22 =	sadd.s32 $0x40, s22;
	s0 =	simm.s32 @!p0 $0x0  }
0x21e: {  	s9 =	sadd.s32 $0x4, s9;
	s0 =	sshll.u32 s0, $0x6;
	v14 =	vld [tilespmem:s7+$0x1430];
	s7 =	sand.u32 $0x3C0, s22  }
0x21f: {  	p1 =	slt.u32 s9, $0x3C;
	v7 =	vadd.f32 v7, v30;
	v8 =	vmul.f32 v22, v8;
	v18 =	vmul.f32 v28, v25;
	s0 =	sadd.s32 s0, s6;
	v16 =	vld [tilespmem:s7+$0x1420]  }
0x220: {  	s1 =	sor.u32 $0x100, s0;
	v22 =	vld [tilespmem:s7+$0x1410]  }
0x221: {  	s2 =	sadd.s32 $0x10, s0;
	v7 =	vadd.f32 v8, v7;
	v8 =	vmul.f32 v21, v18;
	v18 =	vmul.f32 v27, v23;
	v20 =	vld [tilespmem:s1+$0x6A00]  }
0x222: {  	v23 =	vld [tilespmem:s1+$0x8A00];
	s1 =	sor.u32 $0x100, s2  }
0x223: {  	s2 =	sadd.s32 $0x20, s0;
	v7 =	vadd.f32 v8, v7;
	v26 =	vld [tilespmem:s1+$0x6A00];
	v8 =	vmul.f32 v14, v18  }
.Ltmp9:
0x224: {  	v29 =	vld [tilespmem:s1+$0x8A00];
	s1 =	sor.u32 $0x100, s2;
	v21 =	vmov v16;
	(pc) =	sbr.rel @p1 .LBB2_21-.Ltmp9, $4  }
0x225: {  	s0 =	sadd.s32 $0x30, s0;
	v25 =	vld [tilespmem:s1+$0x6A00];
	v30 =	vadd.f32 v8, v7  }
0x226: {  	s0 =	sor.u32 $0x100, s0;
	v28 =	vld [tilespmem:s1+$0x8A00]  }
0x227: {  	v31 =	vmul.f32 v23, v20;
	v23 =	vld [tilespmem:s0+$0x6A00]  }
0x228: {  	s16 =	sadd.s32 $0x40, s16;
	p0 =	por !p0, !p0;
	v27 =	vld [tilespmem:s0+$0x8A00]  }
0x229: {  	s0 =	sor.u32 $0x7, s14  }
0x22a: {  	v16 =	vmov s0  }
0x22b: {  	v32 =	vld [tilespmem:s7+$0x1430];
	s7 =	simm.s32 $0x0;
	s1 =	simm.s32 $0x1400  }
0x22c: {  	v20 =	vld [tilespmem:s1+$0x0];
	s6 =	sand.u32 $0x3C0, s7  }
0x22d: {  	v18 =	vld [tilespmem:s6+$0x1420]  }
0x22e: {  	p0 =	por $0x0, $0x0;
	v31 =	vmul.f32 v19, v31;
	s0 =	simm.s32 $0x1;
	v19 =	vld [tilespmem:s6+$0x1410]  }
0x22f: {  	s0 =	simm.s32 @!p0 $0x0;
	v8 =	vld.idx.msk [tilespmem:v16+s28+$0x0], $0xffff  }
0x230: {  	s0 =	sshll.u32 s0, $0x6;
	v7 =	vld.idx.msk [tilespmem:v16+s29+$0x0], $0xffff  }
0x231: {  	s0 =	sadd.s32 $0x0, s0;
	v14 =	vld.idx.msk [tilespmem:v16+s30+$0x0], $0xffff  }
0x232: {  	v26 =	vmul.f32 v29, v26;
	s12 =	sor.u32 $0x180, s0;
	v16 =	vld.idx.msk [tilespmem:v16+s31+$0x0], $0xffff  }
0x233: {  	s2 =	sadd.s32 $0x10, s0;
	v33 =	vld [tilespmem:s12+$0x6A00]  }
0x234: {  	v30 =	vadd.f32 v31, v30;
	v22 =	vmul.f32 v22, v26;
	v25 =	vmul.f32 v28, v25;
	v26 =	vld [tilespmem:s12+$0x8A00];
	s14 =	sor.u32 $0x180, s2  }
0x235: {  	s16 =	sadd.s32 $0x20, s0;
	v29 =	vld [tilespmem:s14+$0x6A00]  }
0x236: {  	v28 =	vadd.f32 v22, v30;
	v21 =	vmul.f32 v21, v25;
	v23 =	vmul.f32 v27, v23;
	s22 =	sor.u32 $0x180, s16;
	v30 =	vld [tilespmem:s14+$0x8A00]  }
0x237: {  	s0 =	sadd.s32 $0x30, s0;
	v22 =	vld [tilespmem:s22+$0x6A00]  }
0x238: {  	v27 =	vadd.f32 v21, v28;
	v23 =	vmul.f32 v32, v23;
	s0 =	sor.u32 $0x180, s0;
	v25 =	vld [tilespmem:s22+$0x8A00]  }
0x239: {  	s9 =	simm.s32 $0x0;
	v21 =	vld [tilespmem:s0+$0x6A00]  }
0x23a: {  	p0 =	por !p0, !p0;
	v28 =	vimm.f32 $0.0e+00;
	s16 =	simm.s32 $0x0;
	s14 =	simm.s32 $0x1440;
	v34 =	vadd.f32 v23, v27;
	v23 =	vld [tilespmem:s0+$0x8A00];
	v35 =	vmul.f32 v26, v33  }
.LBB2_23:
0x23b: {  	s0 =	simm.s32 $0x1  }
0x23c: {  	v26 =	vmul.f32 v20, v35;
	v20 =	vld [tilespmem:s14+$0x0];
	v27 =	vmul.f32 v30, v29;
	s7 =	sadd.s32 $0x100, s7;
	s16 =	sadd.s32 $0x40, s16;
	s0 =	simm.s32 @!p0 $0x0  }
0x23d: {  	s9 =	sadd.s32 $0x4, s9;
	s0 =	sshll.u32 s0, $0x6;
	v30 =	vld [tilespmem:s6+$0x1430];
	s6 =	sand.u32 $0x3C0, s16  }
0x23e: {  	p1 =	slt.u32 s9, $0x3C;
	v26 =	vadd.f32 v26, v28;
	v27 =	vmul.f32 v19, v27;
	v22 =	vmul.f32 v25, v22;
	s0 =	sadd.s32 s0, s7;
	v31 =	vld [tilespmem:s6+$0x1420]  }
0x23f: {  	s1 =	sor.u32 $0x180, s0;
	v19 =	vld [tilespmem:s6+$0x1410]  }
0x240: {  	s2 =	sadd.s32 $0x10, s0;
	v25 =	vadd.f32 v27, v26;
	v22 =	vmul.f32 v18, v22;
	v21 =	vmul.f32 v23, v21;
	v32 =	vld [tilespmem:s1+$0x6A00]  }
0x241: {  	v23 =	vld [tilespmem:s1+$0x8A00];
	s1 =	sor.u32 $0x180, s2  }
0x242: {  	s2 =	sadd.s32 $0x20, s0;
	v25 =	vadd.f32 v22, v25;
	v29 =	vld [tilespmem:s1+$0x6A00];
	v21 =	vmul.f32 v30, v21  }
.Ltmp10:
0x243: {  	v30 =	vld [tilespmem:s1+$0x8A00];
	s1 =	sor.u32 $0x180, s2;
	v18 =	vmov v31;
	(pc) =	sbr.rel @p1 .LBB2_23-.Ltmp10, $4  }
0x244: {  	s0 =	sadd.s32 $0x30, s0;
	v22 =	vld [tilespmem:s1+$0x6A00];
	v28 =	vadd.f32 v21, v25  }
0x245: {  	s0 =	sor.u32 $0x180, s0;
	v25 =	vld [tilespmem:s1+$0x8A00]  }
0x246: {  	v35 =	vmul.f32 v23, v32;
	v21 =	vld [tilespmem:s0+$0x6A00]  }
0x247: {  	s14 =	sadd.s32 $0x40, s14;
	p0 =	por !p0, !p0;
	v23 =	vld [tilespmem:s0+$0x8A00]  }
0x248: {  	(xrf2) =	vadd.scan.msk.f32 $0xffff, v17  }
0x249: {  	s0 =	simm.s32 $0x40  }
0x24a: {  	v17 =	vld [tilespmem:s0+$0x30];
	_ =	sdelay $0x3  }
0x24b: {  	v27 =	vld [tilespmem:s0+$0xFFFFFFD0]  }
0x24c: {  	v32 =	vld [tilespmem:s0+$0xFFFFFFC0];
	v26 =	vshll.u32 v17, $0x2  }
0x24d: {  	v17 =	vand.u32 $0x7F, v17;
	v26 =	vand.u32 $0xFFFFFE00, v26  }
0x24e: {  	v36 =	vor.u32 v17, v26;
	v26 =	vld [tilespmem:s0+$0xFFFFFFE0]  }
0x24f: {  	v31, _, _ =	vpop (xrf2)  }
0x250: {  	v37 =	vld [tilespmem:s0+$0x0];
	v17 =	vbroadcast v31, $0xF  }
0x251: {  	v58 =	vshll.u32 v27, $0x2;
	v59 =	vshll.u32 v32, $0x2;
	(xrf2) =	vadd.scan.msk.f32 $0xffff, v24;
	v24 =	vld [tilespmem:s0+$0x10]  }
0x252: {  	v32 =	vand.u32 $0x7F, v32;
	v27 =	vand.u32 $0x7F, v27;
	v10 =	vmul.f32 v17, v10;
	v17 =	vld [tilespmem:s0+$0xFFFFFFF0]  }
0x253: {  	v41 =	vor.u32 $0x80, v36;
	v31 =	vand.u32 $0xFFFFFE00, v59;
	v38 =	vld.idx.msk [tilespmem:v36+s23+$0x0], $0xffff;
	v33 =	vshll.u32 v26, $0x2  }
0x254: {  	v32 =	vor.u32 v32, v31;
	v26 =	vand.u32 $0x7F, v26;
	v39 =	vand.u32 $0xFFFFFE00, v33  }
0x255: {  	v40 =	vld [tilespmem:s0+$0x20];
	v9 =	vadd.f32 v10, v9;
	v10 =	vand.u32 $0xFFFFFE00, v58;
	v31 =	vor.u32 v26, v39  }
0x256: {  	v61 =	vshll.u32 v24, $0x2;
	v33 =	vor.u32 v27, v10;
	v27 =	vshll.u32 v37, $0x2  }
0x257: {  	v37 =	vand.u32 $0x7F, v37;
	v26 =	vand.u32 $0xFFFFFE00, v27;
	v60 =	vshll.u32 v17, $0x2  }
0x258: {  	s7 =	simm.s32 $0x15BF0;
	v17 =	vand.u32 $0x7F, v17;
	v27 =	vmul.f32 v38, v1;
	v38 =	vld [tilespmem:s6+$0x1430];
	v10 =	vand.u32 $0xFFFFFE00, v60  }
0x259: {  	v43 =	vand.u32 $0x7F, v24;
	v24 =	vor.u32 v37, v26;
	[tilespmem:s7+$0xFFFFFE80] =	vst v9;
	v17 =	vor.u32 v17, v10;
	v10 =	vld.idx.msk [tilespmem:v32+s23+$0x0], $0xffff  }
0x25a: {  	v39 =	vand.u32 $0xFFFFFE00, v61;
	v42 =	vadd.f32 v27, v2;
	v27 =	vshll.u32 v40, $0x2;
	v63 =	vld.idx.msk [tilespmem:v31+s23+$0x0], $0xffff;
	[tilespmem:s7+$0xFFFFFE10] =	vst v9  }
0x25b: {  	v40 =	vand.u32 $0x7F, v40;
	[tilespmem:s7+$0xFFFFFE30] =	vst v9;
	v62 =	vld.idx.msk [tilespmem:v33+s23+$0x0], $0xffff;
	v26 =	vand.u32 $0xFFFFFE00, v27;
	v27 =	vor.u32 v43, v39  }
0x25c: {  	[tilespmem:s7+$0xFFFFBE80] =	vst v42;
	v26 =	vor.u32 v40, v26  }
0x25d: {  	[tilespmem:s7+$0xFFFFFE20] =	vst v9;
	v41 =	vld.idx.msk [tilespmem:v41+s23+$0x0], $0xffff  }
0x25e: {  	v47, _, _ =	vpop (xrf2);
	v50 =	vld.idx.msk [tilespmem:v24+s23+$0x0], $0xffff;
	[tilespmem:s7+$0xFFFFFE50] =	vst v9;
	v10 =	vmul.f32 v10, v1  }
0x25f: {  	v40 =	vbroadcast v47, $0xF;
	v48 =	vld.idx.msk [tilespmem:v17+s23+$0x0], $0xffff;
	[tilespmem:s7+$0xFFFFFE40] =	vst v9;
	v39 =	vmul.f32 v63, v1  }
0x260: {  	v49 =	vor.u32 $0x80, v32;
	v37 =	vmul.f32 v62, v1;
	v45 =	vld.idx.msk [tilespmem:v27+s23+$0x0], $0xffff;
	[tilespmem:s7+$0xFFFFFE60] =	vst v9;
	v10 =	vadd.f32 v10, v2  }
0x261: {  	(xrf2) =	vadd.scan.msk.f32 $0xffff, v34;
	v12 =	vmul.f32 v40, v12;
	v46 =	vld.idx.msk [tilespmem:v26+s23+$0x0], $0xffff;
	v39 =	vadd.f32 v39, v2;
	[tilespmem:s7+$0xFFFFFE70] =	vst v9  }
0x262: {  	v44 =	vor.u32 $0x80, v33;
	v37 =	vadd.f32 v37, v2;
	[tilespmem:s7+$0xFFFFBE10] =	vst v10  }
0x263: {  	v51 =	vor.u32 $0x80, v31;
	v10 =	vadd.f32 v12, v11;
	[tilespmem:s7+$0xFFFFBE30] =	vst v39  }
0x264: {  	[tilespmem:s7+$0xFFFFBE20] =	vst v37  }
0x265: {  	v41 =	vmul.f32 v41, v3;
	v12 =	vor.u32 $0x100, v36;
	[tilespmem:s7+$0xFFFFFF00] =	vst v10  }
0x266: {  	v52 =	vor.u32 $0x80, v17;
	v11 =	vmul.f32 v48, v1;
	v34 =	vld.idx.msk [tilespmem:v49+s23+$0x0], $0xffff;
	[tilespmem:s7+$0xFFFFFE90] =	vst v10  }
0x267: {  	v55 =	vor.u32 $0x80, v24;
	v53 =	vmul.f32 v50, v1;
	v54 =	vadd.f32 v41, v4;
	v56 =	vld.idx.msk [tilespmem:v44+s23+$0x0], $0xffff;
	[tilespmem:s7+$0xFFFFFEA0] =	vst v10  }
0x268: {  	v58 =	vor.u32 $0x80, v27;
	v40 =	vld.idx.msk [tilespmem:v51+s23+$0x0], $0xffff;
	v57 =	vmul.f32 v45, v1;
	[tilespmem:s7+$0xFFFFFEB0] =	vst v10;
	v11 =	vadd.f32 v11, v2  }
0x269: {  	v42 =	vadd.f32 v53, v2;
	[tilespmem:s7+$0xFFFFBF00] =	vst v54  }
0x26a: {  	v46 =	vmul.f32 v46, v1;
	v59 =	vadd.f32 v57, v2;
	[tilespmem:s7+$0xFFFFBE40] =	vst v11;
	v11 =	vor.u32 $0x80, v26;
	v12 =	vld.idx.msk [tilespmem:v12+s23+$0x0], $0xffff  }
0x26b: {  	v61, _, _ =	vpop (xrf2);
	[tilespmem:s7+$0xFFFFBE50] =	vst v42;
	v37 =	vld.idx.msk [tilespmem:v52+s23+$0x0], $0xffff  }
0x26c: {  	v20 =	vmul.f32 v20, v35;
	v35 =	vbroadcast v61, $0xF;
	v62 =	vld.idx.msk [tilespmem:v55+s23+$0x0], $0xffff;
	v60 =	vadd.f32 v46, v2;
	[tilespmem:s7+$0xFFFFBE60] =	vst v59  }
0x26d: {  	[tilespmem:s7+$0xFFFFFED0] =	vst v10;
	v34 =	vmul.f32 v34, v3;
	v46 =	vld.idx.msk [tilespmem:v58+s23+$0x0], $0xffff  }
0x26e: {  	v29 =	vmul.f32 v30, v29;
	v20 =	vadd.f32 v20, v28;
	v15 =	vmul.f32 v35, v15;
	[tilespmem:s7+$0xFFFFBE70] =	vst v60  }
0x26f: {  	v50 =	vor.u32 $0x100, v32;
	[tilespmem:s7+$0xFFFFFEC0] =	vst v10;
	v34 =	vadd.f32 v34, v4;
	v48 =	vld.idx.msk [tilespmem:v11+s23+$0x0], $0xffff;
	v12 =	vmul.f32 v12, v5  }
0x270: {  	[tilespmem:s7+$0xFFFFFEE0] =	vst v10;
	v11 =	vadd.f32 v15, v13;
	v13 =	vor.u32 $0x180, v36;
	v15 =	vmul.f32 v37, v3  }
0x271: {  	v19 =	vmul.f32 v19, v29;
	v40 =	vmul.f32 v40, v3;
	[tilespmem:s7+$0xFFFFBE90] =	vst v34;
	v12 =	vadd.f32 v12, v6  }
0x272: {  	v22 =	vmul.f32 v25, v22;
	v52 =	vmul.f32 v46, v3;
	[tilespmem:s7+$0xFFFFFF80] =	vst v11;
	v15 =	vadd.f32 v15, v4  }
0x273: {  	v19 =	vadd.f32 v19, v20;
	v63 =	vmul.f32 v56, v3;
	v49 =	vadd.f32 v40, v4;
	[tilespmem:s7+$0xFFFFBF80] =	vst v12  }
0x274: {  	v25 =	vld.idx.msk [tilespmem:v50+s23+$0x0], $0xffff;
	v12 =	vor.u32 $0x100, v33;
	[tilespmem:s7+$0xFFFFBEC0] =	vst v15;
	v15 =	vadd.f32 v52, v4;
	v54 =	vmul.f32 v48, v3  }
0x275: {  	v18 =	vmul.f32 v18, v22;
	v20 =	vor.u32 $0x100, v31;
	v47 =	vadd.f32 v63, v4;
	[tilespmem:s7+$0xFFFFBEB0] =	vst v49;
	v13 =	vld.idx.msk [tilespmem:v13+s23+$0x0], $0xffff  }
0x276: {  	v21 =	vmul.f32 v23, v21;
	v22 =	vor.u32 $0x100, v17;
	[tilespmem:s7+$0xFFFFBEE0] =	vst v15;
	v15 =	vadd.f32 v54, v4  }
0x277: {  	v23 =	vor.u32 $0x100, v24;
	v51 =	vmul.f32 v62, v3;
	[tilespmem:s7+$0xFFFFBEA0] =	vst v47  }
0x278: {  	[tilespmem:s7+$0xFFFFBEF0] =	vst v15;
	v15 =	vadd.f32 v18, v19;
	v18 =	vmul.f32 v38, v21;
	v19 =	vor.u32 $0x100, v27  }
0x279: {  	[tilespmem:s7+$0xFFFFFEF0] =	vst v10;
	v53 =	vadd.f32 v51, v4;
	v12 =	vld.idx.msk [tilespmem:v12+s23+$0x0], $0xffff;
	v21 =	vor.u32 $0x100, v26  }
0x27a: {  	v20 =	vld.idx.msk [tilespmem:v20+s23+$0x0], $0xffff;
	v13 =	vmul.f32 v13, v8;
	v15 =	vadd.f32 v18, v15;
	v18 =	vmul.f32 v25, v5  }
0x27b: {  	[tilespmem:s7+$0xFFFFBED0] =	vst v53;
	v22 =	vld.idx.msk [tilespmem:v22+s23+$0x0], $0xffff  }
0x27c: {  	[tilespmem:s7+$0xFFFFFF10] =	vst v11;
	v13 =	vadd.f32 v13, v7;
	(xrf2) =	vadd.scan.msk.f32 $0xffff, v15;
	v15 =	vadd.f32 v18, v6;
	v18 =	vld.idx.msk [tilespmem:v23+s23+$0x0], $0xffff  }
0x27d: {  	[tilespmem:s7+$0xFFFFFF30] =	vst v11;
	v19 =	vld.idx.msk [tilespmem:v19+s23+$0x0], $0xffff  }
0x27e: {  	v12 =	vmul.f32 v12, v5;
	[tilespmem:s7+$0xFFFFC000] =	vst v13;
	v13 =	vor.u32 $0x180, v32;
	v21 =	vld.idx.msk [tilespmem:v21+s23+$0x0], $0xffff  }
0x27f: {  	[tilespmem:s7+$0xFFFFBF10] =	vst v15;
	v15 =	vor.u32 $0x180, v33  }
0x280: {  	v20 =	vmul.f32 v20, v5;
	[tilespmem:s7+$0xFFFFFF40] =	vst v11;
	v12 =	vadd.f32 v12, v6  }
0x281: {  	s22 =	simm.s32 $0xC0;
	[tilespmem:s7+$0xFFFFFF20] =	vst v11;
	v22 =	vmul.f32 v22, v5  }
0x282: {  	v23 =	vld [tilespmem:s22+$0x30];
	[tilespmem:s7+$0xFFFFBF20] =	vst v12;
	v12 =	vadd.f32 v20, v6;
	v18 =	vmul.f32 v18, v5  }
0x283: {  	v22 =	vadd.f32 v22, v6;
	v19 =	vmul.f32 v19, v5;
	v25 =	vld.idx.msk [tilespmem:v13+s23+$0x0], $0xffff;
	v13 =	vmul.f32 v21, v5  }
0x284: {  	v20 =	vor.u32 $0x180, v31;
	[tilespmem:s7+$0xFFFFBF30] =	vst v12;
	v12 =	vadd.f32 v18, v6;
	v15 =	vld.idx.msk [tilespmem:v15+s23+$0x0], $0xffff  }
0x285: {  	[tilespmem:s7+$0xFFFFBF40] =	vst v22;
	v18 =	vadd.f32 v19, v6  }
0x286: {  	[tilespmem:s7+$0xFFFFBF50] =	vst v12;
	v12 =	vadd.f32 v13, v6  }
0x287: {  	v57 =	vld [tilespmem:s22+$0x20];
	v13, _, _ =	vpop (xrf2);
	[tilespmem:s7+$0xFFFFBF60] =	vst v18  }
0x288: {  	v22 =	vld [tilespmem:s22+$0xFFFFFFC0];
	v18 =	vbroadcast v13, $0xF;
	[tilespmem:s7+$0xFFFFBF70] =	vst v12;
	v12 =	vshll.u32 v23, $0x2;
	v19 =	vmul.f32 v25, v8  }
0x289: {  	[tilespmem:s7+$0xFFFFFF50] =	vst v11;
	v21 =	vand.u32 $0x7F, v23;
	v13 =	vld.idx.msk [tilespmem:v20+s23+$0x0], $0xffff;
	v12 =	vand.u32 $0xFFFFFE00, v12;
	v15 =	vmul.f32 v15, v8  }
0x28a: {  	[tilespmem:s7+$0xFFFFFF60] =	vst v11;
	v20 =	vld [tilespmem:s22+$0xFFFFFFD0];
	v25 =	vor.u32 v21, v12;
	v12 =	vmul.f32 v18, v16;
	v18 =	vadd.f32 v19, v7  }
0x28b: {  	[tilespmem:s7+$0xFFFFFF70] =	vst v11;
	v23 =	vor.u32 $0x180, v27;
	v27 =	vld [tilespmem:s22+$0x10];
	v15 =	vadd.f32 v15, v7  }
0x28c: {  	v16 =	vld [tilespmem:s22+$0xFFFFFFE0];
	v12 =	vadd.f32 v12, v14;
	[tilespmem:s7+$0xFFFFBF90] =	vst v18  }
0x28d: {  	v17 =	vor.u32 $0x180, v17;
	v21 =	vld [tilespmem:s22+$0xFFFFFFF0];
	[tilespmem:s7+$0xFFFFBFA0] =	vst v15  }
0x28e: {  	v30 =	vand.u32 $0x7F, v57;
	v19 =	vor.u32 $0x180, v24;
	[tilespmem:s7+$0xFFFFFF90] =	vst v12  }
0x28f: {  	v26 =	vor.u32 $0x180, v26;
	v60 =	vor.u32 $0x80, v25;
	v14 =	vshll.u32 v20, $0x2;
	[tilespmem:s7+$0xFFFFFFA0] =	vst v12  }
0x290: {  	v24 =	vld [tilespmem:s22+$0x0];
	v18 =	vand.u32 $0x7F, v22;
	v55 =	vand.u32 $0xFFFFFE00, v14;
	v14 =	vshll.u32 v22, $0x2;
	[tilespmem:s7+$0xFFFFFFB0] =	vst v12  }
0x291: {  	v20 =	vand.u32 $0x7F, v20;
	v59 =	vshll.u32 v27, $0x2;
	[tilespmem:s7+$0x0] =	vst v12;
	v56 =	vld.idx.msk [tilespmem:v25+s23+$0x0], $0xffff;
	v22 =	vand.u32 $0xFFFFFE00, v14  }
0x292: {  	s14 =	simm.s32 $0x15DF0;
	v15 =	vshll.u32 v16, $0x2;
	v14 =	vld.idx.msk [tilespmem:v17+s23+$0x0], $0xffff;
	v17 =	vshll.u32 v21, $0x2;
	[tilespmem:s7+$0xFFFFFFC0] =	vst v12;
	v18 =	vor.u32 v18, v22  }
0x293: {  	[tilespmem:s14+$0xFFFFFE80] =	vst v9;
	v58 =	vand.u32 $0xFFFFFE00, v15;
	v22 =	vand.u32 $0x7F, v16;
	v15 =	vld.idx.msk [tilespmem:v19+s23+$0x0], $0xffff;
	v19 =	vor.u32 v20, v55  }
0x294: {  	v21 =	vand.u32 $0x7F, v21;
	v20 =	vand.u32 $0xFFFFFE00, v17;
	v16 =	vld.idx.msk [tilespmem:v23+s23+$0x0], $0xffff;
	[tilespmem:s7+$0xFFFFFFD0] =	vst v12;
	v23 =	vor.u32 v22, v58  }
0x295: {  	v27 =	vand.u32 $0x7F, v27;
	v17 =	vshll.u32 v24, $0x2;
	[tilespmem:s7+$0xFFFFFFE0] =	vst v12;
	v61 =	vor.u32 v21, v20  }
0x296: {  	v24 =	vand.u32 $0x7F, v24;
	v22 =	vand.u32 $0xFFFFFE00, v17;
	v17 =	vld.idx.msk [tilespmem:v26+s23+$0x0], $0xffff;
	[tilespmem:s7+$0xFFFFFFF0] =	vst v12;
	v26 =	vmul.f32 v56, v1  }
0x297: {  	v28 =	vand.u32 $0xFFFFFE00, v59;
	v20 =	vshll.u32 v57, $0x2;
	v21 =	vor.u32 v24, v22;
	v62 =	vld.idx.msk [tilespmem:v18+s23+$0x0], $0xffff;
	[tilespmem:s14+$0xFFFFFE10] =	vst v9  }
0x298: {  	v22 =	vand.u32 $0xFFFFFE00, v20;
	v20 =	vor.u32 v27, v28;
	v24 =	vld.idx.msk [tilespmem:v19+s23+$0x0], $0xffff;
	[tilespmem:s14+$0xFFFFFE20] =	vst v9;
	v26 =	vadd.f32 v26, v2  }
0x299: {  	v22 =	vor.u32 v30, v22;
	v27 =	vld.idx.msk [tilespmem:v23+s23+$0x0], $0xffff;
	[tilespmem:s14+$0xFFFFFE30] =	vst v9  }
0x29a: {  	v63 =	vld.idx.msk [tilespmem:v61+s23+$0x0], $0xffff;
	[tilespmem:s14+$0xFFFFBE80] =	vst v26  }
0x29b: {  	[tilespmem:s14+$0xFFFFFE40] =	vst v9;
	v26 =	vld.idx.msk [tilespmem:v60+s23+$0x0], $0xffff  }
0x29c: {  	v41 =	vld.idx.msk [tilespmem:v21+s23+$0x0], $0xffff;
	[tilespmem:s14+$0xFFFFFE50] =	vst v9;
	v39 =	vmul.f32 v62, v1  }
0x29d: {  	v42 =	vor.u32 $0x80, v19;
	v43 =	vld.idx.msk [tilespmem:v20+s23+$0x0], $0xffff;
	[tilespmem:s14+$0xFFFFFE60] =	vst v9;
	v24 =	vmul.f32 v24, v1  }
0x29e: {  	v45 =	vld.idx.msk [tilespmem:v22+s23+$0x0], $0xffff;
	[tilespmem:s14+$0xFFFFFE70] =	vst v9;
	v27 =	vmul.f32 v27, v1;
	v29 =	vadd.f32 v39, v2  }
0x29f: {  	v40 =	vor.u32 $0x80, v18;
	[tilespmem:s14+$0xFFFFFF00] =	vst v10;
	v28 =	vmul.f32 v63, v1;
	v24 =	vadd.f32 v24, v2  }
0x2a0: {  	v46 =	vor.u32 $0x100, v25;
	v27 =	vadd.f32 v27, v2;
	[tilespmem:s14+$0xFFFFBE10] =	vst v29;
	v26 =	vmul.f32 v26, v3  }
0x2a1: {  	v28 =	vadd.f32 v28, v2;
	[tilespmem:s14+$0xFFFFBE20] =	vst v24;
	v24 =	vor.u32 $0x80, v61  }
0x2a2: {  	v32 =	vmul.f32 v41, v1;
	[tilespmem:s14+$0xFFFFBE30] =	vst v27;
	v27 =	vor.u32 $0x80, v21;
	v33 =	vld.idx.msk [tilespmem:v42+s23+$0x0], $0xffff;
	v26 =	vadd.f32 v26, v4  }
0x2a3: {  	v47 =	vor.u32 $0x80, v20;
	v34 =	vmul.f32 v43, v1;
	[tilespmem:s14+$0xFFFFBE40] =	vst v28  }
0x2a4: {  	v44 =	vor.u32 $0x80, v23;
	v32 =	vadd.f32 v32, v2;
	v30 =	vld.idx.msk [tilespmem:v40+s23+$0x0], $0xffff;
	[tilespmem:s14+$0xFFFFBF00] =	vst v26  }
0x2a5: {  	v48 =	vor.u32 $0x80, v22;
	v36 =	vmul.f32 v45, v1;
	[tilespmem:s14+$0xFFFFFE90] =	vst v10;
	v26 =	vadd.f32 v34, v2;
	v29 =	vld.idx.msk [tilespmem:v46+s23+$0x0], $0xffff  }
0x2a6: {  	[tilespmem:s14+$0xFFFFBE50] =	vst v32;
	v24 =	vld.idx.msk [tilespmem:v24+s23+$0x0], $0xffff  }
0x2a7: {  	v49 =	vadd.f32 v36, v2;
	[tilespmem:s14+$0xFFFFBE60] =	vst v26;
	v26 =	vld.idx.msk [tilespmem:v27+s23+$0x0], $0xffff;
	v27 =	vmul.f32 v33, v3  }
0x2a8: {  	[tilespmem:s14+$0xFFFFFEA0] =	vst v10;
	v50 =	vld.idx.msk [tilespmem:v47+s23+$0x0], $0xffff  }
0x2a9: {  	v35 =	vld.idx.msk [tilespmem:v44+s23+$0x0], $0xffff;
	[tilespmem:s14+$0xFFFFBE70] =	vst v49;
	v30 =	vmul.f32 v30, v3;
	v27 =	vadd.f32 v27, v4  }
0x2aa: {  	v54 =	vor.u32 $0x100, v19;
	[tilespmem:s14+$0xFFFFFEB0] =	vst v10;
	v28 =	vld.idx.msk [tilespmem:v48+s23+$0x0], $0xffff;
	v29 =	vmul.f32 v29, v5  }
0x2ab: {  	v30 =	vadd.f32 v30, v4;
	[tilespmem:s14+$0xFFFFBEA0] =	vst v27;
	v24 =	vmul.f32 v24, v3;
	v27 =	vor.u32 $0x100, v18  }
0x2ac: {  	v25 =	vor.u32 $0x180, v25;
	[tilespmem:s14+$0xFFFFFF80] =	vst v11;
	v26 =	vmul.f32 v26, v3;
	v29 =	vadd.f32 v29, v6  }
0x2ad: {  	[tilespmem:s14+$0xFFFFBE90] =	vst v30;
	v24 =	vadd.f32 v24, v4;
	v53 =	vmul.f32 v50, v3  }
0x2ae: {  	v26 =	vadd.f32 v26, v4;
	[tilespmem:s14+$0xFFFFBF80] =	vst v29  }
0x2af: {  	v55 =	vor.u32 $0x100, v61;
	v28 =	vmul.f32 v28, v3;
	[tilespmem:s14+$0xFFFFBEC0] =	vst v24;
	v24 =	vadd.f32 v53, v4;
	v29 =	vld.idx.msk [tilespmem:v54+s23+$0x0], $0xffff  }
0x2b0: {  	v51 =	vmul.f32 v35, v3;
	[tilespmem:s14+$0xFFFFBED0] =	vst v26;
	v26 =	vor.u32 $0x100, v23;
	v27 =	vld.idx.msk [tilespmem:v27+s23+$0x0], $0xffff  }
0x2b1: {  	v57 =	vor.u32 $0x100, v22;
	v25 =	vld.idx.msk [tilespmem:v25+s23+$0x0], $0xffff;
	[tilespmem:s14+$0xFFFFBEE0] =	vst v24;
	v24 =	vadd.f32 v28, v4  }
0x2b2: {  	v56 =	vor.u32 $0x100, v21;
	[tilespmem:s14+$0xFFFFFEC0] =	vst v10;
	v52 =	vadd.f32 v51, v4  }
0x2b3: {  	[tilespmem:s14+$0xFFFFBEF0] =	vst v24;
	v24 =	vor.u32 $0x100, v20  }
0x2b4: {  	[tilespmem:s14+$0xFFFFBEB0] =	vst v52;
	v28 =	vld.idx.msk [tilespmem:v55+s23+$0x0], $0xffff  }
0x2b5: {  	v60 =	vor.u32 $0x180, v19;
	[tilespmem:s14+$0xFFFFFEF0] =	vst v10;
	v19 =	vmul.f32 v29, v5;
	v27 =	vmul.f32 v27, v5;
	v26 =	vld.idx.msk [tilespmem:v26+s23+$0x0], $0xffff  }
0x2b6: {  	v58 =	vmul.f32 v13, v8;
	v13 =	vor.u32 $0x180, v61;
	[tilespmem:s14+$0xFFFFFED0] =	vst v10;
	v61 =	vld.idx.msk [tilespmem:v57+s23+$0x0], $0xffff;
	v25 =	vmul.f32 v25, v8  }
0x2b7: {  	v59 =	vor.u32 $0x180, v18;
	[tilespmem:s14+$0xFFFFFEE0] =	vst v10;
	v19 =	vadd.f32 v19, v6;
	v18 =	vadd.f32 v27, v6;
	v27 =	vld.idx.msk [tilespmem:v56+s23+$0x0], $0xffff  }
0x2b8: {  	v15 =	vmul.f32 v15, v8;
	[tilespmem:s14+$0xFFFFFF10] =	vst v11;
	v25 =	vadd.f32 v25, v7;
	v24 =	vld.idx.msk [tilespmem:v24+s23+$0x0], $0xffff  }
0x2b9: {  	v14 =	vmul.f32 v14, v8;
	v28 =	vmul.f32 v28, v5;
	[tilespmem:s14+$0xFFFFBF20] =	vst v19  }
0x2ba: {  	v23 =	vor.u32 $0x180, v23;
	v19 =	vadd.f32 v15, v7;
	[tilespmem:s14+$0xFFFFC000] =	vst v25;
	v25 =	vmul.f32 v26, v5  }
0x2bb: {  	v16 =	vmul.f32 v16, v8;
	v28 =	vadd.f32 v28, v6;
	[tilespmem:s14+$0xFFFFBF10] =	vst v18;
	v18 =	vadd.f32 v14, v7  }
0x2bc: {  	[tilespmem:s14+$0xFFFFFF20] =	vst v11;
	v14 =	vor.u32 $0x180, v21;
	v62 =	vadd.f32 v25, v6;
	v27 =	vmul.f32 v27, v5;
	v25 =	vld.idx.msk [tilespmem:v59+s23+$0x0], $0xffff  }
0x2bd: {  	[tilespmem:s14+$0xFFFFFF30] =	vst v11;
	v29 =	vmul.f32 v61, v5;
	v21 =	vadd.f32 v16, v7;
	v63 =	vmul.f32 v24, v5  }
0x2be: {  	v26 =	vmul.f32 v17, v8;
	v24 =	vld.idx.msk [tilespmem:v60+s23+$0x0], $0xffff;
	[tilespmem:s14+$0xFFFFBF30] =	vst v62;
	v27 =	vadd.f32 v27, v6  }
0x2bf: {  	v16 =	vor.u32 $0x180, v22;
	v17 =	vadd.f32 v58, v7;
	[tilespmem:s14+$0xFFFFBF40] =	vst v28;
	v22 =	vld.idx.msk [tilespmem:v23+s23+$0x0], $0xffff;
	v23 =	vadd.f32 v63, v6  }
0x2c0: {  	s9 =	simm.s32 $0x8;
	s6 =	simm.s32 $0x140;
	v15 =	vor.u32 $0x180, v20;
	v20 =	vadd.f32 v26, v7;
	v26 =	vadd.f32 v29, v6;
	[tilespmem:s14+$0xFFFFBF50] =	vst v27  }
.LBB2_25:
0x2c1: {  	v27 =	vld [tilespmem:s6+$0x30];
	s9 =	sadd.s32 $0x8, s9;
	v25 =	vmul.f32 v25, v8;
	[tilespmem:s14+$0xFFFFBF60] =	vst v23  }
0x2c2: {  	v23 =	vld [tilespmem:s6+$0xFFFFFFD0];
	p0 =	slt.u32 s9, $0xF8;
	[tilespmem:s14+$0xFFFFBF70] =	vst v26  }
0x2c3: {  	v24 =	vmul.f32 v24, v8;
	v26 =	vld [tilespmem:s6+$0xFFFFFFE0];
	v25 =	vadd.f32 v25, v7;
	[tilespmem:s14+$0xFFFFFF40] =	vst v11  }
0x2c4: {  	v28 =	vld [tilespmem:s6+$0xFFFFFFF0];
	[tilespmem:s14+$0xFFFFFF50] =	vst v11  }
0x2c5: {  	v24 =	vadd.f32 v24, v7;
	v32 =	vmul.f32 v22, v8;
	v29 =	vld [tilespmem:s6+$0x0];
	[tilespmem:s14+$0xFFFFFF60] =	vst v11  }
0x2c6: {  	v30 =	vld [tilespmem:s6+$0x10];
	v22 =	vshll.u32 v27, $0x2;
	[tilespmem:s14+$0xFFFFFF70] =	vst v11  }
0x2c7: {  	v27 =	vand.u32 $0x7F, v27;
	v31 =	vshll.u32 v23, $0x2;
	v33 =	vld [tilespmem:s6+$0x20];
	v22 =	vand.u32 $0xFFFFFE00, v22;
	[tilespmem:s14+$0xFFFFBF90] =	vst v25  }
0x2c8: {  	v25 =	vld [tilespmem:s6+$0xFFFFFFC0];
	v31 =	vand.u32 $0xFFFFFE00, v31;
	v34 =	vshll.u32 v26, $0x2;
	v22 =	vor.u32 v27, v22;
	[tilespmem:s14+$0xFFFFBFA0] =	vst v24  }
0x2c9: {  	v23 =	vand.u32 $0x7F, v23;
	v24 =	vand.u32 $0xFFFFFE00, v34;
	v27 =	vshll.u32 v28, $0x2;
	v34 =	vld.idx.msk [tilespmem:v13+s23+$0x0], $0xffff;
	[tilespmem:s7+$0xFFFFBFB0] =	vst v17  }
0x2ca: {  	v13 =	vand.u32 $0x7F, v26;
	v17 =	vand.u32 $0xFFFFFE00, v27;
	v26 =	vshll.u32 v29, $0x2;
	v35 =	vld.idx.msk [tilespmem:v14+s23+$0x0], $0xffff;
	[tilespmem:s7+$0xFFFFBFC0] =	vst v18  }
0x2cb: {  	v14 =	vand.u32 $0x7F, v28;
	v18 =	vand.u32 $0xFFFFFE00, v26;
	v26 =	vshll.u32 v30, $0x2;
	v36 =	vld.idx.msk [tilespmem:v15+s23+$0x0], $0xffff;
	[tilespmem:s7+$0xFFFFBFD0] =	vst v19  }
0x2cc: {  	v15 =	vand.u32 $0x7F, v29;
	v19 =	vand.u32 $0xFFFFFE00, v26;
	v26 =	vshll.u32 v33, $0x2;
	v37 =	vld.idx.msk [tilespmem:v16+s23+$0x0], $0xffff;
	[tilespmem:s7+$0xFFFFBFE0] =	vst v21  }
0x2cd: {  	v16 =	vand.u32 $0x7F, v25;
	v21 =	vshll.u32 v25, $0x2;
	v25 =	vand.u32 $0xFFFFFE00, v26;
	v26 =	vld.idx.msk [tilespmem:v22+s23+$0x0], $0xffff;
	[tilespmem:s7+$0xFFFFBFF0] =	vst v20;
	s7 =	smov.u32 s14  }
0x2ce: {  	v27 =	vand.u32 $0x7F, v33;
	v20 =	vand.u32 $0xFFFFFE00, v21;
	v21 =	vand.u32 $0x7F, v30;
	[tilespmem:s14+$0xFFFFFF90] =	vst v12  }
0x2cf: {  	v13 =	vor.u32 v13, v24;
	v16 =	vor.u32 v16, v20;
	v20 =	vor.u32 v23, v31;
	[tilespmem:s14+$0xFFFFFFA0] =	vst v12  }
0x2d0: {  	v14 =	vor.u32 v14, v17;
	v17 =	vor.u32 v15, v18;
	v18 =	vor.u32 v21, v19;
	[tilespmem:s14+$0xFFFFFFB0] =	vst v12  }
0x2d1: {  	v33 =	vor.u32 v27, v25;
	v19 =	vor.u32 $0x80, v16;
	v21 =	vor.u32 $0x80, v20;
	[tilespmem:s14+$0xFFFFFFC0] =	vst v12  }
0x2d2: {  	v38 =	vor.u32 $0x80, v13;
	v39 =	vor.u32 $0x80, v14;
	v40 =	vor.u32 $0x80, v17;
	[tilespmem:s14+$0xFFFFFFD0] =	vst v12  }
0x2d3: {  	v42 =	vor.u32 $0x80, v22;
	v41 =	vor.u32 $0x80, v18;
	v15 =	vmul.f32 v26, v1;
	[tilespmem:s14+$0xFFFFFFE0] =	vst v12  }
0x2d4: {  	v45 =	vor.u32 $0x80, v33;
	v44 =	vor.u32 $0x100, v16;
	v29 =	vor.u32 $0x100, v20;
	v43 =	vld.idx.msk [tilespmem:v16+s23+$0x0], $0xffff;
	[tilespmem:s14+$0xFFFFFFF0] =	vst v12  }
0x2d5: {  	v30 =	vor.u32 $0x100, v13;
	v27 =	vor.u32 $0x100, v14;
	v15 =	vadd.f32 v15, v2;
	s14 =	sadd.s32 $0x200, s14;
	v46 =	vld.idx.msk [tilespmem:v20+s23+$0x0], $0xffff;
	[tilespmem:s7+$0x0] =	vst v12  }
0x2d6: {  	v31 =	vor.u32 $0x100, v17;
	v28 =	vor.u32 $0x100, v18;
	v26 =	vor.u32 $0x100, v33;
	v47 =	vld.idx.msk [tilespmem:v13+s23+$0x0], $0xffff;
	[tilespmem:s14+$0xFFFFFE80] =	vst v9  }
0x2d7: {  	v23 =	vor.u32 $0x180, v13;
	v25 =	vor.u32 $0x180, v16;
	v24 =	vor.u32 $0x180, v20;
	v20 =	vld.idx.msk [tilespmem:v14+s23+$0x0], $0xffff;
	[tilespmem:s14+$0xFFFFBE80] =	vst v15  }
0x2d8: {  	v13 =	vor.u32 $0x180, v14;
	v14 =	vor.u32 $0x180, v17;
	v15 =	vor.u32 $0x180, v18;
	[tilespmem:s14+$0xFFFFFE10] =	vst v9;
	v42 =	vld.idx.msk [tilespmem:v42+s23+$0x0], $0xffff  }
0x2d9: {  	v34 =	vmul.f32 v34, v8;
	v35 =	vmul.f32 v35, v8;
	v16 =	vor.u32 $0x180, v33;
	[tilespmem:s14+$0xFFFFFE20] =	vst v9;
	v48 =	vld.idx.msk [tilespmem:v17+s23+$0x0], $0xffff  }
0x2da: {  	v36 =	vmul.f32 v36, v8;
	v17 =	vmul.f32 v43, v1;
	[tilespmem:s14+$0xFFFFFE30] =	vst v9;
	v43 =	vld.idx.msk [tilespmem:v18+s23+$0x0], $0xffff  }
0x2db: {  	v37 =	vmul.f32 v37, v8;
	v18 =	vmul.f32 v46, v1;
	[tilespmem:s14+$0xFFFFFE40] =	vst v9;
	v33 =	vld.idx.msk [tilespmem:v33+s23+$0x0], $0xffff  }
0x2dc: {  	v46 =	vadd.f32 v17, v2;
	v47 =	vmul.f32 v47, v1;
	v17 =	vadd.f32 v32, v7;
	[tilespmem:s14+$0xFFFFFE50] =	vst v9  }
0x2dd: {  	v32 =	vadd.f32 v18, v2;
	v20 =	vmul.f32 v20, v1;
	v18 =	vadd.f32 v34, v7;
	[tilespmem:s14+$0xFFFFFE60] =	vst v9  }
0x2de: {  	v34 =	vadd.f32 v47, v2;
	v42 =	vmul.f32 v42, v3;
	[tilespmem:s14+$0xFFFFBE10] =	vst v46;
	v46 =	vor.u32 $0x100, v22  }
0x2df: {  	v20 =	vadd.f32 v20, v2;
	v47 =	vld.idx.msk [tilespmem:v19+s23+$0x0], $0xffff;
	[tilespmem:s14+$0xFFFFBE20] =	vst v32;
	v19 =	vmul.f32 v48, v1  }
0x2e0: {  	v32 =	vld.idx.msk [tilespmem:v21+s23+$0x0], $0xffff;
	[tilespmem:s14+$0xFFFFBE30] =	vst v34;
	v21 =	vmul.f32 v43, v1;
	v34 =	vadd.f32 v42, v4  }
0x2e1: {  	v33 =	vmul.f32 v33, v1;
	v38 =	vld.idx.msk [tilespmem:v38+s23+$0x0], $0xffff;
	v42 =	vadd.f32 v19, v2;
	[tilespmem:s14+$0xFFFFFF00] =	vst v10  }
0x2e2: {  	v19 =	vadd.f32 v35, v7;
	v43 =	vadd.f32 v21, v2;
	[tilespmem:s14+$0xFFFFBF00] =	vst v34  }
0x2e3: {  	v33 =	vadd.f32 v33, v2;
	v21 =	vadd.f32 v36, v7;
	[tilespmem:s14+$0xFFFFBE40] =	vst v20;
	v34 =	vld.idx.msk [tilespmem:v46+s23+$0x0], $0xffff  }
0x2e4: {  	v20 =	vadd.f32 v37, v7;
	v35 =	vld.idx.msk [tilespmem:v39+s23+$0x0], $0xffff;
	[tilespmem:s14+$0xFFFFBE50] =	vst v42  }
0x2e5: {  	v36 =	vmul.f32 v47, v3;
	v37 =	vld.idx.msk [tilespmem:v40+s23+$0x0], $0xffff;
	[tilespmem:s14+$0xFFFFBE60] =	vst v43  }
0x2e6: {  	v32 =	vmul.f32 v32, v3;
	v39 =	vld.idx.msk [tilespmem:v41+s23+$0x0], $0xffff;
	[tilespmem:s14+$0xFFFFBE70] =	vst v33  }
0x2e7: {  	v33 =	vadd.f32 v36, v4;
	v36 =	vmul.f32 v38, v3;
	[tilespmem:s14+$0xFFFFFE70] =	vst v9  }
0x2e8: {  	v32 =	vadd.f32 v32, v4;
	[tilespmem:s14+$0xFFFFFE90] =	vst v10;
	v38 =	vld.idx.msk [tilespmem:v45+s23+$0x0], $0xffff  }
0x2e9: {  	v22 =	vor.u32 $0x180, v22;
	v34 =	vmul.f32 v34, v5;
	[tilespmem:s14+$0xFFFFBE90] =	vst v33;
	v33 =	vadd.f32 v36, v4  }
0x2ea: {  	v36 =	vld.idx.msk [tilespmem:v44+s23+$0x0], $0xffff;
	[tilespmem:s14+$0xFFFFBEA0] =	vst v32;
	v32 =	vmul.f32 v35, v3  }
0x2eb: {  	v34 =	vadd.f32 v34, v6;
	[tilespmem:s14+$0xFFFFBEB0] =	vst v33;
	v33 =	vmul.f32 v37, v3  }
0x2ec: {  	v35 =	vmul.f32 v39, v3;
	v32 =	vadd.f32 v32, v4;
	[tilespmem:s14+$0xFFFFFF80] =	vst v11  }
0x2ed: {  	v33 =	vadd.f32 v33, v4;
	[tilespmem:s14+$0xFFFFBF80] =	vst v34  }
0x2ee: {  	v34 =	vmul.f32 v38, v3;
	[tilespmem:s14+$0xFFFFBEC0] =	vst v32;
	v32 =	vadd.f32 v35, v4;
	v22 =	vld.idx.msk [tilespmem:v22+s23+$0x0], $0xffff  }
0x2ef: {  	[tilespmem:s14+$0xFFFFBED0] =	vst v33  }
0x2f0: {  	v33 =	vmul.f32 v36, v5;
	[tilespmem:s14+$0xFFFFBEE0] =	vst v32;
	v32 =	vadd.f32 v34, v4  }
0x2f1: {  	[tilespmem:s14+$0xFFFFFEA0] =	vst v10  }
0x2f2: {  	v33 =	vadd.f32 v33, v6;
	v29 =	vld.idx.msk [tilespmem:v29+s23+$0x0], $0xffff;
	[tilespmem:s14+$0xFFFFBEF0] =	vst v32  }
0x2f3: {  	[tilespmem:s14+$0xFFFFFEB0] =	vst v10  }
0x2f4: {  	v22 =	vmul.f32 v22, v8;
	v30 =	vld.idx.msk [tilespmem:v30+s23+$0x0], $0xffff;
	[tilespmem:s14+$0xFFFFFEC0] =	vst v10  }
0x2f5: {  	v27 =	vld.idx.msk [tilespmem:v27+s23+$0x0], $0xffff;
	[tilespmem:s14+$0xFFFFFED0] =	vst v10  }
0x2f6: {  	v22 =	vadd.f32 v22, v7;
	v31 =	vld.idx.msk [tilespmem:v31+s23+$0x0], $0xffff;
	[tilespmem:s14+$0xFFFFFEE0] =	vst v10  }
0x2f7: {  	v28 =	vld.idx.msk [tilespmem:v28+s23+$0x0], $0xffff;
	[tilespmem:s14+$0xFFFFFEF0] =	vst v10  }
0x2f8: {  	v29 =	vmul.f32 v29, v5;
	v26 =	vld.idx.msk [tilespmem:v26+s23+$0x0], $0xffff;
	[tilespmem:s14+$0xFFFFC000] =	vst v22  }
0x2f9: {  	[tilespmem:s14+$0xFFFFBF10] =	vst v33  }
0x2fa: {  	v22 =	vadd.f32 v29, v6;
	v29 =	vmul.f32 v30, v5;
	[tilespmem:s14+$0xFFFFFF10] =	vst v11  }
0x2fb: {  	v27 =	vmul.f32 v27, v5;
	v25 =	vld.idx.msk [tilespmem:v25+s23+$0x0], $0xffff;
	[tilespmem:s14+$0xFFFFFF20] =	vst v11  }
.Ltmp11:
0x2fc: {  	[tilespmem:s14+$0xFFFFBF20] =	vst v22;
	v22 =	vadd.f32 v29, v6;
	v29 =	vmul.f32 v31, v5;
	(pc) =	sbr.rel @p0 .LBB2_25-.Ltmp11, $4  }
0x2fd: {  	v27 =	vadd.f32 v27, v6;
	v28 =	vmul.f32 v28, v5;
	v24 =	vld.idx.msk [tilespmem:v24+s23+$0x0], $0xffff;
	[tilespmem:s14+$0xFFFFFF30] =	vst v11  }
0x2fe: {  	v26 =	vmul.f32 v26, v5;
	[tilespmem:s14+$0xFFFFBF30] =	vst v22;
	v29 =	vadd.f32 v29, v6  }
0x2ff: {  	v22 =	vld.idx.msk [tilespmem:v23+s23+$0x0], $0xffff;
	[tilespmem:s14+$0xFFFFBF40] =	vst v27;
	v23 =	vadd.f32 v28, v6  }
0x300: {  	s6 =	sadd.s32 $0x80, s6;
	v26 =	vadd.f32 v26, v6;
	[tilespmem:s14+$0xFFFFBF50] =	vst v29  }
0x301: {  	[tilespmem:s14+$0xFFFFBF60] =	vst v23  }
0x302: {  	[tilespmem:s14+$0xFFFFFF40] =	vst v11  }
0x303: {  	[tilespmem:s14+$0xFFFFFF50] =	vst v11  }
0x304: {  	[tilespmem:s14+$0xFFFFFF60] =	vst v11  }
0x305: {  	[tilespmem:s14+$0xFFFFFF70] =	vst v11  }
0x306: {  	[tilespmem:s7+$0xFFFFBFB0] =	vst v17  }
0x307: {  	[tilespmem:s7+$0xFFFFBFC0] =	vst v18  }
0x308: {  	[tilespmem:s7+$0xFFFFBFD0] =	vst v19  }
0x309: {  	[tilespmem:s7+$0xFFFFBFE0] =	vst v21  }
0x30a: {  	[tilespmem:s7+$0xFFFFBFF0] =	vst v20  }
0x30b: {  	v1 =	vmul.f32 v25, v8;
	[tilespmem:s14+$0xFFFFFF90] =	vst v12  }
0x30c: {  	[tilespmem:s14+$0xFFFFFFA0] =	vst v12;
	v2 =	vmul.f32 v24, v8  }
0x30d: {  	[tilespmem:s14+$0xFFFFFFB0] =	vst v12;
	v1 =	vadd.f32 v1, v7  }
0x30e: {  	[tilespmem:s14+$0xFFFFBF70] =	vst v26;
	v3 =	vld.idx.msk [tilespmem:v15+s23+$0x0], $0xffff;
	v2 =	vadd.f32 v2, v7  }
0x30f: {  	[tilespmem:s14+$0xFFFFBF90] =	vst v1;
	v1 =	vld.idx.msk [tilespmem:v13+s23+$0x0], $0xffff  }
0x310: {  	[tilespmem:s14+$0xFFFFBFA0] =	vst v2;
	v2 =	vld.idx.msk [tilespmem:v14+s23+$0x0], $0xffff  }
0x311: {  	[tilespmem:s14+$0x0] =	vst v12;
	v4 =	vld.idx.msk [tilespmem:v16+s23+$0x0], $0xffff  }
0x312: {  	[tilespmem:s14+$0xFFFFFFE0] =	vst v12;
	v5 =	vmul.f32 v22, v8  }
0x313: {  	[tilespmem:s14+$0xFFFFFFF0] =	vst v12;
	v3 =	vmul.f32 v3, v8  }
0x314: {  	[tilespmem:s14+$0xFFFFFFC0] =	vst v12;
	v5 =	vadd.f32 v5, v7;
	v1 =	vmul.f32 v1, v8  }
0x315: {  	[tilespmem:s14+$0xFFFFFFD0] =	vst v12;
	v3 =	vadd.f32 v3, v7;
	v2 =	vmul.f32 v2, v8  }
0x316: {  	v4 =	vmul.f32 v4, v8;
	[tilespmem:s14+$0xFFFFBFB0] =	vst v5;
	v1 =	vadd.f32 v1, v7  }
0x317: {  	s11 =	sadd.s32 $0x1, s11;
	[tilespmem:s14+$0xFFFFBFE0] =	vst v3;
	v2 =	vadd.f32 v2, v7  }
0x318: {  	p0 =	sne.s32 s11, $0x10;
	[tilespmem:s14+$0xFFFFBFC0] =	vst v1;
	v1 =	vadd.f32 v4, v7  }
.Ltmp12:
0x319: {  	[tilespmem:s14+$0xFFFFBFD0] =	vst v2;
	(pc) =	sbr.rel @p0 .LBB2_6-.Ltmp12, $4  }
0x31a: {  	[tilespmem:s14+$0xFFFFBFF0] =	vst v1  }
0x31b: {  	s0 =	rddreg [dreg:$0xb]  }
0x31c: {  	s1 =	simm.s32 $0x11A00;
	s0 =	sadd.s32 s17, s0  }
0x31d: {  	[hbm4b:s0+s19] =	stream.strided.scatter [tilespmem:s1], [sflag:$0x6], $0x8000, s20, s19, $0x38;
	[tilespmem:$0x19A00] =	vst v63  }
0x31e: {  	s0 =	simm.s32 $0x5  }
0x31f: {  	_ =	swait.ge [sflag:s0], $0x8000  }
0x320: {  	[sflag:s0] =	ssyncset.done $0x0  }
0x321: {  	s1 =	simm.s32 $0x6;
	[sflag:s0] =	ssyncadd.s32 $0xFFFF8000  }
0x322: {  	_ =	swait.ge [sflag:s1], $0x8000  }
0x323: {  	s2 =	rddreg [dreg:$0xe]  }
0x324: {  	s22 =	rddreg [dreg:$0xc];
	s2 =	sadd.s32 $0x1, s2  }
0x325: {  	p0 =	sne.s32 s2, s22  }
.Ltmp13:
0x326: {  	_ = 	snop;
	(pc) =	sbr.rel @p0 .LBB2_1-.Ltmp13, $3  }
0x327: {  	_ =	sdelay $0x1  }
0x328: {  	[sflag:s1] =	ssyncset.done $0x0  }
0x329: {  	[sflag:s1] =	ssyncadd.s32 $0xFFFF8000  }
0x32a: {  	_ =	sfence.sel $0x180000  }
0x32b: {  	[bflag:$0x0] =	sbarrier.arrive $0xFFFF  }
0x32c: {  	_ =	strace $0x90000047  }
0x32d: {  	s0 =	stileid.u32;
	[bflag:$0x2] =	sbarrier.arrive $0xFFFF  }
0x32e: {  	p0 =	sne.s32 s0, $0x0;
	s0 =	rddreg [dreg:$0x6]  }
0x32f: {  	s0 =	sadd.s32 @!p0 $0x100000, s0  }
0x330: {  	[sflag:s0] =	ssyncadd.tile.s32 @!p0 $0x1;
	_ =	shalt  }
.Lfunc_end2:
_tile_overlayer_lowered:
.L_overlay_start_2:
0x331: {  	(tag) =	ssettag $0x2  }
0x332: {  	s0 =	rddreg [dreg:$0x0];
	s2 =	stileid.u32  }
0x333: {  	s1 =	rddreg [dreg:$0x1];
	p0 =	sne.s32 s2, $0x0  }
0x334: {  	s3 =	rddreg [dreg:$0x2];
	[bflag:$0x3] =	sbarrier.arrive $0xFFFF;
	s2 =	simm.s32 @!p0 $0x1C07  }
0x335: {  	[timem:s3], [sflag:s2] =	dma.local @!p0 [hbm:s0], s1  }
0x336: {  	s0 =	simm.s32 @!p0 $0x7  }
0x337: {  	_ =	swait.ge @!p0 [sflag:s0], s1  }
0x338: {  	s1 =	ssub.s32 @!p0 $0x0, s1;
	[sflag:s0] =	ssyncset.done @!p0 $0x0  }
0x339: {  	[sflag:s0] =	ssyncadd.s32 @!p0 s1  }
0x33a: {  	[bflag:$0x3] =	sbarrier.arrive $0xFFFF  }
0x33b: {  	_ =	shalt  }

</sc_bundles>
